<compile_context>
chip_gen: v7x
topology: tpu7x:2x2x1
jax: 0.10.2.dev20260603
libtpu: 0.0.44.dev20260713+nightly
codegen_flags: <defaults>
</compile_context>

<pallas_src>
import functools

import jax
import jax.numpy as jnp
from jax import lax
from jax.experimental import pallas as pl
from jax.experimental.pallas import tpu as pltpu
from jax.experimental.pallas import tpu_sc as plsc

N = 10000
E = 160000
D_IN = 256
D_H = 512

NPAD = 10240
EPAD = 163840
B = 128
NBLK = EPAD // (16 * B)
GRP = 40
ROWS_PER_TILE = NPAD // 16

_mesh = plsc.VectorSubcoreMesh(core_axis_name="c", subcore_axis_name="s")


def _sc_agg_body(nch_per_core, with_deg, table_hbm, src_hbm, dst_hbm,
                 zeros_hbm, ones_hbm, agg_out, deg_out,
                 sidx_s, didx_s, rowsA, rowsB, agg_sh,
                 semGA, semGB, semSA, semSB):
    cid = lax.axis_index("c")
    sid = lax.axis_index("s")
    row0 = sid * ROWS_PER_TILE

    def zero_table():
        pltpu.sync_copy(zeros_hbm, rowsA)
        for k in range(ROWS_PER_TILE // B):
            pltpu.async_copy(rowsA, agg_sh.at[pl.ds(row0 + k * B, B)], semSA)
        for k in range(ROWS_PER_TILE // B):
            pltpu.make_async_copy(zeros_hbm, rowsA, semSA).wait()

    def copy_out(dst_ref, base):
        bufs = (rowsA, rowsB)
        sems = (semSA, semSB)
        n = ROWS_PER_TILE // B
        for k in range(n):
            p = k % 2
            if k >= 2:
                pltpu.make_async_copy(zeros_hbm, bufs[p], sems[p]).wait()
            pltpu.sync_copy(agg_sh.at[pl.ds(row0 + k * B, B)], bufs[p])
            pltpu.async_copy(bufs[p], dst_ref.at[pl.ds(base + row0 + k * B, B)],
                             sems[p])
        pltpu.make_async_copy(zeros_hbm, bufs[(n - 1) % 2], sems[(n - 1) % 2]).wait()
        pltpu.make_async_copy(zeros_hbm, bufs[n % 2], sems[n % 2]).wait()

    for p in range(nch_per_core):
        chunk = cid * nch_per_core + p
        zero_table()
        plsc.subcore_barrier()

        @pl.loop(0, NBLK // GRP)
        def _(g):
            base = sid * NBLK + g * GRP
            pltpu.sync_copy(src_hbm.at[pl.ds(chunk * (EPAD // B) + base, GRP)],
                            sidx_s)
            pltpu.sync_copy(dst_hbm.at[pl.ds(base, GRP)], didx_s)
            pltpu.async_copy(table_hbm.at[sidx_s.at[0]], rowsA, semGA)
            pltpu.async_copy(table_hbm.at[sidx_s.at[1]], rowsB, semGB)

            @pl.loop(0, GRP // 2)
            def _(t):
                j0 = 2 * t
                pltpu.make_async_copy(zeros_hbm, rowsA, semGA).wait()
                pltpu.sync_copy(rowsA, agg_sh.at[didx_s.at[j0]], add=True)
                pltpu.async_copy(
                    table_hbm.at[sidx_s.at[jnp.minimum(j0 + 2, GRP - 1)]],
                    rowsA, semGA)
                pltpu.make_async_copy(zeros_hbm, rowsB, semGB).wait()
                pltpu.sync_copy(rowsB, agg_sh.at[didx_s.at[j0 + 1]], add=True)
                pltpu.async_copy(
                    table_hbm.at[sidx_s.at[jnp.minimum(j0 + 3, GRP - 1)]],
                    rowsB, semGB)

            pltpu.make_async_copy(zeros_hbm, rowsA, semGA).wait()
            pltpu.make_async_copy(zeros_hbm, rowsB, semGB).wait()

        plsc.subcore_barrier()
        copy_out(agg_out, chunk * NPAD)

    if with_deg:
        zero_table()
        pltpu.sync_copy(ones_hbm, rowsB)
        plsc.subcore_barrier()
        lo = cid * (NBLK // 2)

        pltpu.sync_copy(dst_hbm.at[pl.ds(sid * NBLK + lo, NBLK // 2)],
                        didx_s.at[pl.ds(0, NBLK // 2)])
        for g in range(NBLK // 2 // 8):
            for jj in range(8):
                pltpu.async_copy(rowsB, agg_sh.at[didx_s.at[g * 8 + jj]],
                                 semSA, add=True)
            for jj in range(8):
                pltpu.make_async_copy(zeros_hbm, rowsA, semSA).wait()

        plsc.subcore_barrier()
        copy_out(deg_out, cid * NPAD)


def _make_sc_agg1():
    scratch = [
        pltpu.VMEM((GRP, B), jnp.int32),
        pltpu.VMEM((GRP, B), jnp.int32),
        pltpu.VMEM((B, 128), jnp.float32),
        pltpu.VMEM((B, 128), jnp.float32),
        pltpu.VMEM_SHARED((NPAD, 128), jnp.float32),
        pltpu.SemaphoreType.DMA,
        pltpu.SemaphoreType.DMA,
        pltpu.SemaphoreType.DMA,
        pltpu.SemaphoreType.DMA,
    ]
    out_t = [jax.ShapeDtypeStruct((2 * NPAD, 128), jnp.float32),
             jax.ShapeDtypeStruct((2 * NPAD, 128), jnp.float32)]

    @functools.partial(pl.kernel, mesh=_mesh, out_type=out_t, scratch_types=scratch)
    def sc_agg1(table, src, dst, zeros, ones, agg_out, deg_out,
                sidx_s, didx_s, rowsA, rowsB, agg_sh, semGA, semGB, semSA,
                semSB):
        _sc_agg_body(1, True, table, src, dst, zeros, ones, agg_out, deg_out,
                     sidx_s, didx_s, rowsA, rowsB, agg_sh, semGA, semGB,
                     semSA, semSB)

    return sc_agg1


def _make_sc_agg2():
    scratch = [
        pltpu.VMEM((GRP, B), jnp.int32),
        pltpu.VMEM((GRP, B), jnp.int32),
        pltpu.VMEM((B, 128), jnp.float32),
        pltpu.VMEM((B, 128), jnp.float32),
        pltpu.VMEM_SHARED((NPAD, 128), jnp.float32),
        pltpu.SemaphoreType.DMA,
        pltpu.SemaphoreType.DMA,
        pltpu.SemaphoreType.DMA,
        pltpu.SemaphoreType.DMA,
    ]
    out_t = jax.ShapeDtypeStruct((4 * NPAD, 128), jnp.float32)

    @functools.partial(pl.kernel, mesh=_mesh, out_type=out_t, scratch_types=scratch)
    def sc_agg2(table, src, dst, zeros, agg_out, sidx_s, didx_s, rowsA, rowsB,
                agg_sh, semGA, semGB, semSA, semSB):
        _sc_agg_body(2, False, table, src, dst, zeros, None, agg_out, None,
                     sidx_s, didx_s, rowsA, rowsB, agg_sh, semGA, semGB,
                     semSA, semSB)

    return sc_agg2


_sc_agg1 = _make_sc_agg1()
_sc_agg2 = _make_sc_agg2()

RB = 1024


def _self1_body(x_ref, w_ref, b_ref, out_ref):
    out_ref[...] = jnp.dot(x_ref[...], w_ref[...],
                           preferred_element_type=jnp.float32) + b_ref[...]


def _rest1_body(z_ref, agg_ref, degp_ref, wn_ref, out_ref):
    deg = degp_ref[0][:, 0:1] + degp_ref[1][:, 0:1]
    invd = 1.0 / jnp.maximum(deg, 1.0)
    mean = jnp.concatenate([agg_ref[0], agg_ref[1]], axis=1) * invd
    h = jnp.maximum(
        z_ref[...] + jnp.dot(mean, wn_ref[...],
                             preferred_element_type=jnp.float32), 0.0)
    for j in range(4):
        out_ref[j] = h[:, j * 128:(j + 1) * 128]


def _self2_body(h_ref, w_ref, b_ref, out_ref):
    hb = jnp.concatenate([h_ref[j] for j in range(4)], axis=1)
    out_ref[...] = jnp.dot(hb, w_ref[...],
                           preferred_element_type=jnp.float32) + b_ref[...]


def _rest2_body(z_ref, agg_ref, degp_ref, wn_ref, out_ref):
    deg = degp_ref[0][:, 0:1] + degp_ref[1][:, 0:1]
    invd = 1.0 / jnp.maximum(deg, 1.0)
    mean = jnp.concatenate([agg_ref[j] for j in range(4)], axis=1) * invd
    out_ref[...] = z_ref[...] + jnp.dot(mean, wn_ref[...],
                                        preferred_element_type=jnp.float32)


def _row_spec(w):
    return pl.BlockSpec((RB, w), lambda i: (i, 0))


def _chunk_spec(c):
    return pl.BlockSpec((c, RB, 128), lambda i: (0, i, 0))


def _full_spec(r, c):
    return pl.BlockSpec((r, c), lambda i: (0, 0))


def _tc_self1(xpad, W1_self, b1):
    return pl.pallas_call(
        _self1_body, grid=(NPAD // RB,),
        in_specs=[_row_spec(D_IN), _full_spec(D_IN, D_H), _full_spec(1, D_H)],
        out_specs=_row_spec(D_H),
        out_shape=jax.ShapeDtypeStruct((NPAD, D_H), jnp.float32),
    )(xpad, W1_self, b1)


def _tc_rest1(z1, agg1, degp, W1_neigh):
    return pl.pallas_call(
        _rest1_body, grid=(NPAD // RB,),
        in_specs=[_row_spec(D_H), _chunk_spec(2), _chunk_spec(2),
                  _full_spec(D_IN, D_H)],
        out_specs=_chunk_spec(4),
        out_shape=jax.ShapeDtypeStruct((4, NPAD, 128), jnp.float32),
    )(z1, agg1, degp, W1_neigh)


def _tc_self2(h4, W2_self, b2):
    return pl.pallas_call(
        _self2_body, grid=(NPAD // RB,),
        in_specs=[_chunk_spec(4), _full_spec(D_H, D_H), _full_spec(1, D_H)],
        out_specs=_row_spec(D_H),
        out_shape=jax.ShapeDtypeStruct((NPAD, D_H), jnp.float32),
    )(h4, W2_self, b2)


RB2 = 1000


def _tc_rest2(z2, agg2, degp, W2_neigh):
    return pl.pallas_call(
        _rest2_body, grid=(N // RB2,),
        in_specs=[pl.BlockSpec((RB2, D_H), lambda i: (i, 0)),
                  pl.BlockSpec((4, RB2, 128), lambda i: (0, i, 0)),
                  pl.BlockSpec((2, RB2, 128), lambda i: (0, i, 0)),
                  _full_spec(D_H, D_H)],
        out_specs=pl.BlockSpec((RB2, D_H), lambda i: (i, 0)),
        out_shape=jax.ShapeDtypeStruct((N, D_H), jnp.float32),
    )(z2, agg2, degp, W2_neigh)


def kernel(in_feat, edge_index, W1_self, W1_neigh, b1, W2_self, W2_neigh, b2):
    src = edge_index[0].astype(jnp.int32)
    dst = edge_index[1].astype(jnp.int32)
    pad_e = EPAD - E
    srcp = jnp.concatenate([src, jnp.zeros((pad_e,), jnp.int32)])
    dstp = jnp.concatenate([dst, jnp.full((pad_e,), NPAD - 1, jnp.int32)])
    src1 = jnp.concatenate([srcp, srcp + NPAD]).reshape(2 * EPAD // B, B)
    src2 = jnp.concatenate([srcp + c * NPAD for c in range(4)]).reshape(4 * EPAD // B, B)
    dst2d = dstp.reshape(EPAD // B, B)

    xpad = jnp.pad(in_feat, ((0, NPAD - N), (0, 0)))
    x2 = xpad.reshape(NPAD, 2, 128).transpose(1, 0, 2).reshape(2 * NPAD, 128)
    zeros = jnp.zeros((B, 128), jnp.float32)
    ones = jnp.ones((B, 128), jnp.float32)

    agg1, degp = _sc_agg1(x2, src1, dst2d, zeros, ones)
    z1 = _tc_self1(xpad, W1_self, b1.reshape(1, D_H))
    h4 = _tc_rest1(z1, agg1.reshape(2, NPAD, 128), degp.reshape(2, NPAD, 128),
                   W1_neigh)
    agg2 = _sc_agg2(h4.reshape(4 * NPAD, 128), src2, dst2d, zeros)
    z2 = _tc_self2(h4, W2_self, b2.reshape(1, D_H))
    return _tc_rest2(z2, agg2.reshape(4, NPAD, 128),
                     degp.reshape(2, NPAD, 128), W2_neigh)

# --- scband reference (transcript-rebuilt; emitter-appended) ---
"""Pipeline reference for scband-graph-sage-481036337298 (READ-ONLY COPY).

The authoritative reference and input builder live on the scoring server;
editing this copy changes nothing except your own understanding.
"""

import jax, jax.numpy as jnp
import numpy as np

N = 10000
E = 160000
D_IN = 256
D_H = 512


def setup_inputs(seed: int = 0) -> dict:
    key = jax.random.key(seed)
    ks = jax.random.split(key, 8)
    x = jax.random.normal(ks[0], (N, D_IN), dtype=jnp.float32)
    edge_index = jax.random.randint(ks[1], (2, E), 0, N, dtype=jnp.int64)
    s1 = 1.0 / np.sqrt(D_IN)
    s2 = 1.0 / np.sqrt(D_H)
    W1_self = jax.random.uniform(ks[2], (D_IN, D_H), dtype=jnp.float32, minval=-s1, maxval=s1)
    W1_neigh = jax.random.uniform(ks[3], (D_IN, D_H), dtype=jnp.float32, minval=-s1, maxval=s1)
    b1 = jnp.zeros((D_H,), dtype=jnp.float32)
    W2_self = jax.random.uniform(ks[4], (D_H, D_H), dtype=jnp.float32, minval=-s2, maxval=s2)
    W2_neigh = jax.random.uniform(ks[5], (D_H, D_H), dtype=jnp.float32, minval=-s2, maxval=s2)
    b2 = jnp.zeros((D_H,), dtype=jnp.float32)
    return {"in_feat": x, "edge_index": edge_index, "W1_self": W1_self, "W1_neigh": W1_neigh, "b1": b1, "W2_self": W2_self, "W2_neigh": W2_neigh, "b2": b2}


def _sage_conv(x, edge_index, W_self, W_neigh, b):
    # DGL SAGEConv with 'mean' aggregator:
    # h_neigh = mean over in-neighbors of src features; rst = fc_self(h) + fc_neigh(h_neigh) + bias
    src = edge_index[0]
    dst = edge_index[1]
    msg = jnp.take(x, src, axis=0)
    agg = jax.ops.segment_sum(msg, dst, num_segments=N)
    deg = jax.ops.segment_sum(jnp.ones((msg.shape[0],), dtype=x.dtype), dst, num_segments=N)
    mean_neigh = agg / jnp.clip(deg, 1.0, None)[:, None]
    return x @ W_self + mean_neigh @ W_neigh + b


def reference(in_feat, edge_index, W1_self, W1_neigh, b1, W2_self, W2_neigh, b2):
    h = _sage_conv(in_feat, edge_index, W1_self, W1_neigh, b1)
    h = jax.nn.relu(h)
    h = _sage_conv(h, edge_index, W2_self, W2_neigh, b2)
    return h

if __name__ == "__main__":
    import jax
    _d = setup_inputs()
    print(jax.jit(kernel)(*tuple(_d.values())))

</pallas_src>

<mosaic_0001>
#map = affine_map<(d0, d1) -> (0, 0)>
module attributes {stable_mosaic.version = 14 : i64} {
  func.func @sc_agg1(%arg0: i32, %arg1: i32, %arg2: memref<20480x128xf32, #tpu.memory_space<hbm>>, %arg3: memref<2560x128xi32, #tpu.memory_space<hbm>>, %arg4: memref<1280x128xi32, #tpu.memory_space<hbm>>, %arg5: memref<128x128xf32, #tpu.memory_space<hbm>>, %arg6: memref<128x128xf32, #tpu.memory_space<hbm>>, %arg7: memref<20480x128xf32, #tpu.memory_space<hbm>>, %arg8: memref<20480x128xf32, #tpu.memory_space<hbm>>, %arg9: memref<40x128xi32, #tpu.memory_space<vmem>>, %arg10: memref<40x128xi32, #tpu.memory_space<vmem>>, %arg11: memref<128x128xf32, #tpu.memory_space<vmem>>, %arg12: memref<128x128xf32, #tpu.memory_space<vmem>>, %arg13: memref<10240x128xf32, #tpu.memory_space<vmem_shared>>, %arg14: memref<!tpu.dma_semaphore, #tpu.memory_space<semaphore_mem>>, %arg15: memref<!tpu.dma_semaphore, #tpu.memory_space<semaphore_mem>>, %arg16: memref<!tpu.dma_semaphore, #tpu.memory_space<semaphore_mem>>, %arg17: memref<!tpu.dma_semaphore, #tpu.memory_space<semaphore_mem>>) attributes {dimension_semantics = [#tpu.dimension_semantics<core_parallel>, #tpu.dimension_semantics<subcore_parallel>], iteration_bounds = array<i64: 2, 16>, scalar_prefetch = 0 : i64, scratch_operands = 9 : i64, tpu.core_type = #tpu.core_type<sc_vector_subcore>, window_params = [{transform_indices = #map}, {transform_indices = #map}, {transform_indices = #map}, {transform_indices = #map}, {transform_indices = #map}, {transform_indices = #map}, {transform_indices = #map}]} {
    %mul3A = arith.constant 640 : i32
    %mul3A_0 = arith.muli %arg1, %mul3A : i32
    %mul3A_1 = arith.constant 1 : i32
    %mul3A_2 = arith.muli %arg0, %mul3A_1 : i32
    %add3A = arith.constant 0 : i32
    %add3A_3 = arith.addi %mul3A_2, %add3A : i32
    "tpu.region"() ({
      %run_scoped3A = tpu.sem_alloc : memref<!tpu.dma_semaphore, #tpu.memory_space<semaphore_mem>>
      tpu.enqueue_dma source(%arg5 : memref<128x128xf32, #tpu.memory_space<hbm>>) target(%arg11 : memref<128x128xf32, #tpu.memory_space<vmem>>) target_semaphore(%run_scoped3A : memref<!tpu.dma_semaphore, #tpu.memory_space<semaphore_mem>>)
      tpu.wait_dma2 semaphore(%run_scoped3A : memref<!tpu.dma_semaphore, #tpu.memory_space<semaphore_mem>>) src(%arg5 : memref<128x128xf32, #tpu.memory_space<hbm>>) dst(%arg11 : memref<128x128xf32, #tpu.memory_space<vmem>>)
      tpu.yield
    }) : () -> ()
    %add3A_4 = arith.constant 0 : i32
    %add3A_5 = arith.addi %mul3A_0, %add3A_4 : i32
    %dma_start3A = arith.constant 0 : i32
    %dma_start3A_6 = tpu.memref_slice %arg13[%add3A_5, %dma_start3A] : memref<10240x128xf32, #tpu.memory_space<vmem_shared>> -> memref<128x128xf32, #tpu.memory_space<vmem_shared>>
    %dma_start3A_7 = arith.constant 0 : i32
    %dma_start3A_8 = tpu.memref_slice %arg13[%add3A_5, %dma_start3A_7] : memref<10240x128xf32, #tpu.memory_space<vmem_shared>> -> memref<128x128xf32, #tpu.memory_space<vmem_shared>>
    tpu.enqueue_dma source(%arg11 : memref<128x128xf32, #tpu.memory_space<vmem>>) target(%dma_start3A_8 : memref<128x128xf32, #tpu.memory_space<vmem_shared>>) target_semaphore(%arg16 : memref<!tpu.dma_semaphore, #tpu.memory_space<semaphore_mem>>)
    %add3A_9 = arith.constant 128 : i32
    %add3A_10 = arith.addi %mul3A_0, %add3A_9 : i32
    %dma_start3A_11 = arith.constant 0 : i32
    %dma_start3A_12 = tpu.memref_slice %arg13[%add3A_10, %dma_start3A_11] : memref<10240x128xf32, #tpu.memory_space<vmem_shared>> -> memref<128x128xf32, #tpu.memory_space<vmem_shared>>
    %dma_start3A_13 = arith.constant 0 : i32
    %dma_start3A_14 = tpu.memref_slice %arg13[%add3A_10, %dma_start3A_13] : memref<10240x128xf32, #tpu.memory_space<vmem_shared>> -> memref<128x128xf32, #tpu.memory_space<vmem_shared>>
    tpu.enqueue_dma source(%arg11 : memref<128x128xf32, #tpu.memory_space<vmem>>) target(%dma_start3A_14 : memref<128x128xf32, #tpu.memory_space<vmem_shared>>) target_semaphore(%arg16 : memref<!tpu.dma_semaphore, #tpu.memory_space<semaphore_mem>>)
    %add3A_15 = arith.constant 256 : i32
    %add3A_16 = arith.addi %mul3A_0, %add3A_15 : i32
    %dma_start3A_17 = arith.constant 0 : i32
    %dma_start3A_18 = tpu.memref_slice %arg13[%add3A_16, %dma_start3A_17] : memref<10240x128xf32, #tpu.memory_space<vmem_shared>> -> memref<128x128xf32, #tpu.memory_space<vmem_shared>>
    %dma_start3A_19 = arith.constant 0 : i32
    %dma_start3A_20 = tpu.memref_slice %arg13[%add3A_16, %dma_start3A_19] : memref<10240x128xf32, #tpu.memory_space<vmem_shared>> -> memref<128x128xf32, #tpu.memory_space<vmem_shared>>
    tpu.enqueue_dma source(%arg11 : memref<128x128xf32, #tpu.memory_space<vmem>>) target(%dma_start3A_20 : memref<128x128xf32, #tpu.memory_space<vmem_shared>>) target_semaphore(%arg16 : memref<!tpu.dma_semaphore, #tpu.memory_space<semaphore_mem>>)
    %add3A_21 = arith.constant 384 : i32
    %add3A_22 = arith.addi %mul3A_0, %add3A_21 : i32
    %dma_start3A_23 = arith.constant 0 : i32
    %dma_start3A_24 = tpu.memref_slice %arg13[%add3A_22, %dma_start3A_23] : memref<10240x128xf32, #tpu.memory_space<vmem_shared>> -> memref<128x128xf32, #tpu.memory_space<vmem_shared>>
    %dma_start3A_25 = arith.constant 0 : i32
    %dma_start3A_26 = tpu.memref_slice %arg13[%add3A_22, %dma_start3A_25] : memref<10240x128xf32, #tpu.memory_space<vmem_shared>> -> memref<128x128xf32, #tpu.memory_space<vmem_shared>>
    tpu.enqueue_dma source(%arg11 : memref<128x128xf32, #tpu.memory_space<vmem>>) target(%dma_start3A_26 : memref<128x128xf32, #tpu.memory_space<vmem_shared>>) target_semaphore(%arg16 : memref<!tpu.dma_semaphore, #tpu.memory_space<semaphore_mem>>)
    %add3A_27 = arith.constant 512 : i32
    %add3A_28 = arith.addi %mul3A_0, %add3A_27 : i32
    %dma_start3A_29 = arith.constant 0 : i32
    %dma_start3A_30 = tpu.memref_slice %arg13[%add3A_28, %dma_start3A_29] : memref<10240x128xf32, #tpu.memory_space<vmem_shared>> -> memref<128x128xf32, #tpu.memory_space<vmem_shared>>
    %dma_start3A_31 = arith.constant 0 : i32
    %dma_start3A_32 = tpu.memref_slice %arg13[%add3A_28, %dma_start3A_31] : memref<10240x128xf32, #tpu.memory_space<vmem_shared>> -> memref<128x128xf32, #tpu.memory_space<vmem_shared>>
    tpu.enqueue_dma source(%arg11 : memref<128x128xf32, #tpu.memory_space<vmem>>) target(%dma_start3A_32 : memref<128x128xf32, #tpu.memory_space<vmem_shared>>) target_semaphore(%arg16 : memref<!tpu.dma_semaphore, #tpu.memory_space<semaphore_mem>>)
    tpu.wait_dma2 semaphore(%arg16 : memref<!tpu.dma_semaphore, #tpu.memory_space<semaphore_mem>>) src(%arg5 : memref<128x128xf32, #tpu.memory_space<hbm>>) dst(%arg11 : memref<128x128xf32, #tpu.memory_space<vmem>>)
    tpu.wait_dma2 semaphore(%arg16 : memref<!tpu.dma_semaphore, #tpu.memory_space<semaphore_mem>>) src(%arg5 : memref<128x128xf32, #tpu.memory_space<hbm>>) dst(%arg11 : memref<128x128xf32, #tpu.memory_space<vmem>>)
    tpu.wait_dma2 semaphore(%arg16 : memref<!tpu.dma_semaphore, #tpu.memory_space<semaphore_mem>>) src(%arg5 : memref<128x128xf32, #tpu.memory_space<hbm>>) dst(%arg11 : memref<128x128xf32, #tpu.memory_space<vmem>>)
    tpu.wait_dma2 semaphore(%arg16 : memref<!tpu.dma_semaphore, #tpu.memory_space<semaphore_mem>>) src(%arg5 : memref<128x128xf32, #tpu.memory_space<hbm>>) dst(%arg11 : memref<128x128xf32, #tpu.memory_space<vmem>>)
    tpu.wait_dma2 semaphore(%arg16 : memref<!tpu.dma_semaphore, #tpu.memory_space<semaphore_mem>>) src(%arg5 : memref<128x128xf32, #tpu.memory_space<hbm>>) dst(%arg11 : memref<128x128xf32, #tpu.memory_space<vmem>>)
    %barrier3A = arith.constant 0 : index
    tpu.barrier barrier_id(%barrier3A)
    %scan3A = arith.constant 0 : i32
    %scan3A_33 = arith.constant 2 : i32
    %scan3A_34 = arith.addi %scan3A, %scan3A_33 : i32
    %scan3A_35 = arith.constant 1 : i32
    scf.for %scan3A_449 = %scan3A to %scan3A_34 step %scan3A_35  : i32 {
      %mul3A_450 = arith.constant 1 : i32
      %mul3A_451 = arith.muli %scan3A_449, %mul3A_450 : i32
      %add3A_452 = arith.constant 0 : i32
      %add3A_453 = arith.addi %add3A_452, %mul3A_451 : i32
      %mul3A_454 = arith.constant 80 : i32
      %mul3A_455 = arith.muli %arg1, %mul3A_454 : i32
      %mul3A_456 = arith.constant 40 : i32
      %mul3A_457 = arith.muli %add3A_453, %mul3A_456 : i32
      %add3A_458 = arith.addi %mul3A_455, %mul3A_457 : i32
      %mul3A_459 = arith.constant 1280 : i32
      %mul3A_460 = arith.muli %add3A_3, %mul3A_459 : i32
      %add3A_461 = arith.addi %mul3A_460, %add3A_458 : i32
      "tpu.region"() ({
        %run_scoped3A = tpu.sem_alloc : memref<!tpu.dma_semaphore, #tpu.memory_space<semaphore_mem>>
        %dma_start3A_481 = arith.constant 0 : i32
        %dma_start3A_482 = tpu.memref_slice %arg3[%add3A_461, %dma_start3A_481] : memref<2560x128xi32, #tpu.memory_space<hbm>> -> memref<40x128xi32, #tpu.memory_space<hbm>>
        %dma_start3A_483 = arith.constant 0 : i32
        %dma_start3A_484 = tpu.memref_slice %arg3[%add3A_461, %dma_start3A_483] : memref<2560x128xi32, #tpu.memory_space<hbm>> -> memref<40x128xi32, #tpu.memory_space<hbm>>
        tpu.enqueue_dma source(%dma_start3A_484 : memref<40x128xi32, #tpu.memory_space<hbm>>) target(%arg9 : memref<40x128xi32, #tpu.memory_space<vmem>>) target_semaphore(%run_scoped3A : memref<!tpu.dma_semaphore, #tpu.memory_space<semaphore_mem>>)
        %dma_wait3A = arith.constant 0 : i32
        %dma_wait3A_485 = tpu.memref_slice %arg3[%add3A_461, %dma_wait3A] : memref<2560x128xi32, #tpu.memory_space<hbm>> -> memref<40x128xi32, #tpu.memory_space<hbm>>
        %dma_wait3A_486 = arith.constant 0 : i32
        %dma_wait3A_487 = tpu.memref_slice %arg3[%add3A_461, %dma_wait3A_486] : memref<2560x128xi32, #tpu.memory_space<hbm>> -> memref<40x128xi32, #tpu.memory_space<hbm>>
        tpu.wait_dma2 semaphore(%run_scoped3A : memref<!tpu.dma_semaphore, #tpu.memory_space<semaphore_mem>>) src(%dma_wait3A_487 : memref<40x128xi32, #tpu.memory_space<hbm>>) dst(%arg9 : memref<40x128xi32, #tpu.memory_space<vmem>>)
        tpu.yield
      }) : () -> ()
      "tpu.region"() ({
        %run_scoped3A = tpu.sem_alloc : memref<!tpu.dma_semaphore, #tpu.memory_space<semaphore_mem>>
        %dma_start3A_481 = arith.constant 0 : i32
        %dma_start3A_482 = tpu.memref_slice %arg4[%add3A_458, %dma_start3A_481] : memref<1280x128xi32, #tpu.memory_space<hbm>> -> memref<40x128xi32, #tpu.memory_space<hbm>>
        %dma_start3A_483 = arith.constant 0 : i32
        %dma_start3A_484 = tpu.memref_slice %arg4[%add3A_458, %dma_start3A_483] : memref<1280x128xi32, #tpu.memory_space<hbm>> -> memref<40x128xi32, #tpu.memory_space<hbm>>
        tpu.enqueue_dma source(%dma_start3A_484 : memref<40x128xi32, #tpu.memory_space<hbm>>) target(%arg10 : memref<40x128xi32, #tpu.memory_space<vmem>>) target_semaphore(%run_scoped3A : memref<!tpu.dma_semaphore, #tpu.memory_space<semaphore_mem>>)
        %dma_wait3A = arith.constant 0 : i32
        %dma_wait3A_485 = tpu.memref_slice %arg4[%add3A_458, %dma_wait3A] : memref<1280x128xi32, #tpu.memory_space<hbm>> -> memref<40x128xi32, #tpu.memory_space<hbm>>
        %dma_wait3A_486 = arith.constant 0 : i32
        %dma_wait3A_487 = tpu.memref_slice %arg4[%add3A_458, %dma_wait3A_486] : memref<1280x128xi32, #tpu.memory_space<hbm>> -> memref<40x128xi32, #tpu.memory_space<hbm>>
        tpu.wait_dma2 semaphore(%run_scoped3A : memref<!tpu.dma_semaphore, #tpu.memory_space<semaphore_mem>>) src(%dma_wait3A_487 : memref<40x128xi32, #tpu.memory_space<hbm>>) dst(%arg10 : memref<40x128xi32, #tpu.memory_space<vmem>>)
        tpu.yield
      }) : () -> ()
      %dma_start3A_462 = arith.constant 0 : i32
      %dma_start3A_463 = arith.constant 0 : i32
      %dma_start3A_464 = tpu.memref_slice %arg9[%dma_start3A_462, %dma_start3A_463] : memref<40x128xi32, #tpu.memory_space<vmem>> -> memref<1x128xi32, #tpu.memory_space<vmem>>
      %dma_start3A_465 = tpu.memref_squeeze %dma_start3A_464 : memref<1x128xi32, #tpu.memory_space<vmem>> -> memref<128xi32, #tpu.memory_space<vmem>>
      %dma_start3A_466 = arith.constant 0 : i32
      %dma_start3A_467 = arith.constant 0 : i32
      %dma_start3A_468 = tpu.memref_slice %arg2[%dma_start3A_466, %dma_start3A_467] : memref<20480x128xf32, #tpu.memory_space<hbm>> -> memref<20480x128xf32, #tpu.memory_space<hbm>>
      tpu.enqueue_indirect_dma source(%dma_start3A_468 : memref<20480x128xf32, #tpu.memory_space<hbm>>) target(%arg11 : memref<128x128xf32, #tpu.memory_space<vmem>>) offsets(%dma_start3A_465 : memref<128xi32, #tpu.memory_space<vmem>>) semaphore(%arg14 : memref<!tpu.dma_semaphore, #tpu.memory_space<semaphore_mem>>)
      %dma_start3A_469 = arith.constant 1 : i32
      %dma_start3A_470 = arith.constant 0 : i32
      %dma_start3A_471 = tpu.memref_slice %arg9[%dma_start3A_469, %dma_start3A_470] : memref<40x128xi32, #tpu.memory_space<vmem>> -> memref<1x128xi32, #tpu.memory_space<vmem>>
      %dma_start3A_472 = tpu.memref_squeeze %dma_start3A_471 : memref<1x128xi32, #tpu.memory_space<vmem>> -> memref<128xi32, #tpu.memory_space<vmem>>
      %dma_start3A_473 = arith.constant 0 : i32
      %dma_start3A_474 = arith.constant 0 : i32
      %dma_start3A_475 = tpu.memref_slice %arg2[%dma_start3A_473, %dma_start3A_474] : memref<20480x128xf32, #tpu.memory_space<hbm>> -> memref<20480x128xf32, #tpu.memory_space<hbm>>
      tpu.enqueue_indirect_dma source(%dma_start3A_475 : memref<20480x128xf32, #tpu.memory_space<hbm>>) target(%arg12 : memref<128x128xf32, #tpu.memory_space<vmem>>) offsets(%dma_start3A_472 : memref<128xi32, #tpu.memory_space<vmem>>) semaphore(%arg15 : memref<!tpu.dma_semaphore, #tpu.memory_space<semaphore_mem>>)
      %scan3A_476 = arith.constant 0 : i32
      %scan3A_477 = arith.constant 20 : i32
      %scan3A_478 = arith.addi %scan3A_476, %scan3A_477 : i32
      %scan3A_479 = arith.constant 1 : i32
      scf.for %scan3A_481 = %scan3A_476 to %scan3A_478 step %scan3A_479  : i32 {
        %mul3A_482 = arith.constant 1 : i32
        %mul3A_483 = arith.muli %scan3A_481, %mul3A_482 : i32
        %add3A_484 = arith.constant 0 : i32
        %add3A_485 = arith.addi %add3A_484, %mul3A_483 : i32
        %mul3A_486 = arith.constant 2 : i32
        %mul3A_487 = arith.muli %mul3A_486, %add3A_485 : i32
        tpu.wait_dma2 semaphore(%arg14 : memref<!tpu.dma_semaphore, #tpu.memory_space<semaphore_mem>>) src(%arg5 : memref<128x128xf32, #tpu.memory_space<hbm>>) dst(%arg11 : memref<128x128xf32, #tpu.memory_space<vmem>>)
        "tpu.region"() ({
          %run_scoped3A = tpu.sem_alloc : memref<!tpu.dma_semaphore, #tpu.memory_space<semaphore_mem>>
          %dma_start3A_509 = arith.constant 0 : i32
          %dma_start3A_510 = tpu.memref_slice %arg10[%mul3A_487, %dma_start3A_509] : memref<40x128xi32, #tpu.memory_space<vmem>> -> memref<1x128xi32, #tpu.memory_space<vmem>>
          %dma_start3A_511 = tpu.memref_squeeze %dma_start3A_510 : memref<1x128xi32, #tpu.memory_space<vmem>> -> memref<128xi32, #tpu.memory_space<vmem>>
          %dma_start3A_512 = arith.constant 0 : i32
          %dma_start3A_513 = arith.constant 0 : i32
          %dma_start3A_514 = tpu.memref_slice %arg13[%dma_start3A_512, %dma_start3A_513] : memref<10240x128xf32, #tpu.memory_space<vmem_shared>> -> memref<10240x128xf32, #tpu.memory_space<vmem_shared>>
          tpu.enqueue_indirect_dma source(%arg11 : memref<128x128xf32, #tpu.memory_space<vmem>>) target(%dma_start3A_514 : memref<10240x128xf32, #tpu.memory_space<vmem_shared>>) offsets(%dma_start3A_511 : memref<128xi32, #tpu.memory_space<vmem>>) semaphore(%run_scoped3A : memref<!tpu.dma_semaphore, #tpu.memory_space<semaphore_mem>>) {add = true}
          %dma_wait3A = arith.constant 0 : i32
          %dma_wait3A_515 = tpu.memref_slice %arg10[%mul3A_487, %dma_wait3A] : memref<40x128xi32, #tpu.memory_space<vmem>> -> memref<1x128xi32, #tpu.memory_space<vmem>>
          %dma_wait3A_516 = tpu.memref_squeeze %dma_wait3A_515 : memref<1x128xi32, #tpu.memory_space<vmem>> -> memref<128xi32, #tpu.memory_space<vmem>>
          %dma_wait3A_517 = arith.constant 0 : i32
          %dma_wait3A_518 = arith.constant 0 : i32
          %dma_wait3A_519 = tpu.memref_slice %arg13[%dma_wait3A_517, %dma_wait3A_518] : memref<10240x128xf32, #tpu.memory_space<vmem_shared>> -> memref<10240x128xf32, #tpu.memory_space<vmem_shared>>
          tpu.wait_indirect_dma semaphore(%run_scoped3A : memref<!tpu.dma_semaphore, #tpu.memory_space<semaphore_mem>>) src(%arg11 : memref<128x128xf32, #tpu.memory_space<vmem>>) dst(%dma_wait3A_519 : memref<10240x128xf32, #tpu.memory_space<vmem_shared>>)
          tpu.yield
        }) : () -> ()
        %add3A_488 = arith.constant 2 : i32
        %add3A_489 = arith.addi %mul3A_487, %add3A_488 : i32
        %min3A = arith.constant 39 : i32
        %min3A_490 = arith.minsi %add3A_489, %min3A : i32
        %dma_start3A_491 = arith.constant 0 : i32
        %dma_start3A_492 = tpu.memref_slice %arg9[%min3A_490, %dma_start3A_491] : memref<40x128xi32, #tpu.memory_space<vmem>> -> memref<1x128xi32, #tpu.memory_space<vmem>>
        %dma_start3A_493 = tpu.memref_squeeze %dma_start3A_492 : memref<1x128xi32, #tpu.memory_space<vmem>> -> memref<128xi32, #tpu.memory_space<vmem>>
        %dma_start3A_494 = arith.constant 0 : i32
        %dma_start3A_495 = arith.constant 0 : i32
        %dma_start3A_496 = tpu.memref_slice %arg2[%dma_start3A_494, %dma_start3A_495] : memref<20480x128xf32, #tpu.memory_space<hbm>> -> memref<20480x128xf32, #tpu.memory_space<hbm>>
        tpu.enqueue_indirect_dma source(%dma_start3A_496 : memref<20480x128xf32, #tpu.memory_space<hbm>>) target(%arg11 : memref<128x128xf32, #tpu.memory_space<vmem>>) offsets(%dma_start3A_493 : memref<128xi32, #tpu.memory_space<vmem>>) semaphore(%arg14 : memref<!tpu.dma_semaphore, #tpu.memory_space<semaphore_mem>>)
        tpu.wait_dma2 semaphore(%arg15 : memref<!tpu.dma_semaphore, #tpu.memory_space<semaphore_mem>>) src(%arg5 : memref<128x128xf32, #tpu.memory_space<hbm>>) dst(%arg12 : memref<128x128xf32, #tpu.memory_space<vmem>>)
        %add3A_497 = arith.constant 1 : i32
        %add3A_498 = arith.addi %mul3A_487, %add3A_497 : i32
        "tpu.region"() ({
          %run_scoped3A = tpu.sem_alloc : memref<!tpu.dma_semaphore, #tpu.memory_space<semaphore_mem>>
          %dma_start3A_509 = arith.constant 0 : i32
          %dma_start3A_510 = tpu.memref_slice %arg10[%add3A_498, %dma_start3A_509] : memref<40x128xi32, #tpu.memory_space<vmem>> -> memref<1x128xi32, #tpu.memory_space<vmem>>
          %dma_start3A_511 = tpu.memref_squeeze %dma_start3A_510 : memref<1x128xi32, #tpu.memory_space<vmem>> -> memref<128xi32, #tpu.memory_space<vmem>>
          %dma_start3A_512 = arith.constant 0 : i32
          %dma_start3A_513 = arith.constant 0 : i32
          %dma_start3A_514 = tpu.memref_slice %arg13[%dma_start3A_512, %dma_start3A_513] : memref<10240x128xf32, #tpu.memory_space<vmem_shared>> -> memref<10240x128xf32, #tpu.memory_space<vmem_shared>>
          tpu.enqueue_indirect_dma source(%arg12 : memref<128x128xf32, #tpu.memory_space<vmem>>) target(%dma_start3A_514 : memref<10240x128xf32, #tpu.memory_space<vmem_shared>>) offsets(%dma_start3A_511 : memref<128xi32, #tpu.memory_space<vmem>>) semaphore(%run_scoped3A : memref<!tpu.dma_semaphore, #tpu.memory_space<semaphore_mem>>) {add = true}
          %dma_wait3A = arith.constant 0 : i32
          %dma_wait3A_515 = tpu.memref_slice %arg10[%add3A_498, %dma_wait3A] : memref<40x128xi32, #tpu.memory_space<vmem>> -> memref<1x128xi32, #tpu.memory_space<vmem>>
          %dma_wait3A_516 = tpu.memref_squeeze %dma_wait3A_515 : memref<1x128xi32, #tpu.memory_space<vmem>> -> memref<128xi32, #tpu.memory_space<vmem>>
          %dma_wait3A_517 = arith.constant 0 : i32
          %dma_wait3A_518 = arith.constant 0 : i32
          %dma_wait3A_519 = tpu.memref_slice %arg13[%dma_wait3A_517, %dma_wait3A_518] : memref<10240x128xf32, #tpu.memory_space<vmem_shared>> -> memref<10240x128xf32, #tpu.memory_space<vmem_shared>>
          tpu.wait_indirect_dma semaphore(%run_scoped3A : memref<!tpu.dma_semaphore, #tpu.memory_space<semaphore_mem>>) src(%arg12 : memref<128x128xf32, #tpu.memory_space<vmem>>) dst(%dma_wait3A_519 : memref<10240x128xf32, #tpu.memory_space<vmem_shared>>)
          tpu.yield
        }) : () -> ()
        %add3A_499 = arith.constant 3 : i32
        %add3A_500 = arith.addi %mul3A_487, %add3A_499 : i32
        %min3A_501 = arith.constant 39 : i32
        %min3A_502 = arith.minsi %add3A_500, %min3A_501 : i32
        %dma_start3A_503 = arith.constant 0 : i32
        %dma_start3A_504 = tpu.memref_slice %arg9[%min3A_502, %dma_start3A_503] : memref<40x128xi32, #tpu.memory_space<vmem>> -> memref<1x128xi32, #tpu.memory_space<vmem>>
        %dma_start3A_505 = tpu.memref_squeeze %dma_start3A_504 : memref<1x128xi32, #tpu.memory_space<vmem>> -> memref<128xi32, #tpu.memory_space<vmem>>
        %dma_start3A_506 = arith.constant 0 : i32
        %dma_start3A_507 = arith.constant 0 : i32
        %dma_start3A_508 = tpu.memref_slice %arg2[%dma_start3A_506, %dma_start3A_507] : memref<20480x128xf32, #tpu.memory_space<hbm>> -> memref<20480x128xf32, #tpu.memory_space<hbm>>
        tpu.enqueue_indirect_dma source(%dma_start3A_508 : memref<20480x128xf32, #tpu.memory_space<hbm>>) target(%arg12 : memref<128x128xf32, #tpu.memory_space<vmem>>) offsets(%dma_start3A_505 : memref<128xi32, #tpu.memory_space<vmem>>) semaphore(%arg15 : memref<!tpu.dma_semaphore, #tpu.memory_space<semaphore_mem>>)
      }
      %scan3A_480 = arith.constant 20 : i32
      tpu.wait_dma2 semaphore(%arg14 : memref<!tpu.dma_semaphore, #tpu.memory_space<semaphore_mem>>) src(%arg5 : memref<128x128xf32, #tpu.memory_space<hbm>>) dst(%arg11 : memref<128x128xf32, #tpu.memory_space<vmem>>)
      tpu.wait_dma2 semaphore(%arg15 : memref<!tpu.dma_semaphore, #tpu.memory_space<semaphore_mem>>) src(%arg5 : memref<128x128xf32, #tpu.memory_space<hbm>>) dst(%arg12 : memref<128x128xf32, #tpu.memory_space<vmem>>)
    }
    %scan3A_36 = arith.constant 2 : i32
    %barrier3A_37 = arith.constant 0 : index
    tpu.barrier barrier_id(%barrier3A_37)
    %mul3A_38 = arith.constant 10240 : i32
    %mul3A_39 = arith.muli %add3A_3, %mul3A_38 : i32
    %add3A_40 = arith.constant 0 : i32
    %add3A_41 = arith.addi %mul3A_0, %add3A_40 : i32
    "tpu.region"() ({
      %run_scoped3A = tpu.sem_alloc : memref<!tpu.dma_semaphore, #tpu.memory_space<semaphore_mem>>
      %dma_start3A_449 = arith.constant 0 : i32
      %dma_start3A_450 = tpu.memref_slice %arg13[%add3A_41, %dma_start3A_449] : memref<10240x128xf32, #tpu.memory_space<vmem_shared>> -> memref<128x128xf32, #tpu.memory_space<vmem_shared>>
      %dma_start3A_451 = arith.constant 0 : i32
      %dma_start3A_452 = tpu.memref_slice %arg13[%add3A_41, %dma_start3A_451] : memref<10240x128xf32, #tpu.memory_space<vmem_shared>> -> memref<128x128xf32, #tpu.memory_space<vmem_shared>>
      tpu.enqueue_dma source(%dma_start3A_452 : memref<128x128xf32, #tpu.memory_space<vmem_shared>>) target(%arg11 : memref<128x128xf32, #tpu.memory_space<vmem>>) target_semaphore(%run_scoped3A : memref<!tpu.dma_semaphore, #tpu.memory_space<semaphore_mem>>)
      %dma_wait3A = arith.constant 0 : i32
      %dma_wait3A_453 = tpu.memref_slice %arg13[%add3A_41, %dma_wait3A] : memref<10240x128xf32, #tpu.memory_space<vmem_shared>> -> memref<128x128xf32, #tpu.memory_space<vmem_shared>>
      %dma_wait3A_454 = arith.constant 0 : i32
      %dma_wait3A_455 = tpu.memref_slice %arg13[%add3A_41, %dma_wait3A_454] : memref<10240x128xf32, #tpu.memory_space<vmem_shared>> -> memref<128x128xf32, #tpu.memory_space<vmem_shared>>
      tpu.wait_dma2 semaphore(%run_scoped3A : memref<!tpu.dma_semaphore, #tpu.memory_space<semaphore_mem>>) src(%dma_wait3A_455 : memref<128x128xf32, #tpu.memory_space<vmem_shared>>) dst(%arg11 : memref<128x128xf32, #tpu.memory_space<vmem>>)
      tpu.yield
    }) : () -> ()
    %add3A_42 = arith.addi %mul3A_39, %mul3A_0 : i32
    %add3A_43 = arith.constant 0 : i32
    %add3A_44 = arith.addi %add3A_42, %add3A_43 : i32
    %dma_start3A_45 = arith.constant 0 : i32
    %dma_start3A_46 = tpu.memref_slice %arg7[%add3A_44, %dma_start3A_45] : memref<20480x128xf32, #tpu.memory_space<hbm>> -> memref<128x128xf32, #tpu.memory_space<hbm>>
    %dma_start3A_47 = arith.constant 0 : i32
    %dma_start3A_48 = tpu.memref_slice %arg7[%add3A_44, %dma_start3A_47] : memref<20480x128xf32, #tpu.memory_space<hbm>> -> memref<128x128xf32, #tpu.memory_space<hbm>>
    tpu.enqueue_dma source(%arg11 : memref<128x128xf32, #tpu.memory_space<vmem>>) target(%dma_start3A_48 : memref<128x128xf32, #tpu.memory_space<hbm>>) target_semaphore(%arg16 : memref<!tpu.dma_semaphore, #tpu.memory_space<semaphore_mem>>)
    %add3A_49 = arith.constant 128 : i32
    %add3A_50 = arith.addi %mul3A_0, %add3A_49 : i32
    "tpu.region"() ({
      %run_scoped3A = tpu.sem_alloc : memref<!tpu.dma_semaphore, #tpu.memory_space<semaphore_mem>>
      %dma_start3A_449 = arith.constant 0 : i32
      %dma_start3A_450 = tpu.memref_slice %arg13[%add3A_50, %dma_start3A_449] : memref<10240x128xf32, #tpu.memory_space<vmem_shared>> -> memref<128x128xf32, #tpu.memory_space<vmem_shared>>
      %dma_start3A_451 = arith.constant 0 : i32
      %dma_start3A_452 = tpu.memref_slice %arg13[%add3A_50, %dma_start3A_451] : memref<10240x128xf32, #tpu.memory_space<vmem_shared>> -> memref<128x128xf32, #tpu.memory_space<vmem_shared>>
      tpu.enqueue_dma source(%dma_start3A_452 : memref<128x128xf32, #tpu.memory_space<vmem_shared>>) target(%arg12 : memref<128x128xf32, #tpu.memory_space<vmem>>) target_semaphore(%run_scoped3A : memref<!tpu.dma_semaphore, #tpu.memory_space<semaphore_mem>>)
      %dma_wait3A = arith.constant 0 : i32
      %dma_wait3A_453 = tpu.memref_slice %arg13[%add3A_50, %dma_wait3A] : memref<10240x128xf32, #tpu.memory_space<vmem_shared>> -> memref<128x128xf32, #tpu.memory_space<vmem_shared>>
      %dma_wait3A_454 = arith.constant 0 : i32
      %dma_wait3A_455 = tpu.memref_slice %arg13[%add3A_50, %dma_wait3A_454] : memref<10240x128xf32, #tpu.memory_space<vmem_shared>> -> memref<128x128xf32, #tpu.memory_space<vmem_shared>>
      tpu.wait_dma2 semaphore(%run_scoped3A : memref<!tpu.dma_semaphore, #tpu.memory_space<semaphore_mem>>) src(%dma_wait3A_455 : memref<128x128xf32, #tpu.memory_space<vmem_shared>>) dst(%arg12 : memref<128x128xf32, #tpu.memory_space<vmem>>)
      tpu.yield
    }) : () -> ()
    %add3A_51 = arith.addi %mul3A_39, %mul3A_0 : i32
    %add3A_52 = arith.constant 128 : i32
    %add3A_53 = arith.addi %add3A_51, %add3A_52 : i32
    %dma_start3A_54 = arith.constant 0 : i32
    %dma_start3A_55 = tpu.memref_slice %arg7[%add3A_53, %dma_start3A_54] : memref<20480x128xf32, #tpu.memory_space<hbm>> -> memref<128x128xf32, #tpu.memory_space<hbm>>
    %dma_start3A_56 = arith.constant 0 : i32
    %dma_start3A_57 = tpu.memref_slice %arg7[%add3A_53, %dma_start3A_56] : memref<20480x128xf32, #tpu.memory_space<hbm>> -> memref<128x128xf32, #tpu.memory_space<hbm>>
    tpu.enqueue_dma source(%arg12 : memref<128x128xf32, #tpu.memory_space<vmem>>) target(%dma_start3A_57 : memref<128x128xf32, #tpu.memory_space<hbm>>) target_semaphore(%arg17 : memref<!tpu.dma_semaphore, #tpu.memory_space<semaphore_mem>>)
    tpu.wait_dma2 semaphore(%arg16 : memref<!tpu.dma_semaphore, #tpu.memory_space<semaphore_mem>>) src(%arg5 : memref<128x128xf32, #tpu.memory_space<hbm>>) dst(%arg11 : memref<128x128xf32, #tpu.memory_space<vmem>>)
    %add3A_58 = arith.constant 256 : i32
    %add3A_59 = arith.addi %mul3A_0, %add3A_58 : i32
    "tpu.region"() ({
      %run_scoped3A = tpu.sem_alloc : memref<!tpu.dma_semaphore, #tpu.memory_space<semaphore_mem>>
      %dma_start3A_449 = arith.constant 0 : i32
      %dma_start3A_450 = tpu.memref_slice %arg13[%add3A_59, %dma_start3A_449] : memref<10240x128xf32, #tpu.memory_space<vmem_shared>> -> memref<128x128xf32, #tpu.memory_space<vmem_shared>>
      %dma_start3A_451 = arith.constant 0 : i32
      %dma_start3A_452 = tpu.memref_slice %arg13[%add3A_59, %dma_start3A_451] : memref<10240x128xf32, #tpu.memory_space<vmem_shared>> -> memref<128x128xf32, #tpu.memory_space<vmem_shared>>
      tpu.enqueue_dma source(%dma_start3A_452 : memref<128x128xf32, #tpu.memory_space<vmem_shared>>) target(%arg11 : memref<128x128xf32, #tpu.memory_space<vmem>>) target_semaphore(%run_scoped3A : memref<!tpu.dma_semaphore, #tpu.memory_space<semaphore_mem>>)
      %dma_wait3A = arith.constant 0 : i32
      %dma_wait3A_453 = tpu.memref_slice %arg13[%add3A_59, %dma_wait3A] : memref<10240x128xf32, #tpu.memory_space<vmem_shared>> -> memref<128x128xf32, #tpu.memory_space<vmem_shared>>
      %dma_wait3A_454 = arith.constant 0 : i32
      %dma_wait3A_455 = tpu.memref_slice %arg13[%add3A_59, %dma_wait3A_454] : memref<10240x128xf32, #tpu.memory_space<vmem_shared>> -> memref<128x128xf32, #tpu.memory_space<vmem_shared>>
      tpu.wait_dma2 semaphore(%run_scoped3A : memref<!tpu.dma_semaphore, #tpu.memory_space<semaphore_mem>>) src(%dma_wait3A_455 : memref<128x128xf32, #tpu.memory_space<vmem_shared>>) dst(%arg11 : memref<128x128xf32, #tpu.memory_space<vmem>>)
      tpu.yield
    }) : () -> ()
    %add3A_60 = arith.addi %mul3A_39, %mul3A_0 : i32
    %add3A_61 = arith.constant 256 : i32
    %add3A_62 = arith.addi %add3A_60, %add3A_61 : i32
    %dma_start3A_63 = arith.constant 0 : i32
    %dma_start3A_64 = tpu.memref_slice %arg7[%add3A_62, %dma_start3A_63] : memref<20480x128xf32, #tpu.memory_space<hbm>> -> memref<128x128xf32, #tpu.memory_space<hbm>>
    %dma_start3A_65 = arith.constant 0 : i32
    %dma_start3A_66 = tpu.memref_slice %arg7[%add3A_62, %dma_start3A_65] : memref<20480x128xf32, #tpu.memory_space<hbm>> -> memref<128x128xf32, #tpu.memory_space<hbm>>
    tpu.enqueue_dma source(%arg11 : memref<128x128xf32, #tpu.memory_space<vmem>>) target(%dma_start3A_66 : memref<128x128xf32, #tpu.memory_space<hbm>>) target_semaphore(%arg16 : memref<!tpu.dma_semaphore, #tpu.memory_space<semaphore_mem>>)
    tpu.wait_dma2 semaphore(%arg17 : memref<!tpu.dma_semaphore, #tpu.memory_space<semaphore_mem>>) src(%arg5 : memref<128x128xf32, #tpu.memory_space<hbm>>) dst(%arg12 : memref<128x128xf32, #tpu.memory_space<vmem>>)
    %add3A_67 = arith.constant 384 : i32
    %add3A_68 = arith.addi %mul3A_0, %add3A_67 : i32
    "tpu.region"() ({
      %run_scoped3A = tpu.sem_alloc : memref<!tpu.dma_semaphore, #tpu.memory_space<semaphore_mem>>
      %dma_start3A_449 = arith.constant 0 : i32
      %dma_start3A_450 = tpu.memref_slice %arg13[%add3A_68, %dma_start3A_449] : memref<10240x128xf32, #tpu.memory_space<vmem_shared>> -> memref<128x128xf32, #tpu.memory_space<vmem_shared>>
      %dma_start3A_451 = arith.constant 0 : i32
      %dma_start3A_452 = tpu.memref_slice %arg13[%add3A_68, %dma_start3A_451] : memref<10240x128xf32, #tpu.memory_space<vmem_shared>> -> memref<128x128xf32, #tpu.memory_space<vmem_shared>>
      tpu.enqueue_dma source(%dma_start3A_452 : memref<128x128xf32, #tpu.memory_space<vmem_shared>>) target(%arg12 : memref<128x128xf32, #tpu.memory_space<vmem>>) target_semaphore(%run_scoped3A : memref<!tpu.dma_semaphore, #tpu.memory_space<semaphore_mem>>)
      %dma_wait3A = arith.constant 0 : i32
      %dma_wait3A_453 = tpu.memref_slice %arg13[%add3A_68, %dma_wait3A] : memref<10240x128xf32, #tpu.memory_space<vmem_shared>> -> memref<128x128xf32, #tpu.memory_space<vmem_shared>>
      %dma_wait3A_454 = arith.constant 0 : i32
      %dma_wait3A_455 = tpu.memref_slice %arg13[%add3A_68, %dma_wait3A_454] : memref<10240x128xf32, #tpu.memory_space<vmem_shared>> -> memref<128x128xf32, #tpu.memory_space<vmem_shared>>
      tpu.wait_dma2 semaphore(%run_scoped3A : memref<!tpu.dma_semaphore, #tpu.memory_space<semaphore_mem>>) src(%dma_wait3A_455 : memref<128x128xf32, #tpu.memory_space<vmem_shared>>) dst(%arg12 : memref<128x128xf32, #tpu.memory_space<vmem>>)
      tpu.yield
    }) : () -> ()
    %add3A_69 = arith.addi %mul3A_39, %mul3A_0 : i32
    %add3A_70 = arith.constant 384 : i32
    %add3A_71 = arith.addi %add3A_69, %add3A_70 : i32
    %dma_start3A_72 = arith.constant 0 : i32
    %dma_start3A_73 = tpu.memref_slice %arg7[%add3A_71, %dma_start3A_72] : memref<20480x128xf32, #tpu.memory_space<hbm>> -> memref<128x128xf32, #tpu.memory_space<hbm>>
    %dma_start3A_74 = arith.constant 0 : i32
    %dma_start3A_75 = tpu.memref_slice %arg7[%add3A_71, %dma_start3A_74] : memref<20480x128xf32, #tpu.memory_space<hbm>> -> memref<128x128xf32, #tpu.memory_space<hbm>>
    tpu.enqueue_dma source(%arg12 : memref<128x128xf32, #tpu.memory_space<vmem>>) target(%dma_start3A_75 : memref<128x128xf32, #tpu.memory_space<hbm>>) target_semaphore(%arg17 : memref<!tpu.dma_semaphore, #tpu.memory_space<semaphore_mem>>)
    tpu.wait_dma2 semaphore(%arg16 : memref<!tpu.dma_semaphore, #tpu.memory_space<semaphore_mem>>) src(%arg5 : memref<128x128xf32, #tpu.memory_space<hbm>>) dst(%arg11 : memref<128x128xf32, #tpu.memory_space<vmem>>)
    %add3A_76 = arith.constant 512 : i32
    %add3A_77 = arith.addi %mul3A_0, %add3A_76 : i32
    "tpu.region"() ({
      %run_scoped3A = tpu.sem_alloc : memref<!tpu.dma_semaphore, #tpu.memory_space<semaphore_mem>>
      %dma_start3A_449 = arith.constant 0 : i32
      %dma_start3A_450 = tpu.memref_slice %arg13[%add3A_77, %dma_start3A_449] : memref<10240x128xf32, #tpu.memory_space<vmem_shared>> -> memref<128x128xf32, #tpu.memory_space<vmem_shared>>
      %dma_start3A_451 = arith.constant 0 : i32
      %dma_start3A_452 = tpu.memref_slice %arg13[%add3A_77, %dma_start3A_451] : memref<10240x128xf32, #tpu.memory_space<vmem_shared>> -> memref<128x128xf32, #tpu.memory_space<vmem_shared>>
      tpu.enqueue_dma source(%dma_start3A_452 : memref<128x128xf32, #tpu.memory_space<vmem_shared>>) target(%arg11 : memref<128x128xf32, #tpu.memory_space<vmem>>) target_semaphore(%run_scoped3A : memref<!tpu.dma_semaphore, #tpu.memory_space<semaphore_mem>>)
      %dma_wait3A = arith.constant 0 : i32
      %dma_wait3A_453 = tpu.memref_slice %arg13[%add3A_77, %dma_wait3A] : memref<10240x128xf32, #tpu.memory_space<vmem_shared>> -> memref<128x128xf32, #tpu.memory_space<vmem_shared>>
      %dma_wait3A_454 = arith.constant 0 : i32
      %dma_wait3A_455 = tpu.memref_slice %arg13[%add3A_77, %dma_wait3A_454] : memref<10240x128xf32, #tpu.memory_space<vmem_shared>> -> memref<128x128xf32, #tpu.memory_space<vmem_shared>>
      tpu.wait_dma2 semaphore(%run_scoped3A : memref<!tpu.dma_semaphore, #tpu.memory_space<semaphore_mem>>) src(%dma_wait3A_455 : memref<128x128xf32, #tpu.memory_space<vmem_shared>>) dst(%arg11 : memref<128x128xf32, #tpu.memory_space<vmem>>)
      tpu.yield
    }) : () -> ()
    %add3A_78 = arith.addi %mul3A_39, %mul3A_0 : i32
    %add3A_79 = arith.constant 512 : i32
    %add3A_80 = arith.addi %add3A_78, %add3A_79 : i32
    %dma_start3A_81 = arith.constant 0 : i32
    %dma_start3A_82 = tpu.memref_slice %arg7[%add3A_80, %dma_start3A_81] : memref<20480x128xf32, #tpu.memory_space<hbm>> -> memref<128x128xf32, #tpu.memory_space<hbm>>
    %dma_start3A_83 = arith.constant 0 : i32
    %dma_start3A_84 = tpu.memref_slice %arg7[%add3A_80, %dma_start3A_83] : memref<20480x128xf32, #tpu.memory_space<hbm>> -> memref<128x128xf32, #tpu.memory_space<hbm>>
    tpu.enqueue_dma source(%arg11 : memref<128x128xf32, #tpu.memory_space<vmem>>) target(%dma_start3A_84 : memref<128x128xf32, #tpu.memory_space<hbm>>) target_semaphore(%arg16 : memref<!tpu.dma_semaphore, #tpu.memory_space<semaphore_mem>>)
    tpu.wait_dma2 semaphore(%arg16 : memref<!tpu.dma_semaphore, #tpu.memory_space<semaphore_mem>>) src(%arg5 : memref<128x128xf32, #tpu.memory_space<hbm>>) dst(%arg11 : memref<128x128xf32, #tpu.memory_space<vmem>>)
    tpu.wait_dma2 semaphore(%arg17 : memref<!tpu.dma_semaphore, #tpu.memory_space<semaphore_mem>>) src(%arg5 : memref<128x128xf32, #tpu.memory_space<hbm>>) dst(%arg12 : memref<128x128xf32, #tpu.memory_space<vmem>>)
    "tpu.region"() ({
      %run_scoped3A = tpu.sem_alloc : memref<!tpu.dma_semaphore, #tpu.memory_space<semaphore_mem>>
      tpu.enqueue_dma source(%arg5 : memref<128x128xf32, #tpu.memory_space<hbm>>) target(%arg11 : memref<128x128xf32, #tpu.memory_space<vmem>>) target_semaphore(%run_scoped3A : memref<!tpu.dma_semaphore, #tpu.memory_space<semaphore_mem>>)
      tpu.wait_dma2 semaphore(%run_scoped3A : memref<!tpu.dma_semaphore, #tpu.memory_space<semaphore_mem>>) src(%arg5 : memref<128x128xf32, #tpu.memory_space<hbm>>) dst(%arg11 : memref<128x128xf32, #tpu.memory_space<vmem>>)
      tpu.yield
    }) : () -> ()
    %add3A_85 = arith.constant 0 : i32
    %add3A_86 = arith.addi %mul3A_0, %add3A_85 : i32
    %dma_start3A_87 = arith.constant 0 : i32
    %dma_start3A_88 = tpu.memref_slice %arg13[%add3A_86, %dma_start3A_87] : memref<10240x128xf32, #tpu.memory_space<vmem_shared>> -> memref<128x128xf32, #tpu.memory_space<vmem_shared>>
    %dma_start3A_89 = arith.constant 0 : i32
    %dma_start3A_90 = tpu.memref_slice %arg13[%add3A_86, %dma_start3A_89] : memref<10240x128xf32, #tpu.memory_space<vmem_shared>> -> memref<128x128xf32, #tpu.memory_space<vmem_shared>>
    tpu.enqueue_dma source(%arg11 : memref<128x128xf32, #tpu.memory_space<vmem>>) target(%dma_start3A_90 : memref<128x128xf32, #tpu.memory_space<vmem_shared>>) target_semaphore(%arg16 : memref<!tpu.dma_semaphore, #tpu.memory_space<semaphore_mem>>)
    %add3A_91 = arith.constant 128 : i32
    %add3A_92 = arith.addi %mul3A_0, %add3A_91 : i32
    %dma_start3A_93 = arith.constant 0 : i32
    %dma_start3A_94 = tpu.memref_slice %arg13[%add3A_92, %dma_start3A_93] : memref<10240x128xf32, #tpu.memory_space<vmem_shared>> -> memref<128x128xf32, #tpu.memory_space<vmem_shared>>
    %dma_start3A_95 = arith.constant 0 : i32
    %dma_start3A_96 = tpu.memref_slice %arg13[%add3A_92, %dma_start3A_95] : memref<10240x128xf32, #tpu.memory_space<vmem_shared>> -> memref<128x128xf32, #tpu.memory_space<vmem_shared>>
    tpu.enqueue_dma source(%arg11 : memref<128x128xf32, #tpu.memory_space<vmem>>) target(%dma_start3A_96 : memref<128x128xf32, #tpu.memory_space<vmem_shared>>) target_semaphore(%arg16 : memref<!tpu.dma_semaphore, #tpu.memory_space<semaphore_mem>>)
    %add3A_97 = arith.constant 256 : i32
    %add3A_98 = arith.addi %mul3A_0, %add3A_97 : i32
    %dma_start3A_99 = arith.constant 0 : i32
    %dma_start3A_100 = tpu.memref_slice %arg13[%add3A_98, %dma_start3A_99] : memref<10240x128xf32, #tpu.memory_space<vmem_shared>> -> memref<128x128xf32, #tpu.memory_space<vmem_shared>>
    %dma_start3A_101 = arith.constant 0 : i32
    %dma_start3A_102 = tpu.memref_slice %arg13[%add3A_98, %dma_start3A_101] : memref<10240x128xf32, #tpu.memory_space<vmem_shared>> -> memref<128x128xf32, #tpu.memory_space<vmem_shared>>
    tpu.enqueue_dma source(%arg11 : memref<128x128xf32, #tpu.memory_space<vmem>>) target(%dma_start3A_102 : memref<128x128xf32, #tpu.memory_space<vmem_shared>>) target_semaphore(%arg16 : memref<!tpu.dma_semaphore, #tpu.memory_space<semaphore_mem>>)
    %add3A_103 = arith.constant 384 : i32
    %add3A_104 = arith.addi %mul3A_0, %add3A_103 : i32
    %dma_start3A_105 = arith.constant 0 : i32
    %dma_start3A_106 = tpu.memref_slice %arg13[%add3A_104, %dma_start3A_105] : memref<10240x128xf32, #tpu.memory_space<vmem_shared>> -> memref<128x128xf32, #tpu.memory_space<vmem_shared>>
    %dma_start3A_107 = arith.constant 0 : i32
    %dma_start3A_108 = tpu.memref_slice %arg13[%add3A_104, %dma_start3A_107] : memref<10240x128xf32, #tpu.memory_space<vmem_shared>> -> memref<128x128xf32, #tpu.memory_space<vmem_shared>>
    tpu.enqueue_dma source(%arg11 : memref<128x128xf32, #tpu.memory_space<vmem>>) target(%dma_start3A_108 : memref<128x128xf32, #tpu.memory_space<vmem_shared>>) target_semaphore(%arg16 : memref<!tpu.dma_semaphore, #tpu.memory_space<semaphore_mem>>)
    %add3A_109 = arith.constant 512 : i32
    %add3A_110 = arith.addi %mul3A_0, %add3A_109 : i32
    %dma_start3A_111 = arith.constant 0 : i32
    %dma_start3A_112 = tpu.memref_slice %arg13[%add3A_110, %dma_start3A_111] : memref<10240x128xf32, #tpu.memory_space<vmem_shared>> -> memref<128x128xf32, #tpu.memory_space<vmem_shared>>
    %dma_start3A_113 = arith.constant 0 : i32
    %dma_start3A_114 = tpu.memref_slice %arg13[%add3A_110, %dma_start3A_113] : memref<10240x128xf32, #tpu.memory_space<vmem_shared>> -> memref<128x128xf32, #tpu.memory_space<vmem_shared>>
    tpu.enqueue_dma source(%arg11 : memref<128x128xf32, #tpu.memory_space<vmem>>) target(%dma_start3A_114 : memref<128x128xf32, #tpu.memory_space<vmem_shared>>) target_semaphore(%arg16 : memref<!tpu.dma_semaphore, #tpu.memory_space<semaphore_mem>>)
    tpu.wait_dma2 semaphore(%arg16 : memref<!tpu.dma_semaphore, #tpu.memory_space<semaphore_mem>>) src(%arg5 : memref<128x128xf32, #tpu.memory_space<hbm>>) dst(%arg11 : memref<128x128xf32, #tpu.memory_space<vmem>>)
    tpu.wait_dma2 semaphore(%arg16 : memref<!tpu.dma_semaphore, #tpu.memory_space<semaphore_mem>>) src(%arg5 : memref<128x128xf32, #tpu.memory_space<hbm>>) dst(%arg11 : memref<128x128xf32, #tpu.memory_space<vmem>>)
    tpu.wait_dma2 semaphore(%arg16 : memref<!tpu.dma_semaphore, #tpu.memory_space<semaphore_mem>>) src(%arg5 : memref<128x128xf32, #tpu.memory_space<hbm>>) dst(%arg11 : memref<128x128xf32, #tpu.memory_space<vmem>>)
    tpu.wait_dma2 semaphore(%arg16 : memref<!tpu.dma_semaphore, #tpu.memory_space<semaphore_mem>>) src(%arg5 : memref<128x128xf32, #tpu.memory_space<hbm>>) dst(%arg11 : memref<128x128xf32, #tpu.memory_space<vmem>>)
    tpu.wait_dma2 semaphore(%arg16 : memref<!tpu.dma_semaphore, #tpu.memory_space<semaphore_mem>>) src(%arg5 : memref<128x128xf32, #tpu.memory_space<hbm>>) dst(%arg11 : memref<128x128xf32, #tpu.memory_space<vmem>>)
    "tpu.region"() ({
      %run_scoped3A = tpu.sem_alloc : memref<!tpu.dma_semaphore, #tpu.memory_space<semaphore_mem>>
      tpu.enqueue_dma source(%arg6 : memref<128x128xf32, #tpu.memory_space<hbm>>) target(%arg12 : memref<128x128xf32, #tpu.memory_space<vmem>>) target_semaphore(%run_scoped3A : memref<!tpu.dma_semaphore, #tpu.memory_space<semaphore_mem>>)
      tpu.wait_dma2 semaphore(%run_scoped3A : memref<!tpu.dma_semaphore, #tpu.memory_space<semaphore_mem>>) src(%arg6 : memref<128x128xf32, #tpu.memory_space<hbm>>) dst(%arg12 : memref<128x128xf32, #tpu.memory_space<vmem>>)
      tpu.yield
    }) : () -> ()
    %barrier3A_115 = arith.constant 0 : index
    tpu.barrier barrier_id(%barrier3A_115)
    %mul3A_116 = arith.constant 40 : i32
    %mul3A_117 = arith.muli %arg0, %mul3A_116 : i32
    %mul3A_118 = arith.constant 80 : i32
    %mul3A_119 = arith.muli %arg1, %mul3A_118 : i32
    %add3A_120 = arith.addi %mul3A_119, %mul3A_117 : i32
    "tpu.region"() ({
      %run_scoped3A = tpu.sem_alloc : memref<!tpu.dma_semaphore, #tpu.memory_space<semaphore_mem>>
      %dma_start3A_449 = arith.constant 0 : i32
      %dma_start3A_450 = arith.constant 0 : i32
      %dma_start3A_451 = tpu.memref_slice %arg10[%dma_start3A_449, %dma_start3A_450] : memref<40x128xi32, #tpu.memory_space<vmem>> -> memref<40x128xi32, #tpu.memory_space<vmem>>
      %dma_start3A_452 = arith.constant 0 : i32
      %dma_start3A_453 = tpu.memref_slice %arg4[%add3A_120, %dma_start3A_452] : memref<1280x128xi32, #tpu.memory_space<hbm>> -> memref<40x128xi32, #tpu.memory_space<hbm>>
      %dma_start3A_454 = arith.constant 0 : i32
      %dma_start3A_455 = arith.constant 0 : i32
      %dma_start3A_456 = tpu.memref_slice %arg10[%dma_start3A_454, %dma_start3A_455] : memref<40x128xi32, #tpu.memory_space<vmem>> -> memref<40x128xi32, #tpu.memory_space<vmem>>
      %dma_start3A_457 = arith.constant 0 : i32
      %dma_start3A_458 = tpu.memref_slice %arg4[%add3A_120, %dma_start3A_457] : memref<1280x128xi32, #tpu.memory_space<hbm>> -> memref<40x128xi32, #tpu.memory_space<hbm>>
      tpu.enqueue_dma source(%dma_start3A_458 : memref<40x128xi32, #tpu.memory_space<hbm>>) target(%dma_start3A_456 : memref<40x128xi32, #tpu.memory_space<vmem>>) target_semaphore(%run_scoped3A : memref<!tpu.dma_semaphore, #tpu.memory_space<semaphore_mem>>)
      %dma_wait3A = arith.constant 0 : i32
      %dma_wait3A_459 = arith.constant 0 : i32
      %dma_wait3A_460 = tpu.memref_slice %arg10[%dma_wait3A, %dma_wait3A_459] : memref<40x128xi32, #tpu.memory_space<vmem>> -> memref<40x128xi32, #tpu.memory_space<vmem>>
      %dma_wait3A_461 = arith.constant 0 : i32
      %dma_wait3A_462 = tpu.memref_slice %arg4[%add3A_120, %dma_wait3A_461] : memref<1280x128xi32, #tpu.memory_space<hbm>> -> memref<40x128xi32, #tpu.memory_space<hbm>>
      %dma_wait3A_463 = arith.constant 0 : i32
      %dma_wait3A_464 = arith.constant 0 : i32
      %dma_wait3A_465 = tpu.memref_slice %arg10[%dma_wait3A_463, %dma_wait3A_464] : memref<40x128xi32, #tpu.memory_space<vmem>> -> memref<40x128xi32, #tpu.memory_space<vmem>>
      %dma_wait3A_466 = arith.constant 0 : i32
      %dma_wait3A_467 = tpu.memref_slice %arg4[%add3A_120, %dma_wait3A_466] : memref<1280x128xi32, #tpu.memory_space<hbm>> -> memref<40x128xi32, #tpu.memory_space<hbm>>
      tpu.wait_dma2 semaphore(%run_scoped3A : memref<!tpu.dma_semaphore, #tpu.memory_space<semaphore_mem>>) src(%dma_wait3A_467 : memref<40x128xi32, #tpu.memory_space<hbm>>) dst(%dma_wait3A_465 : memref<40x128xi32, #tpu.memory_space<vmem>>)
      tpu.yield
    }) : () -> ()
    %dma_start3A_121 = arith.constant 0 : i32
    %dma_start3A_122 = arith.constant 0 : i32
    %dma_start3A_123 = tpu.memref_slice %arg10[%dma_start3A_121, %dma_start3A_122] : memref<40x128xi32, #tpu.memory_space<vmem>> -> memref<1x128xi32, #tpu.memory_space<vmem>>
    %dma_start3A_124 = tpu.memref_squeeze %dma_start3A_123 : memref<1x128xi32, #tpu.memory_space<vmem>> -> memref<128xi32, #tpu.memory_space<vmem>>
    %dma_start3A_125 = arith.constant 0 : i32
    %dma_start3A_126 = arith.constant 0 : i32
    %dma_start3A_127 = tpu.memref_slice %arg13[%dma_start3A_125, %dma_start3A_126] : memref<10240x128xf32, #tpu.memory_space<vmem_shared>> -> memref<10240x128xf32, #tpu.memory_space<vmem_shared>>
    tpu.enqueue_indirect_dma source(%arg12 : memref<128x128xf32, #tpu.memory_space<vmem>>) target(%dma_start3A_127 : memref<10240x128xf32, #tpu.memory_space<vmem_shared>>) offsets(%dma_start3A_124 : memref<128xi32, #tpu.memory_space<vmem>>) semaphore(%arg16 : memref<!tpu.dma_semaphore, #tpu.memory_space<semaphore_mem>>) {add = true}
    %dma_start3A_128 = arith.constant 1 : i32
    %dma_start3A_129 = arith.constant 0 : i32
    %dma_start3A_130 = tpu.memref_slice %arg10[%dma_start3A_128, %dma_start3A_129] : memref<40x128xi32, #tpu.memory_space<vmem>> -> memref<1x128xi32, #tpu.memory_space<vmem>>
    %dma_start3A_131 = tpu.memref_squeeze %dma_start3A_130 : memref<1x128xi32, #tpu.memory_space<vmem>> -> memref<128xi32, #tpu.memory_space<vmem>>
    %dma_start3A_132 = arith.constant 0 : i32
    %dma_start3A_133 = arith.constant 0 : i32
    %dma_start3A_134 = tpu.memref_slice %arg13[%dma_start3A_132, %dma_start3A_133] : memref<10240x128xf32, #tpu.memory_space<vmem_shared>> -> memref<10240x128xf32, #tpu.memory_space<vmem_shared>>
    tpu.enqueue_indirect_dma source(%arg12 : memref<128x128xf32, #tpu.memory_space<vmem>>) target(%dma_start3A_134 : memref<10240x128xf32, #tpu.memory_space<vmem_shared>>) offsets(%dma_start3A_131 : memref<128xi32, #tpu.memory_space<vmem>>) semaphore(%arg16 : memref<!tpu.dma_semaphore, #tpu.memory_space<semaphore_mem>>) {add = true}
    %dma_start3A_135 = arith.constant 2 : i32
    %dma_start3A_136 = arith.constant 0 : i32
    %dma_start3A_137 = tpu.memref_slice %arg10[%dma_start3A_135, %dma_start3A_136] : memref<40x128xi32, #tpu.memory_space<vmem>> -> memref<1x128xi32, #tpu.memory_space<vmem>>
    %dma_start3A_138 = tpu.memref_squeeze %dma_start3A_137 : memref<1x128xi32, #tpu.memory_space<vmem>> -> memref<128xi32, #tpu.memory_space<vmem>>
    %dma_start3A_139 = arith.constant 0 : i32
    %dma_start3A_140 = arith.constant 0 : i32
    %dma_start3A_141 = tpu.memref_slice %arg13[%dma_start3A_139, %dma_start3A_140] : memref<10240x128xf32, #tpu.memory_space<vmem_shared>> -> memref<10240x128xf32, #tpu.memory_space<vmem_shared>>
    tpu.enqueue_indirect_dma source(%arg12 : memref<128x128xf32, #tpu.memory_space<vmem>>) target(%dma_start3A_141 : memref<10240x128xf32, #tpu.memory_space<vmem_shared>>) offsets(%dma_start3A_138 : memref<128xi32, #tpu.memory_space<vmem>>) semaphore(%arg16 : memref<!tpu.dma_semaphore, #tpu.memory_space<semaphore_mem>>) {add = true}
    %dma_start3A_142 = arith.constant 3 : i32
    %dma_start3A_143 = arith.constant 0 : i32
    %dma_start3A_144 = tpu.memref_slice %arg10[%dma_start3A_142, %dma_start3A_143] : memref<40x128xi32, #tpu.memory_space<vmem>> -> memref<1x128xi32, #tpu.memory_space<vmem>>
    %dma_start3A_145 = tpu.memref_squeeze %dma_start3A_144 : memref<1x128xi32, #tpu.memory_space<vmem>> -> memref<128xi32, #tpu.memory_space<vmem>>
    %dma_start3A_146 = arith.constant 0 : i32
    %dma_start3A_147 = arith.constant 0 : i32
    %dma_start3A_148 = tpu.memref_slice %arg13[%dma_start3A_146, %dma_start3A_147] : memref<10240x128xf32, #tpu.memory_space<vmem_shared>> -> memref<10240x128xf32, #tpu.memory_space<vmem_shared>>
    tpu.enqueue_indirect_dma source(%arg12 : memref<128x128xf32, #tpu.memory_space<vmem>>) target(%dma_start3A_148 : memref<10240x128xf32, #tpu.memory_space<vmem_shared>>) offsets(%dma_start3A_145 : memref<128xi32, #tpu.memory_space<vmem>>) semaphore(%arg16 : memref<!tpu.dma_semaphore, #tpu.memory_space<semaphore_mem>>) {add = true}
    %dma_start3A_149 = arith.constant 4 : i32
    %dma_start3A_150 = arith.constant 0 : i32
    %dma_start3A_151 = tpu.memref_slice %arg10[%dma_start3A_149, %dma_start3A_150] : memref<40x128xi32, #tpu.memory_space<vmem>> -> memref<1x128xi32, #tpu.memory_space<vmem>>
    %dma_start3A_152 = tpu.memref_squeeze %dma_start3A_151 : memref<1x128xi32, #tpu.memory_space<vmem>> -> memref<128xi32, #tpu.memory_space<vmem>>
    %dma_start3A_153 = arith.constant 0 : i32
    %dma_start3A_154 = arith.constant 0 : i32
    %dma_start3A_155 = tpu.memref_slice %arg13[%dma_start3A_153, %dma_start3A_154] : memref<10240x128xf32, #tpu.memory_space<vmem_shared>> -> memref<10240x128xf32, #tpu.memory_space<vmem_shared>>
    tpu.enqueue_indirect_dma source(%arg12 : memref<128x128xf32, #tpu.memory_space<vmem>>) target(%dma_start3A_155 : memref<10240x128xf32, #tpu.memory_space<vmem_shared>>) offsets(%dma_start3A_152 : memref<128xi32, #tpu.memory_space<vmem>>) semaphore(%arg16 : memref<!tpu.dma_semaphore, #tpu.memory_space<semaphore_mem>>) {add = true}
    %dma_start3A_156 = arith.constant 5 : i32
    %dma_start3A_157 = arith.constant 0 : i32
    %dma_start3A_158 = tpu.memref_slice %arg10[%dma_start3A_156, %dma_start3A_157] : memref<40x128xi32, #tpu.memory_space<vmem>> -> memref<1x128xi32, #tpu.memory_space<vmem>>
    %dma_start3A_159 = tpu.memref_squeeze %dma_start3A_158 : memref<1x128xi32, #tpu.memory_space<vmem>> -> memref<128xi32, #tpu.memory_space<vmem>>
    %dma_start3A_160 = arith.constant 0 : i32
    %dma_start3A_161 = arith.constant 0 : i32
    %dma_start3A_162 = tpu.memref_slice %arg13[%dma_start3A_160, %dma_start3A_161] : memref<10240x128xf32, #tpu.memory_space<vmem_shared>> -> memref<10240x128xf32, #tpu.memory_space<vmem_shared>>
    tpu.enqueue_indirect_dma source(%arg12 : memref<128x128xf32, #tpu.memory_space<vmem>>) target(%dma_start3A_162 : memref<10240x128xf32, #tpu.memory_space<vmem_shared>>) offsets(%dma_start3A_159 : memref<128xi32, #tpu.memory_space<vmem>>) semaphore(%arg16 : memref<!tpu.dma_semaphore, #tpu.memory_space<semaphore_mem>>) {add = true}
    %dma_start3A_163 = arith.constant 6 : i32
    %dma_start3A_164 = arith.constant 0 : i32
    %dma_start3A_165 = tpu.memref_slice %arg10[%dma_start3A_163, %dma_start3A_164] : memref<40x128xi32, #tpu.memory_space<vmem>> -> memref<1x128xi32, #tpu.memory_space<vmem>>
    %dma_start3A_166 = tpu.memref_squeeze %dma_start3A_165 : memref<1x128xi32, #tpu.memory_space<vmem>> -> memref<128xi32, #tpu.memory_space<vmem>>
    %dma_start3A_167 = arith.constant 0 : i32
    %dma_start3A_168 = arith.constant 0 : i32
    %dma_start3A_169 = tpu.memref_slice %arg13[%dma_start3A_167, %dma_start3A_168] : memref<10240x128xf32, #tpu.memory_space<vmem_shared>> -> memref<10240x128xf32, #tpu.memory_space<vmem_shared>>
    tpu.enqueue_indirect_dma source(%arg12 : memref<128x128xf32, #tpu.memory_space<vmem>>) target(%dma_start3A_169 : memref<10240x128xf32, #tpu.memory_space<vmem_shared>>) offsets(%dma_start3A_166 : memref<128xi32, #tpu.memory_space<vmem>>) semaphore(%arg16 : memref<!tpu.dma_semaphore, #tpu.memory_space<semaphore_mem>>) {add = true}
    %dma_start3A_170 = arith.constant 7 : i32
    %dma_start3A_171 = arith.constant 0 : i32
    %dma_start3A_172 = tpu.memref_slice %arg10[%dma_start3A_170, %dma_start3A_171] : memref<40x128xi32, #tpu.memory_space<vmem>> -> memref<1x128xi32, #tpu.memory_space<vmem>>
    %dma_start3A_173 = tpu.memref_squeeze %dma_start3A_172 : memref<1x128xi32, #tpu.memory_space<vmem>> -> memref<128xi32, #tpu.memory_space<vmem>>
    %dma_start3A_174 = arith.constant 0 : i32
    %dma_start3A_175 = arith.constant 0 : i32
    %dma_start3A_176 = tpu.memref_slice %arg13[%dma_start3A_174, %dma_start3A_175] : memref<10240x128xf32, #tpu.memory_space<vmem_shared>> -> memref<10240x128xf32, #tpu.memory_space<vmem_shared>>
    tpu.enqueue_indirect_dma source(%arg12 : memref<128x128xf32, #tpu.memory_space<vmem>>) target(%dma_start3A_176 : memref<10240x128xf32, #tpu.memory_space<vmem_shared>>) offsets(%dma_start3A_173 : memref<128xi32, #tpu.memory_space<vmem>>) semaphore(%arg16 : memref<!tpu.dma_semaphore, #tpu.memory_space<semaphore_mem>>) {add = true}
    tpu.wait_dma2 semaphore(%arg16 : memref<!tpu.dma_semaphore, #tpu.memory_space<semaphore_mem>>) src(%arg5 : memref<128x128xf32, #tpu.memory_space<hbm>>) dst(%arg11 : memref<128x128xf32, #tpu.memory_space<vmem>>)
    tpu.wait_dma2 semaphore(%arg16 : memref<!tpu.dma_semaphore, #tpu.memory_space<semaphore_mem>>) src(%arg5 : memref<128x128xf32, #tpu.memory_space<hbm>>) dst(%arg11 : memref<128x128xf32, #tpu.memory_space<vmem>>)
    tpu.wait_dma2 semaphore(%arg16 : memref<!tpu.dma_semaphore, #tpu.memory_space<semaphore_mem>>) src(%arg5 : memref<128x128xf32, #tpu.memory_space<hbm>>) dst(%arg11 : memref<128x128xf32, #tpu.memory_space<vmem>>)
    tpu.wait_dma2 semaphore(%arg16 : memref<!tpu.dma_semaphore, #tpu.memory_space<semaphore_mem>>) src(%arg5 : memref<128x128xf32, #tpu.memory_space<hbm>>) dst(%arg11 : memref<128x128xf32, #tpu.memory_space<vmem>>)
    tpu.wait_dma2 semaphore(%arg16 : memref<!tpu.dma_semaphore, #tpu.memory_space<semaphore_mem>>) src(%arg5 : memref<128x128xf32, #tpu.memory_space<hbm>>) dst(%arg11 : memref<128x128xf32, #tpu.memory_space<vmem>>)
    tpu.wait_dma2 semaphore(%arg16 : memref<!tpu.dma_semaphore, #tpu.memory_space<semaphore_mem>>) src(%arg5 : memref<128x128xf32, #tpu.memory_space<hbm>>) dst(%arg11 : memref<128x128xf32, #tpu.memory_space<vmem>>)
    tpu.wait_dma2 semaphore(%arg16 : memref<!tpu.dma_semaphore, #tpu.memory_space<semaphore_mem>>) src(%arg5 : memref<128x128xf32, #tpu.memory_space<hbm>>) dst(%arg11 : memref<128x128xf32, #tpu.memory_space<vmem>>)
    tpu.wait_dma2 semaphore(%arg16 : memref<!tpu.dma_semaphore, #tpu.memory_space<semaphore_mem>>) src(%arg5 : memref<128x128xf32, #tpu.memory_space<hbm>>) dst(%arg11 : memref<128x128xf32, #tpu.memory_space<vmem>>)
    %dma_start3A_177 = arith.constant 8 : i32
    %dma_start3A_178 = arith.constant 0 : i32
    %dma_start3A_179 = tpu.memref_slice %arg10[%dma_start3A_177, %dma_start3A_178] : memref<40x128xi32, #tpu.memory_space<vmem>> -> memref<1x128xi32, #tpu.memory_space<vmem>>
    %dma_start3A_180 = tpu.memref_squeeze %dma_start3A_179 : memref<1x128xi32, #tpu.memory_space<vmem>> -> memref<128xi32, #tpu.memory_space<vmem>>
    %dma_start3A_181 = arith.constant 0 : i32
    %dma_start3A_182 = arith.constant 0 : i32
    %dma_start3A_183 = tpu.memref_slice %arg13[%dma_start3A_181, %dma_start3A_182] : memref<10240x128xf32, #tpu.memory_space<vmem_shared>> -> memref<10240x128xf32, #tpu.memory_space<vmem_shared>>
    tpu.enqueue_indirect_dma source(%arg12 : memref<128x128xf32, #tpu.memory_space<vmem>>) target(%dma_start3A_183 : memref<10240x128xf32, #tpu.memory_space<vmem_shared>>) offsets(%dma_start3A_180 : memref<128xi32, #tpu.memory_space<vmem>>) semaphore(%arg16 : memref<!tpu.dma_semaphore, #tpu.memory_space<semaphore_mem>>) {add = true}
    %dma_start3A_184 = arith.constant 9 : i32
    %dma_start3A_185 = arith.constant 0 : i32
    %dma_start3A_186 = tpu.memref_slice %arg10[%dma_start3A_184, %dma_start3A_185] : memref<40x128xi32, #tpu.memory_space<vmem>> -> memref<1x128xi32, #tpu.memory_space<vmem>>
    %dma_start3A_187 = tpu.memref_squeeze %dma_start3A_186 : memref<1x128xi32, #tpu.memory_space<vmem>> -> memref<128xi32, #tpu.memory_space<vmem>>
    %dma_start3A_188 = arith.constant 0 : i32
    %dma_start3A_189 = arith.constant 0 : i32
    %dma_start3A_190 = tpu.memref_slice %arg13[%dma_start3A_188, %dma_start3A_189] : memref<10240x128xf32, #tpu.memory_space<vmem_shared>> -> memref<10240x128xf32, #tpu.memory_space<vmem_shared>>
    tpu.enqueue_indirect_dma source(%arg12 : memref<128x128xf32, #tpu.memory_space<vmem>>) target(%dma_start3A_190 : memref<10240x128xf32, #tpu.memory_space<vmem_shared>>) offsets(%dma_start3A_187 : memref<128xi32, #tpu.memory_space<vmem>>) semaphore(%arg16 : memref<!tpu.dma_semaphore, #tpu.memory_space<semaphore_mem>>) {add = true}
    %dma_start3A_191 = arith.constant 10 : i32
    %dma_start3A_192 = arith.constant 0 : i32
    %dma_start3A_193 = tpu.memref_slice %arg10[%dma_start3A_191, %dma_start3A_192] : memref<40x128xi32, #tpu.memory_space<vmem>> -> memref<1x128xi32, #tpu.memory_space<vmem>>
    %dma_start3A_194 = tpu.memref_squeeze %dma_start3A_193 : memref<1x128xi32, #tpu.memory_space<vmem>> -> memref<128xi32, #tpu.memory_space<vmem>>
    %dma_start3A_195 = arith.constant 0 : i32
    %dma_start3A_196 = arith.constant 0 : i32
    %dma_start3A_197 = tpu.memref_slice %arg13[%dma_start3A_195, %dma_start3A_196] : memref<10240x128xf32, #tpu.memory_space<vmem_shared>> -> memref<10240x128xf32, #tpu.memory_space<vmem_shared>>
    tpu.enqueue_indirect_dma source(%arg12 : memref<128x128xf32, #tpu.memory_space<vmem>>) target(%dma_start3A_197 : memref<10240x128xf32, #tpu.memory_space<vmem_shared>>) offsets(%dma_start3A_194 : memref<128xi32, #tpu.memory_space<vmem>>) semaphore(%arg16 : memref<!tpu.dma_semaphore, #tpu.memory_space<semaphore_mem>>) {add = true}
    %dma_start3A_198 = arith.constant 11 : i32
    %dma_start3A_199 = arith.constant 0 : i32
    %dma_start3A_200 = tpu.memref_slice %arg10[%dma_start3A_198, %dma_start3A_199] : memref<40x128xi32, #tpu.memory_space<vmem>> -> memref<1x128xi32, #tpu.memory_space<vmem>>
    %dma_start3A_201 = tpu.memref_squeeze %dma_start3A_200 : memref<1x128xi32, #tpu.memory_space<vmem>> -> memref<128xi32, #tpu.memory_space<vmem>>
    %dma_start3A_202 = arith.constant 0 : i32
    %dma_start3A_203 = arith.constant 0 : i32
    %dma_start3A_204 = tpu.memref_slice %arg13[%dma_start3A_202, %dma_start3A_203] : memref<10240x128xf32, #tpu.memory_space<vmem_shared>> -> memref<10240x128xf32, #tpu.memory_space<vmem_shared>>
    tpu.enqueue_indirect_dma source(%arg12 : memref<128x128xf32, #tpu.memory_space<vmem>>) target(%dma_start3A_204 : memref<10240x128xf32, #tpu.memory_space<vmem_shared>>) offsets(%dma_start3A_201 : memref<128xi32, #tpu.memory_space<vmem>>) semaphore(%arg16 : memref<!tpu.dma_semaphore, #tpu.memory_space<semaphore_mem>>) {add = true}
    %dma_start3A_205 = arith.constant 12 : i32
    %dma_start3A_206 = arith.constant 0 : i32
    %dma_start3A_207 = tpu.memref_slice %arg10[%dma_start3A_205, %dma_start3A_206] : memref<40x128xi32, #tpu.memory_space<vmem>> -> memref<1x128xi32, #tpu.memory_space<vmem>>
    %dma_start3A_208 = tpu.memref_squeeze %dma_start3A_207 : memref<1x128xi32, #tpu.memory_space<vmem>> -> memref<128xi32, #tpu.memory_space<vmem>>
    %dma_start3A_209 = arith.constant 0 : i32
    %dma_start3A_210 = arith.constant 0 : i32
    %dma_start3A_211 = tpu.memref_slice %arg13[%dma_start3A_209, %dma_start3A_210] : memref<10240x128xf32, #tpu.memory_space<vmem_shared>> -> memref<10240x128xf32, #tpu.memory_space<vmem_shared>>
    tpu.enqueue_indirect_dma source(%arg12 : memref<128x128xf32, #tpu.memory_space<vmem>>) target(%dma_start3A_211 : memref<10240x128xf32, #tpu.memory_space<vmem_shared>>) offsets(%dma_start3A_208 : memref<128xi32, #tpu.memory_space<vmem>>) semaphore(%arg16 : memref<!tpu.dma_semaphore, #tpu.memory_space<semaphore_mem>>) {add = true}
    %dma_start3A_212 = arith.constant 13 : i32
    %dma_start3A_213 = arith.constant 0 : i32
    %dma_start3A_214 = tpu.memref_slice %arg10[%dma_start3A_212, %dma_start3A_213] : memref<40x128xi32, #tpu.memory_space<vmem>> -> memref<1x128xi32, #tpu.memory_space<vmem>>
    %dma_start3A_215 = tpu.memref_squeeze %dma_start3A_214 : memref<1x128xi32, #tpu.memory_space<vmem>> -> memref<128xi32, #tpu.memory_space<vmem>>
    %dma_start3A_216 = arith.constant 0 : i32
    %dma_start3A_217 = arith.constant 0 : i32
    %dma_start3A_218 = tpu.memref_slice %arg13[%dma_start3A_216, %dma_start3A_217] : memref<10240x128xf32, #tpu.memory_space<vmem_shared>> -> memref<10240x128xf32, #tpu.memory_space<vmem_shared>>
    tpu.enqueue_indirect_dma source(%arg12 : memref<128x128xf32, #tpu.memory_space<vmem>>) target(%dma_start3A_218 : memref<10240x128xf32, #tpu.memory_space<vmem_shared>>) offsets(%dma_start3A_215 : memref<128xi32, #tpu.memory_space<vmem>>) semaphore(%arg16 : memref<!tpu.dma_semaphore, #tpu.memory_space<semaphore_mem>>) {add = true}
    %dma_start3A_219 = arith.constant 14 : i32
    %dma_start3A_220 = arith.constant 0 : i32
    %dma_start3A_221 = tpu.memref_slice %arg10[%dma_start3A_219, %dma_start3A_220] : memref<40x128xi32, #tpu.memory_space<vmem>> -> memref<1x128xi32, #tpu.memory_space<vmem>>
    %dma_start3A_222 = tpu.memref_squeeze %dma_start3A_221 : memref<1x128xi32, #tpu.memory_space<vmem>> -> memref<128xi32, #tpu.memory_space<vmem>>
    %dma_start3A_223 = arith.constant 0 : i32
    %dma_start3A_224 = arith.constant 0 : i32
    %dma_start3A_225 = tpu.memref_slice %arg13[%dma_start3A_223, %dma_start3A_224] : memref<10240x128xf32, #tpu.memory_space<vmem_shared>> -> memref<10240x128xf32, #tpu.memory_space<vmem_shared>>
    tpu.enqueue_indirect_dma source(%arg12 : memref<128x128xf32, #tpu.memory_space<vmem>>) target(%dma_start3A_225 : memref<10240x128xf32, #tpu.memory_space<vmem_shared>>) offsets(%dma_start3A_222 : memref<128xi32, #tpu.memory_space<vmem>>) semaphore(%arg16 : memref<!tpu.dma_semaphore, #tpu.memory_space<semaphore_mem>>) {add = true}
    %dma_start3A_226 = arith.constant 15 : i32
    %dma_start3A_227 = arith.constant 0 : i32
    %dma_start3A_228 = tpu.memref_slice %arg10[%dma_start3A_226, %dma_start3A_227] : memref<40x128xi32, #tpu.memory_space<vmem>> -> memref<1x128xi32, #tpu.memory_space<vmem>>
    %dma_start3A_229 = tpu.memref_squeeze %dma_start3A_228 : memref<1x128xi32, #tpu.memory_space<vmem>> -> memref<128xi32, #tpu.memory_space<vmem>>
    %dma_start3A_230 = arith.constant 0 : i32
    %dma_start3A_231 = arith.constant 0 : i32
    %dma_start3A_232 = tpu.memref_slice %arg13[%dma_start3A_230, %dma_start3A_231] : memref<10240x128xf32, #tpu.memory_space<vmem_shared>> -> memref<10240x128xf32, #tpu.memory_space<vmem_shared>>
    tpu.enqueue_indirect_dma source(%arg12 : memref<128x128xf32, #tpu.memory_space<vmem>>) target(%dma_start3A_232 : memref<10240x128xf32, #tpu.memory_space<vmem_shared>>) offsets(%dma_start3A_229 : memref<128xi32, #tpu.memory_space<vmem>>) semaphore(%arg16 : memref<!tpu.dma_semaphore, #tpu.memory_space<semaphore_mem>>) {add = true}
    tpu.wait_dma2 semaphore(%arg16 : memref<!tpu.dma_semaphore, #tpu.memory_space<semaphore_mem>>) src(%arg5 : memref<128x128xf32, #tpu.memory_space<hbm>>) dst(%arg11 : memref<128x128xf32, #tpu.memory_space<vmem>>)
    tpu.wait_dma2 semaphore(%arg16 : memref<!tpu.dma_semaphore, #tpu.memory_space<semaphore_mem>>) src(%arg5 : memref<128x128xf32, #tpu.memory_space<hbm>>) dst(%arg11 : memref<128x128xf32, #tpu.memory_space<vmem>>)
    tpu.wait_dma2 semaphore(%arg16 : memref<!tpu.dma_semaphore, #tpu.memory_space<semaphore_mem>>) src(%arg5 : memref<128x128xf32, #tpu.memory_space<hbm>>) dst(%arg11 : memref<128x128xf32, #tpu.memory_space<vmem>>)
    tpu.wait_dma2 semaphore(%arg16 : memref<!tpu.dma_semaphore, #tpu.memory_space<semaphore_mem>>) src(%arg5 : memref<128x128xf32, #tpu.memory_space<hbm>>) dst(%arg11 : memref<128x128xf32, #tpu.memory_space<vmem>>)
    tpu.wait_dma2 semaphore(%arg16 : memref<!tpu.dma_semaphore, #tpu.memory_space<semaphore_mem>>) src(%arg5 : memref<128x128xf32, #tpu.memory_space<hbm>>) dst(%arg11 : memref<128x128xf32, #tpu.memory_space<vmem>>)
    tpu.wait_dma2 semaphore(%arg16 : memref<!tpu.dma_semaphore, #tpu.memory_space<semaphore_mem>>) src(%arg5 : memref<128x128xf32, #tpu.memory_space<hbm>>) dst(%arg11 : memref<128x128xf32, #tpu.memory_space<vmem>>)
    tpu.wait_dma2 semaphore(%arg16 : memref<!tpu.dma_semaphore, #tpu.memory_space<semaphore_mem>>) src(%arg5 : memref<128x128xf32, #tpu.memory_space<hbm>>) dst(%arg11 : memref<128x128xf32, #tpu.memory_space<vmem>>)
    tpu.wait_dma2 semaphore(%arg16 : memref<!tpu.dma_semaphore, #tpu.memory_space<semaphore_mem>>) src(%arg5 : memref<128x128xf32, #tpu.memory_space<hbm>>) dst(%arg11 : memref<128x128xf32, #tpu.memory_space<vmem>>)
    %dma_start3A_233 = arith.constant 16 : i32
    %dma_start3A_234 = arith.constant 0 : i32
    %dma_start3A_235 = tpu.memref_slice %arg10[%dma_start3A_233, %dma_start3A_234] : memref<40x128xi32, #tpu.memory_space<vmem>> -> memref<1x128xi32, #tpu.memory_space<vmem>>
    %dma_start3A_236 = tpu.memref_squeeze %dma_start3A_235 : memref<1x128xi32, #tpu.memory_space<vmem>> -> memref<128xi32, #tpu.memory_space<vmem>>
    %dma_start3A_237 = arith.constant 0 : i32
    %dma_start3A_238 = arith.constant 0 : i32
    %dma_start3A_239 = tpu.memref_slice %arg13[%dma_start3A_237, %dma_start3A_238] : memref<10240x128xf32, #tpu.memory_space<vmem_shared>> -> memref<10240x128xf32, #tpu.memory_space<vmem_shared>>
    tpu.enqueue_indirect_dma source(%arg12 : memref<128x128xf32, #tpu.memory_space<vmem>>) target(%dma_start3A_239 : memref<10240x128xf32, #tpu.memory_space<vmem_shared>>) offsets(%dma_start3A_236 : memref<128xi32, #tpu.memory_space<vmem>>) semaphore(%arg16 : memref<!tpu.dma_semaphore, #tpu.memory_space<semaphore_mem>>) {add = true}
    %dma_start3A_240 = arith.constant 17 : i32
    %dma_start3A_241 = arith.constant 0 : i32
    %dma_start3A_242 = tpu.memref_slice %arg10[%dma_start3A_240, %dma_start3A_241] : memref<40x128xi32, #tpu.memory_space<vmem>> -> memref<1x128xi32, #tpu.memory_space<vmem>>
    %dma_start3A_243 = tpu.memref_squeeze %dma_start3A_242 : memref<1x128xi32, #tpu.memory_space<vmem>> -> memref<128xi32, #tpu.memory_space<vmem>>
    %dma_start3A_244 = arith.constant 0 : i32
    %dma_start3A_245 = arith.constant 0 : i32
    %dma_start3A_246 = tpu.memref_slice %arg13[%dma_start3A_244, %dma_start3A_245] : memref<10240x128xf32, #tpu.memory_space<vmem_shared>> -> memref<10240x128xf32, #tpu.memory_space<vmem_shared>>
    tpu.enqueue_indirect_dma source(%arg12 : memref<128x128xf32, #tpu.memory_space<vmem>>) target(%dma_start3A_246 : memref<10240x128xf32, #tpu.memory_space<vmem_shared>>) offsets(%dma_start3A_243 : memref<128xi32, #tpu.memory_space<vmem>>) semaphore(%arg16 : memref<!tpu.dma_semaphore, #tpu.memory_space<semaphore_mem>>) {add = true}
    %dma_start3A_247 = arith.constant 18 : i32
    %dma_start3A_248 = arith.constant 0 : i32
    %dma_start3A_249 = tpu.memref_slice %arg10[%dma_start3A_247, %dma_start3A_248] : memref<40x128xi32, #tpu.memory_space<vmem>> -> memref<1x128xi32, #tpu.memory_space<vmem>>
    %dma_start3A_250 = tpu.memref_squeeze %dma_start3A_249 : memref<1x128xi32, #tpu.memory_space<vmem>> -> memref<128xi32, #tpu.memory_space<vmem>>
    %dma_start3A_251 = arith.constant 0 : i32
    %dma_start3A_252 = arith.constant 0 : i32
    %dma_start3A_253 = tpu.memref_slice %arg13[%dma_start3A_251, %dma_start3A_252] : memref<10240x128xf32, #tpu.memory_space<vmem_shared>> -> memref<10240x128xf32, #tpu.memory_space<vmem_shared>>
    tpu.enqueue_indirect_dma source(%arg12 : memref<128x128xf32, #tpu.memory_space<vmem>>) target(%dma_start3A_253 : memref<10240x128xf32, #tpu.memory_space<vmem_shared>>) offsets(%dma_start3A_250 : memref<128xi32, #tpu.memory_space<vmem>>) semaphore(%arg16 : memref<!tpu.dma_semaphore, #tpu.memory_space<semaphore_mem>>) {add = true}
    %dma_start3A_254 = arith.constant 19 : i32
    %dma_start3A_255 = arith.constant 0 : i32
    %dma_start3A_256 = tpu.memref_slice %arg10[%dma_start3A_254, %dma_start3A_255] : memref<40x128xi32, #tpu.memory_space<vmem>> -> memref<1x128xi32, #tpu.memory_space<vmem>>
    %dma_start3A_257 = tpu.memref_squeeze %dma_start3A_256 : memref<1x128xi32, #tpu.memory_space<vmem>> -> memref<128xi32, #tpu.memory_space<vmem>>
    %dma_start3A_258 = arith.constant 0 : i32
    %dma_start3A_259 = arith.constant 0 : i32
    %dma_start3A_260 = tpu.memref_slice %arg13[%dma_start3A_258, %dma_start3A_259] : memref<10240x128xf32, #tpu.memory_space<vmem_shared>> -> memref<10240x128xf32, #tpu.memory_space<vmem_shared>>
    tpu.enqueue_indirect_dma source(%arg12 : memref<128x128xf32, #tpu.memory_space<vmem>>) target(%dma_start3A_260 : memref<10240x128xf32, #tpu.memory_space<vmem_shared>>) offsets(%dma_start3A_257 : memref<128xi32, #tpu.memory_space<vmem>>) semaphore(%arg16 : memref<!tpu.dma_semaphore, #tpu.memory_space<semaphore_mem>>) {add = true}
    %dma_start3A_261 = arith.constant 20 : i32
    %dma_start3A_262 = arith.constant 0 : i32
    %dma_start3A_263 = tpu.memref_slice %arg10[%dma_start3A_261, %dma_start3A_262] : memref<40x128xi32, #tpu.memory_space<vmem>> -> memref<1x128xi32, #tpu.memory_space<vmem>>
    %dma_start3A_264 = tpu.memref_squeeze %dma_start3A_263 : memref<1x128xi32, #tpu.memory_space<vmem>> -> memref<128xi32, #tpu.memory_space<vmem>>
    %dma_start3A_265 = arith.constant 0 : i32
    %dma_start3A_266 = arith.constant 0 : i32
    %dma_start3A_267 = tpu.memref_slice %arg13[%dma_start3A_265, %dma_start3A_266] : memref<10240x128xf32, #tpu.memory_space<vmem_shared>> -> memref<10240x128xf32, #tpu.memory_space<vmem_shared>>
    tpu.enqueue_indirect_dma source(%arg12 : memref<128x128xf32, #tpu.memory_space<vmem>>) target(%dma_start3A_267 : memref<10240x128xf32, #tpu.memory_space<vmem_shared>>) offsets(%dma_start3A_264 : memref<128xi32, #tpu.memory_space<vmem>>) semaphore(%arg16 : memref<!tpu.dma_semaphore, #tpu.memory_space<semaphore_mem>>) {add = true}
    %dma_start3A_268 = arith.constant 21 : i32
    %dma_start3A_269 = arith.constant 0 : i32
    %dma_start3A_270 = tpu.memref_slice %arg10[%dma_start3A_268, %dma_start3A_269] : memref<40x128xi32, #tpu.memory_space<vmem>> -> memref<1x128xi32, #tpu.memory_space<vmem>>
    %dma_start3A_271 = tpu.memref_squeeze %dma_start3A_270 : memref<1x128xi32, #tpu.memory_space<vmem>> -> memref<128xi32, #tpu.memory_space<vmem>>
    %dma_start3A_272 = arith.constant 0 : i32
    %dma_start3A_273 = arith.constant 0 : i32
    %dma_start3A_274 = tpu.memref_slice %arg13[%dma_start3A_272, %dma_start3A_273] : memref<10240x128xf32, #tpu.memory_space<vmem_shared>> -> memref<10240x128xf32, #tpu.memory_space<vmem_shared>>
    tpu.enqueue_indirect_dma source(%arg12 : memref<128x128xf32, #tpu.memory_space<vmem>>) target(%dma_start3A_274 : memref<10240x128xf32, #tpu.memory_space<vmem_shared>>) offsets(%dma_start3A_271 : memref<128xi32, #tpu.memory_space<vmem>>) semaphore(%arg16 : memref<!tpu.dma_semaphore, #tpu.memory_space<semaphore_mem>>) {add = true}
    %dma_start3A_275 = arith.constant 22 : i32
    %dma_start3A_276 = arith.constant 0 : i32
    %dma_start3A_277 = tpu.memref_slice %arg10[%dma_start3A_275, %dma_start3A_276] : memref<40x128xi32, #tpu.memory_space<vmem>> -> memref<1x128xi32, #tpu.memory_space<vmem>>
    %dma_start3A_278 = tpu.memref_squeeze %dma_start3A_277 : memref<1x128xi32, #tpu.memory_space<vmem>> -> memref<128xi32, #tpu.memory_space<vmem>>
    %dma_start3A_279 = arith.constant 0 : i32
    %dma_start3A_280 = arith.constant 0 : i32
    %dma_start3A_281 = tpu.memref_slice %arg13[%dma_start3A_279, %dma_start3A_280] : memref<10240x128xf32, #tpu.memory_space<vmem_shared>> -> memref<10240x128xf32, #tpu.memory_space<vmem_shared>>
    tpu.enqueue_indirect_dma source(%arg12 : memref<128x128xf32, #tpu.memory_space<vmem>>) target(%dma_start3A_281 : memref<10240x128xf32, #tpu.memory_space<vmem_shared>>) offsets(%dma_start3A_278 : memref<128xi32, #tpu.memory_space<vmem>>) semaphore(%arg16 : memref<!tpu.dma_semaphore, #tpu.memory_space<semaphore_mem>>) {add = true}
    %dma_start3A_282 = arith.constant 23 : i32
    %dma_start3A_283 = arith.constant 0 : i32
    %dma_start3A_284 = tpu.memref_slice %arg10[%dma_start3A_282, %dma_start3A_283] : memref<40x128xi32, #tpu.memory_space<vmem>> -> memref<1x128xi32, #tpu.memory_space<vmem>>
    %dma_start3A_285 = tpu.memref_squeeze %dma_start3A_284 : memref<1x128xi32, #tpu.memory_space<vmem>> -> memref<128xi32, #tpu.memory_space<vmem>>
    %dma_start3A_286 = arith.constant 0 : i32
    %dma_start3A_287 = arith.constant 0 : i32
    %dma_start3A_288 = tpu.memref_slice %arg13[%dma_start3A_286, %dma_start3A_287] : memref<10240x128xf32, #tpu.memory_space<vmem_shared>> -> memref<10240x128xf32, #tpu.memory_space<vmem_shared>>
    tpu.enqueue_indirect_dma source(%arg12 : memref<128x128xf32, #tpu.memory_space<vmem>>) target(%dma_start3A_288 : memref<10240x128xf32, #tpu.memory_space<vmem_shared>>) offsets(%dma_start3A_285 : memref<128xi32, #tpu.memory_space<vmem>>) semaphore(%arg16 : memref<!tpu.dma_semaphore, #tpu.memory_space<semaphore_mem>>) {add = true}
    tpu.wait_dma2 semaphore(%arg16 : memref<!tpu.dma_semaphore, #tpu.memory_space<semaphore_mem>>) src(%arg5 : memref<128x128xf32, #tpu.memory_space<hbm>>) dst(%arg11 : memref<128x128xf32, #tpu.memory_space<vmem>>)
    tpu.wait_dma2 semaphore(%arg16 : memref<!tpu.dma_semaphore, #tpu.memory_space<semaphore_mem>>) src(%arg5 : memref<128x128xf32, #tpu.memory_space<hbm>>) dst(%arg11 : memref<128x128xf32, #tpu.memory_space<vmem>>)
    tpu.wait_dma2 semaphore(%arg16 : memref<!tpu.dma_semaphore, #tpu.memory_space<semaphore_mem>>) src(%arg5 : memref<128x128xf32, #tpu.memory_space<hbm>>) dst(%arg11 : memref<128x128xf32, #tpu.memory_space<vmem>>)
    tpu.wait_dma2 semaphore(%arg16 : memref<!tpu.dma_semaphore, #tpu.memory_space<semaphore_mem>>) src(%arg5 : memref<128x128xf32, #tpu.memory_space<hbm>>) dst(%arg11 : memref<128x128xf32, #tpu.memory_space<vmem>>)
    tpu.wait_dma2 semaphore(%arg16 : memref<!tpu.dma_semaphore, #tpu.memory_space<semaphore_mem>>) src(%arg5 : memref<128x128xf32, #tpu.memory_space<hbm>>) dst(%arg11 : memref<128x128xf32, #tpu.memory_space<vmem>>)
    tpu.wait_dma2 semaphore(%arg16 : memref<!tpu.dma_semaphore, #tpu.memory_space<semaphore_mem>>) src(%arg5 : memref<128x128xf32, #tpu.memory_space<hbm>>) dst(%arg11 : memref<128x128xf32, #tpu.memory_space<vmem>>)
    tpu.wait_dma2 semaphore(%arg16 : memref<!tpu.dma_semaphore, #tpu.memory_space<semaphore_mem>>) src(%arg5 : memref<128x128xf32, #tpu.memory_space<hbm>>) dst(%arg11 : memref<128x128xf32, #tpu.memory_space<vmem>>)
    tpu.wait_dma2 semaphore(%arg16 : memref<!tpu.dma_semaphore, #tpu.memory_space<semaphore_mem>>) src(%arg5 : memref<128x128xf32, #tpu.memory_space<hbm>>) dst(%arg11 : memref<128x128xf32, #tpu.memory_space<vmem>>)
    %dma_start3A_289 = arith.constant 24 : i32
    %dma_start3A_290 = arith.constant 0 : i32
    %dma_start3A_291 = tpu.memref_slice %arg10[%dma_start3A_289, %dma_start3A_290] : memref<40x128xi32, #tpu.memory_space<vmem>> -> memref<1x128xi32, #tpu.memory_space<vmem>>
    %dma_start3A_292 = tpu.memref_squeeze %dma_start3A_291 : memref<1x128xi32, #tpu.memory_space<vmem>> -> memref<128xi32, #tpu.memory_space<vmem>>
    %dma_start3A_293 = arith.constant 0 : i32
    %dma_start3A_294 = arith.constant 0 : i32
    %dma_start3A_295 = tpu.memref_slice %arg13[%dma_start3A_293, %dma_start3A_294] : memref<10240x128xf32, #tpu.memory_space<vmem_shared>> -> memref<10240x128xf32, #tpu.memory_space<vmem_shared>>
    tpu.enqueue_indirect_dma source(%arg12 : memref<128x128xf32, #tpu.memory_space<vmem>>) target(%dma_start3A_295 : memref<10240x128xf32, #tpu.memory_space<vmem_shared>>) offsets(%dma_start3A_292 : memref<128xi32, #tpu.memory_space<vmem>>) semaphore(%arg16 : memref<!tpu.dma_semaphore, #tpu.memory_space<semaphore_mem>>) {add = true}
    %dma_start3A_296 = arith.constant 25 : i32
    %dma_start3A_297 = arith.constant 0 : i32
    %dma_start3A_298 = tpu.memref_slice %arg10[%dma_start3A_296, %dma_start3A_297] : memref<40x128xi32, #tpu.memory_space<vmem>> -> memref<1x128xi32, #tpu.memory_space<vmem>>
    %dma_start3A_299 = tpu.memref_squeeze %dma_start3A_298 : memref<1x128xi32, #tpu.memory_space<vmem>> -> memref<128xi32, #tpu.memory_space<vmem>>
    %dma_start3A_300 = arith.constant 0 : i32
    %dma_start3A_301 = arith.constant 0 : i32
    %dma_start3A_302 = tpu.memref_slice %arg13[%dma_start3A_300, %dma_start3A_301] : memref<10240x128xf32, #tpu.memory_space<vmem_shared>> -> memref<10240x128xf32, #tpu.memory_space<vmem_shared>>
    tpu.enqueue_indirect_dma source(%arg12 : memref<128x128xf32, #tpu.memory_space<vmem>>) target(%dma_start3A_302 : memref<10240x128xf32, #tpu.memory_space<vmem_shared>>) offsets(%dma_start3A_299 : memref<128xi32, #tpu.memory_space<vmem>>) semaphore(%arg16 : memref<!tpu.dma_semaphore, #tpu.memory_space<semaphore_mem>>) {add = true}
    %dma_start3A_303 = arith.constant 26 : i32
    %dma_start3A_304 = arith.constant 0 : i32
    %dma_start3A_305 = tpu.memref_slice %arg10[%dma_start3A_303, %dma_start3A_304] : memref<40x128xi32, #tpu.memory_space<vmem>> -> memref<1x128xi32, #tpu.memory_space<vmem>>
    %dma_start3A_306 = tpu.memref_squeeze %dma_start3A_305 : memref<1x128xi32, #tpu.memory_space<vmem>> -> memref<128xi32, #tpu.memory_space<vmem>>
    %dma_start3A_307 = arith.constant 0 : i32
    %dma_start3A_308 = arith.constant 0 : i32
    %dma_start3A_309 = tpu.memref_slice %arg13[%dma_start3A_307, %dma_start3A_308] : memref<10240x128xf32, #tpu.memory_space<vmem_shared>> -> memref<10240x128xf32, #tpu.memory_space<vmem_shared>>
    tpu.enqueue_indirect_dma source(%arg12 : memref<128x128xf32, #tpu.memory_space<vmem>>) target(%dma_start3A_309 : memref<10240x128xf32, #tpu.memory_space<vmem_shared>>) offsets(%dma_start3A_306 : memref<128xi32, #tpu.memory_space<vmem>>) semaphore(%arg16 : memref<!tpu.dma_semaphore, #tpu.memory_space<semaphore_mem>>) {add = true}
    %dma_start3A_310 = arith.constant 27 : i32
    %dma_start3A_311 = arith.constant 0 : i32
    %dma_start3A_312 = tpu.memref_slice %arg10[%dma_start3A_310, %dma_start3A_311] : memref<40x128xi32, #tpu.memory_space<vmem>> -> memref<1x128xi32, #tpu.memory_space<vmem>>
    %dma_start3A_313 = tpu.memref_squeeze %dma_start3A_312 : memref<1x128xi32, #tpu.memory_space<vmem>> -> memref<128xi32, #tpu.memory_space<vmem>>
    %dma_start3A_314 = arith.constant 0 : i32
    %dma_start3A_315 = arith.constant 0 : i32
    %dma_start3A_316 = tpu.memref_slice %arg13[%dma_start3A_314, %dma_start3A_315] : memref<10240x128xf32, #tpu.memory_space<vmem_shared>> -> memref<10240x128xf32, #tpu.memory_space<vmem_shared>>
    tpu.enqueue_indirect_dma source(%arg12 : memref<128x128xf32, #tpu.memory_space<vmem>>) target(%dma_start3A_316 : memref<10240x128xf32, #tpu.memory_space<vmem_shared>>) offsets(%dma_start3A_313 : memref<128xi32, #tpu.memory_space<vmem>>) semaphore(%arg16 : memref<!tpu.dma_semaphore, #tpu.memory_space<semaphore_mem>>) {add = true}
    %dma_start3A_317 = arith.constant 28 : i32
    %dma_start3A_318 = arith.constant 0 : i32
    %dma_start3A_319 = tpu.memref_slice %arg10[%dma_start3A_317, %dma_start3A_318] : memref<40x128xi32, #tpu.memory_space<vmem>> -> memref<1x128xi32, #tpu.memory_space<vmem>>
    %dma_start3A_320 = tpu.memref_squeeze %dma_start3A_319 : memref<1x128xi32, #tpu.memory_space<vmem>> -> memref<128xi32, #tpu.memory_space<vmem>>
    %dma_start3A_321 = arith.constant 0 : i32
    %dma_start3A_322 = arith.constant 0 : i32
    %dma_start3A_323 = tpu.memref_slice %arg13[%dma_start3A_321, %dma_start3A_322] : memref<10240x128xf32, #tpu.memory_space<vmem_shared>> -> memref<10240x128xf32, #tpu.memory_space<vmem_shared>>
    tpu.enqueue_indirect_dma source(%arg12 : memref<128x128xf32, #tpu.memory_space<vmem>>) target(%dma_start3A_323 : memref<10240x128xf32, #tpu.memory_space<vmem_shared>>) offsets(%dma_start3A_320 : memref<128xi32, #tpu.memory_space<vmem>>) semaphore(%arg16 : memref<!tpu.dma_semaphore, #tpu.memory_space<semaphore_mem>>) {add = true}
    %dma_start3A_324 = arith.constant 29 : i32
    %dma_start3A_325 = arith.constant 0 : i32
    %dma_start3A_326 = tpu.memref_slice %arg10[%dma_start3A_324, %dma_start3A_325] : memref<40x128xi32, #tpu.memory_space<vmem>> -> memref<1x128xi32, #tpu.memory_space<vmem>>
    %dma_start3A_327 = tpu.memref_squeeze %dma_start3A_326 : memref<1x128xi32, #tpu.memory_space<vmem>> -> memref<128xi32, #tpu.memory_space<vmem>>
    %dma_start3A_328 = arith.constant 0 : i32
    %dma_start3A_329 = arith.constant 0 : i32
    %dma_start3A_330 = tpu.memref_slice %arg13[%dma_start3A_328, %dma_start3A_329] : memref<10240x128xf32, #tpu.memory_space<vmem_shared>> -> memref<10240x128xf32, #tpu.memory_space<vmem_shared>>
    tpu.enqueue_indirect_dma source(%arg12 : memref<128x128xf32, #tpu.memory_space<vmem>>) target(%dma_start3A_330 : memref<10240x128xf32, #tpu.memory_space<vmem_shared>>) offsets(%dma_start3A_327 : memref<128xi32, #tpu.memory_space<vmem>>) semaphore(%arg16 : memref<!tpu.dma_semaphore, #tpu.memory_space<semaphore_mem>>) {add = true}
    %dma_start3A_331 = arith.constant 30 : i32
    %dma_start3A_332 = arith.constant 0 : i32
    %dma_start3A_333 = tpu.memref_slice %arg10[%dma_start3A_331, %dma_start3A_332] : memref<40x128xi32, #tpu.memory_space<vmem>> -> memref<1x128xi32, #tpu.memory_space<vmem>>
    %dma_start3A_334 = tpu.memref_squeeze %dma_start3A_333 : memref<1x128xi32, #tpu.memory_space<vmem>> -> memref<128xi32, #tpu.memory_space<vmem>>
    %dma_start3A_335 = arith.constant 0 : i32
    %dma_start3A_336 = arith.constant 0 : i32
    %dma_start3A_337 = tpu.memref_slice %arg13[%dma_start3A_335, %dma_start3A_336] : memref<10240x128xf32, #tpu.memory_space<vmem_shared>> -> memref<10240x128xf32, #tpu.memory_space<vmem_shared>>
    tpu.enqueue_indirect_dma source(%arg12 : memref<128x128xf32, #tpu.memory_space<vmem>>) target(%dma_start3A_337 : memref<10240x128xf32, #tpu.memory_space<vmem_shared>>) offsets(%dma_start3A_334 : memref<128xi32, #tpu.memory_space<vmem>>) semaphore(%arg16 : memref<!tpu.dma_semaphore, #tpu.memory_space<semaphore_mem>>) {add = true}
    %dma_start3A_338 = arith.constant 31 : i32
    %dma_start3A_339 = arith.constant 0 : i32
    %dma_start3A_340 = tpu.memref_slice %arg10[%dma_start3A_338, %dma_start3A_339] : memref<40x128xi32, #tpu.memory_space<vmem>> -> memref<1x128xi32, #tpu.memory_space<vmem>>
    %dma_start3A_341 = tpu.memref_squeeze %dma_start3A_340 : memref<1x128xi32, #tpu.memory_space<vmem>> -> memref<128xi32, #tpu.memory_space<vmem>>
    %dma_start3A_342 = arith.constant 0 : i32
    %dma_start3A_343 = arith.constant 0 : i32
    %dma_start3A_344 = tpu.memref_slice %arg13[%dma_start3A_342, %dma_start3A_343] : memref<10240x128xf32, #tpu.memory_space<vmem_shared>> -> memref<10240x128xf32, #tpu.memory_space<vmem_shared>>
    tpu.enqueue_indirect_dma source(%arg12 : memref<128x128xf32, #tpu.memory_space<vmem>>) target(%dma_start3A_344 : memref<10240x128xf32, #tpu.memory_space<vmem_shared>>) offsets(%dma_start3A_341 : memref<128xi32, #tpu.memory_space<vmem>>) semaphore(%arg16 : memref<!tpu.dma_semaphore, #tpu.memory_space<semaphore_mem>>) {add = true}
    tpu.wait_dma2 semaphore(%arg16 : memref<!tpu.dma_semaphore, #tpu.memory_space<semaphore_mem>>) src(%arg5 : memref<128x128xf32, #tpu.memory_space<hbm>>) dst(%arg11 : memref<128x128xf32, #tpu.memory_space<vmem>>)
    tpu.wait_dma2 semaphore(%arg16 : memref<!tpu.dma_semaphore, #tpu.memory_space<semaphore_mem>>) src(%arg5 : memref<128x128xf32, #tpu.memory_space<hbm>>) dst(%arg11 : memref<128x128xf32, #tpu.memory_space<vmem>>)
    tpu.wait_dma2 semaphore(%arg16 : memref<!tpu.dma_semaphore, #tpu.memory_space<semaphore_mem>>) src(%arg5 : memref<128x128xf32, #tpu.memory_space<hbm>>) dst(%arg11 : memref<128x128xf32, #tpu.memory_space<vmem>>)
    tpu.wait_dma2 semaphore(%arg16 : memref<!tpu.dma_semaphore, #tpu.memory_space<semaphore_mem>>) src(%arg5 : memref<128x128xf32, #tpu.memory_space<hbm>>) dst(%arg11 : memref<128x128xf32, #tpu.memory_space<vmem>>)
    tpu.wait_dma2 semaphore(%arg16 : memref<!tpu.dma_semaphore, #tpu.memory_space<semaphore_mem>>) src(%arg5 : memref<128x128xf32, #tpu.memory_space<hbm>>) dst(%arg11 : memref<128x128xf32, #tpu.memory_space<vmem>>)
    tpu.wait_dma2 semaphore(%arg16 : memref<!tpu.dma_semaphore, #tpu.memory_space<semaphore_mem>>) src(%arg5 : memref<128x128xf32, #tpu.memory_space<hbm>>) dst(%arg11 : memref<128x128xf32, #tpu.memory_space<vmem>>)
    tpu.wait_dma2 semaphore(%arg16 : memref<!tpu.dma_semaphore, #tpu.memory_space<semaphore_mem>>) src(%arg5 : memref<128x128xf32, #tpu.memory_space<hbm>>) dst(%arg11 : memref<128x128xf32, #tpu.memory_space<vmem>>)
    tpu.wait_dma2 semaphore(%arg16 : memref<!tpu.dma_semaphore, #tpu.memory_space<semaphore_mem>>) src(%arg5 : memref<128x128xf32, #tpu.memory_space<hbm>>) dst(%arg11 : memref<128x128xf32, #tpu.memory_space<vmem>>)
    %dma_start3A_345 = arith.constant 32 : i32
    %dma_start3A_346 = arith.constant 0 : i32
    %dma_start3A_347 = tpu.memref_slice %arg10[%dma_start3A_345, %dma_start3A_346] : memref<40x128xi32, #tpu.memory_space<vmem>> -> memref<1x128xi32, #tpu.memory_space<vmem>>
    %dma_start3A_348 = tpu.memref_squeeze %dma_start3A_347 : memref<1x128xi32, #tpu.memory_space<vmem>> -> memref<128xi32, #tpu.memory_space<vmem>>
    %dma_start3A_349 = arith.constant 0 : i32
    %dma_start3A_350 = arith.constant 0 : i32
    %dma_start3A_351 = tpu.memref_slice %arg13[%dma_start3A_349, %dma_start3A_350] : memref<10240x128xf32, #tpu.memory_space<vmem_shared>> -> memref<10240x128xf32, #tpu.memory_space<vmem_shared>>
    tpu.enqueue_indirect_dma source(%arg12 : memref<128x128xf32, #tpu.memory_space<vmem>>) target(%dma_start3A_351 : memref<10240x128xf32, #tpu.memory_space<vmem_shared>>) offsets(%dma_start3A_348 : memref<128xi32, #tpu.memory_space<vmem>>) semaphore(%arg16 : memref<!tpu.dma_semaphore, #tpu.memory_space<semaphore_mem>>) {add = true}
    %dma_start3A_352 = arith.constant 33 : i32
    %dma_start3A_353 = arith.constant 0 : i32
    %dma_start3A_354 = tpu.memref_slice %arg10[%dma_start3A_352, %dma_start3A_353] : memref<40x128xi32, #tpu.memory_space<vmem>> -> memref<1x128xi32, #tpu.memory_space<vmem>>
    %dma_start3A_355 = tpu.memref_squeeze %dma_start3A_354 : memref<1x128xi32, #tpu.memory_space<vmem>> -> memref<128xi32, #tpu.memory_space<vmem>>
    %dma_start3A_356 = arith.constant 0 : i32
    %dma_start3A_357 = arith.constant 0 : i32
    %dma_start3A_358 = tpu.memref_slice %arg13[%dma_start3A_356, %dma_start3A_357] : memref<10240x128xf32, #tpu.memory_space<vmem_shared>> -> memref<10240x128xf32, #tpu.memory_space<vmem_shared>>
    tpu.enqueue_indirect_dma source(%arg12 : memref<128x128xf32, #tpu.memory_space<vmem>>) target(%dma_start3A_358 : memref<10240x128xf32, #tpu.memory_space<vmem_shared>>) offsets(%dma_start3A_355 : memref<128xi32, #tpu.memory_space<vmem>>) semaphore(%arg16 : memref<!tpu.dma_semaphore, #tpu.memory_space<semaphore_mem>>) {add = true}
    %dma_start3A_359 = arith.constant 34 : i32
    %dma_start3A_360 = arith.constant 0 : i32
    %dma_start3A_361 = tpu.memref_slice %arg10[%dma_start3A_359, %dma_start3A_360] : memref<40x128xi32, #tpu.memory_space<vmem>> -> memref<1x128xi32, #tpu.memory_space<vmem>>
    %dma_start3A_362 = tpu.memref_squeeze %dma_start3A_361 : memref<1x128xi32, #tpu.memory_space<vmem>> -> memref<128xi32, #tpu.memory_space<vmem>>
    %dma_start3A_363 = arith.constant 0 : i32
    %dma_start3A_364 = arith.constant 0 : i32
    %dma_start3A_365 = tpu.memref_slice %arg13[%dma_start3A_363, %dma_start3A_364] : memref<10240x128xf32, #tpu.memory_space<vmem_shared>> -> memref<10240x128xf32, #tpu.memory_space<vmem_shared>>
    tpu.enqueue_indirect_dma source(%arg12 : memref<128x128xf32, #tpu.memory_space<vmem>>) target(%dma_start3A_365 : memref<10240x128xf32, #tpu.memory_space<vmem_shared>>) offsets(%dma_start3A_362 : memref<128xi32, #tpu.memory_space<vmem>>) semaphore(%arg16 : memref<!tpu.dma_semaphore, #tpu.memory_space<semaphore_mem>>) {add = true}
    %dma_start3A_366 = arith.constant 35 : i32
    %dma_start3A_367 = arith.constant 0 : i32
    %dma_start3A_368 = tpu.memref_slice %arg10[%dma_start3A_366, %dma_start3A_367] : memref<40x128xi32, #tpu.memory_space<vmem>> -> memref<1x128xi32, #tpu.memory_space<vmem>>
    %dma_start3A_369 = tpu.memref_squeeze %dma_start3A_368 : memref<1x128xi32, #tpu.memory_space<vmem>> -> memref<128xi32, #tpu.memory_space<vmem>>
    %dma_start3A_370 = arith.constant 0 : i32
    %dma_start3A_371 = arith.constant 0 : i32
    %dma_start3A_372 = tpu.memref_slice %arg13[%dma_start3A_370, %dma_start3A_371] : memref<10240x128xf32, #tpu.memory_space<vmem_shared>> -> memref<10240x128xf32, #tpu.memory_space<vmem_shared>>
    tpu.enqueue_indirect_dma source(%arg12 : memref<128x128xf32, #tpu.memory_space<vmem>>) target(%dma_start3A_372 : memref<10240x128xf32, #tpu.memory_space<vmem_shared>>) offsets(%dma_start3A_369 : memref<128xi32, #tpu.memory_space<vmem>>) semaphore(%arg16 : memref<!tpu.dma_semaphore, #tpu.memory_space<semaphore_mem>>) {add = true}
    %dma_start3A_373 = arith.constant 36 : i32
    %dma_start3A_374 = arith.constant 0 : i32
    %dma_start3A_375 = tpu.memref_slice %arg10[%dma_start3A_373, %dma_start3A_374] : memref<40x128xi32, #tpu.memory_space<vmem>> -> memref<1x128xi32, #tpu.memory_space<vmem>>
    %dma_start3A_376 = tpu.memref_squeeze %dma_start3A_375 : memref<1x128xi32, #tpu.memory_space<vmem>> -> memref<128xi32, #tpu.memory_space<vmem>>
    %dma_start3A_377 = arith.constant 0 : i32
    %dma_start3A_378 = arith.constant 0 : i32
    %dma_start3A_379 = tpu.memref_slice %arg13[%dma_start3A_377, %dma_start3A_378] : memref<10240x128xf32, #tpu.memory_space<vmem_shared>> -> memref<10240x128xf32, #tpu.memory_space<vmem_shared>>
    tpu.enqueue_indirect_dma source(%arg12 : memref<128x128xf32, #tpu.memory_space<vmem>>) target(%dma_start3A_379 : memref<10240x128xf32, #tpu.memory_space<vmem_shared>>) offsets(%dma_start3A_376 : memref<128xi32, #tpu.memory_space<vmem>>) semaphore(%arg16 : memref<!tpu.dma_semaphore, #tpu.memory_space<semaphore_mem>>) {add = true}
    %dma_start3A_380 = arith.constant 37 : i32
    %dma_start3A_381 = arith.constant 0 : i32
    %dma_start3A_382 = tpu.memref_slice %arg10[%dma_start3A_380, %dma_start3A_381] : memref<40x128xi32, #tpu.memory_space<vmem>> -> memref<1x128xi32, #tpu.memory_space<vmem>>
    %dma_start3A_383 = tpu.memref_squeeze %dma_start3A_382 : memref<1x128xi32, #tpu.memory_space<vmem>> -> memref<128xi32, #tpu.memory_space<vmem>>
    %dma_start3A_384 = arith.constant 0 : i32
    %dma_start3A_385 = arith.constant 0 : i32
    %dma_start3A_386 = tpu.memref_slice %arg13[%dma_start3A_384, %dma_start3A_385] : memref<10240x128xf32, #tpu.memory_space<vmem_shared>> -> memref<10240x128xf32, #tpu.memory_space<vmem_shared>>
    tpu.enqueue_indirect_dma source(%arg12 : memref<128x128xf32, #tpu.memory_space<vmem>>) target(%dma_start3A_386 : memref<10240x128xf32, #tpu.memory_space<vmem_shared>>) offsets(%dma_start3A_383 : memref<128xi32, #tpu.memory_space<vmem>>) semaphore(%arg16 : memref<!tpu.dma_semaphore, #tpu.memory_space<semaphore_mem>>) {add = true}
    %dma_start3A_387 = arith.constant 38 : i32
    %dma_start3A_388 = arith.constant 0 : i32
    %dma_start3A_389 = tpu.memref_slice %arg10[%dma_start3A_387, %dma_start3A_388] : memref<40x128xi32, #tpu.memory_space<vmem>> -> memref<1x128xi32, #tpu.memory_space<vmem>>
    %dma_start3A_390 = tpu.memref_squeeze %dma_start3A_389 : memref<1x128xi32, #tpu.memory_space<vmem>> -> memref<128xi32, #tpu.memory_space<vmem>>
    %dma_start3A_391 = arith.constant 0 : i32
    %dma_start3A_392 = arith.constant 0 : i32
    %dma_start3A_393 = tpu.memref_slice %arg13[%dma_start3A_391, %dma_start3A_392] : memref<10240x128xf32, #tpu.memory_space<vmem_shared>> -> memref<10240x128xf32, #tpu.memory_space<vmem_shared>>
    tpu.enqueue_indirect_dma source(%arg12 : memref<128x128xf32, #tpu.memory_space<vmem>>) target(%dma_start3A_393 : memref<10240x128xf32, #tpu.memory_space<vmem_shared>>) offsets(%dma_start3A_390 : memref<128xi32, #tpu.memory_space<vmem>>) semaphore(%arg16 : memref<!tpu.dma_semaphore, #tpu.memory_space<semaphore_mem>>) {add = true}
    %dma_start3A_394 = arith.constant 39 : i32
    %dma_start3A_395 = arith.constant 0 : i32
    %dma_start3A_396 = tpu.memref_slice %arg10[%dma_start3A_394, %dma_start3A_395] : memref<40x128xi32, #tpu.memory_space<vmem>> -> memref<1x128xi32, #tpu.memory_space<vmem>>
    %dma_start3A_397 = tpu.memref_squeeze %dma_start3A_396 : memref<1x128xi32, #tpu.memory_space<vmem>> -> memref<128xi32, #tpu.memory_space<vmem>>
    %dma_start3A_398 = arith.constant 0 : i32
    %dma_start3A_399 = arith.constant 0 : i32
    %dma_start3A_400 = tpu.memref_slice %arg13[%dma_start3A_398, %dma_start3A_399] : memref<10240x128xf32, #tpu.memory_space<vmem_shared>> -> memref<10240x128xf32, #tpu.memory_space<vmem_shared>>
    tpu.enqueue_indirect_dma source(%arg12 : memref<128x128xf32, #tpu.memory_space<vmem>>) target(%dma_start3A_400 : memref<10240x128xf32, #tpu.memory_space<vmem_shared>>) offsets(%dma_start3A_397 : memref<128xi32, #tpu.memory_space<vmem>>) semaphore(%arg16 : memref<!tpu.dma_semaphore, #tpu.memory_space<semaphore_mem>>) {add = true}
    tpu.wait_dma2 semaphore(%arg16 : memref<!tpu.dma_semaphore, #tpu.memory_space<semaphore_mem>>) src(%arg5 : memref<128x128xf32, #tpu.memory_space<hbm>>) dst(%arg11 : memref<128x128xf32, #tpu.memory_space<vmem>>)
    tpu.wait_dma2 semaphore(%arg16 : memref<!tpu.dma_semaphore, #tpu.memory_space<semaphore_mem>>) src(%arg5 : memref<128x128xf32, #tpu.memory_space<hbm>>) dst(%arg11 : memref<128x128xf32, #tpu.memory_space<vmem>>)
    tpu.wait_dma2 semaphore(%arg16 : memref<!tpu.dma_semaphore, #tpu.memory_space<semaphore_mem>>) src(%arg5 : memref<128x128xf32, #tpu.memory_space<hbm>>) dst(%arg11 : memref<128x128xf32, #tpu.memory_space<vmem>>)
    tpu.wait_dma2 semaphore(%arg16 : memref<!tpu.dma_semaphore, #tpu.memory_space<semaphore_mem>>) src(%arg5 : memref<128x128xf32, #tpu.memory_space<hbm>>) dst(%arg11 : memref<128x128xf32, #tpu.memory_space<vmem>>)
    tpu.wait_dma2 semaphore(%arg16 : memref<!tpu.dma_semaphore, #tpu.memory_space<semaphore_mem>>) src(%arg5 : memref<128x128xf32, #tpu.memory_space<hbm>>) dst(%arg11 : memref<128x128xf32, #tpu.memory_space<vmem>>)
    tpu.wait_dma2 semaphore(%arg16 : memref<!tpu.dma_semaphore, #tpu.memory_space<semaphore_mem>>) src(%arg5 : memref<128x128xf32, #tpu.memory_space<hbm>>) dst(%arg11 : memref<128x128xf32, #tpu.memory_space<vmem>>)
    tpu.wait_dma2 semaphore(%arg16 : memref<!tpu.dma_semaphore, #tpu.memory_space<semaphore_mem>>) src(%arg5 : memref<128x128xf32, #tpu.memory_space<hbm>>) dst(%arg11 : memref<128x128xf32, #tpu.memory_space<vmem>>)
    tpu.wait_dma2 semaphore(%arg16 : memref<!tpu.dma_semaphore, #tpu.memory_space<semaphore_mem>>) src(%arg5 : memref<128x128xf32, #tpu.memory_space<hbm>>) dst(%arg11 : memref<128x128xf32, #tpu.memory_space<vmem>>)
    %barrier3A_401 = arith.constant 0 : index
    tpu.barrier barrier_id(%barrier3A_401)
    %mul3A_402 = arith.constant 10240 : i32
    %mul3A_403 = arith.muli %arg0, %mul3A_402 : i32
    %add3A_404 = arith.constant 0 : i32
    %add3A_405 = arith.addi %mul3A_0, %add3A_404 : i32
    "tpu.region"() ({
      %run_scoped3A = tpu.sem_alloc : memref<!tpu.dma_semaphore, #tpu.memory_space<semaphore_mem>>
      %dma_start3A_449 = arith.constant 0 : i32
      %dma_start3A_450 = tpu.memref_slice %arg13[%add3A_405, %dma_start3A_449] : memref<10240x128xf32, #tpu.memory_space<vmem_shared>> -> memref<128x128xf32, #tpu.memory_space<vmem_shared>>
      %dma_start3A_451 = arith.constant 0 : i32
      %dma_start3A_452 = tpu.memref_slice %arg13[%add3A_405, %dma_start3A_451] : memref<10240x128xf32, #tpu.memory_space<vmem_shared>> -> memref<128x128xf32, #tpu.memory_space<vmem_shared>>
      tpu.enqueue_dma source(%dma_start3A_452 : memref<128x128xf32, #tpu.memory_space<vmem_shared>>) target(%arg11 : memref<128x128xf32, #tpu.memory_space<vmem>>) target_semaphore(%run_scoped3A : memref<!tpu.dma_semaphore, #tpu.memory_space<semaphore_mem>>)
      %dma_wait3A = arith.constant 0 : i32
      %dma_wait3A_453 = tpu.memref_slice %arg13[%add3A_405, %dma_wait3A] : memref<10240x128xf32, #tpu.memory_space<vmem_shared>> -> memref<128x128xf32, #tpu.memory_space<vmem_shared>>
      %dma_wait3A_454 = arith.constant 0 : i32
      %dma_wait3A_455 = tpu.memref_slice %arg13[%add3A_405, %dma_wait3A_454] : memref<10240x128xf32, #tpu.memory_space<vmem_shared>> -> memref<128x128xf32, #tpu.memory_space<vmem_shared>>
      tpu.wait_dma2 semaphore(%run_scoped3A : memref<!tpu.dma_semaphore, #tpu.memory_space<semaphore_mem>>) src(%dma_wait3A_455 : memref<128x128xf32, #tpu.memory_space<vmem_shared>>) dst(%arg11 : memref<128x128xf32, #tpu.memory_space<vmem>>)
      tpu.yield
    }) : () -> ()
    %add3A_406 = arith.addi %mul3A_403, %mul3A_0 : i32
    %add3A_407 = arith.constant 0 : i32
    %add3A_408 = arith.addi %add3A_406, %add3A_407 : i32
    %dma_start3A_409 = arith.constant 0 : i32
    %dma_start3A_410 = tpu.memref_slice %arg8[%add3A_408, %dma_start3A_409] : memref<20480x128xf32, #tpu.memory_space<hbm>> -> memref<128x128xf32, #tpu.memory_space<hbm>>
    %dma_start3A_411 = arith.constant 0 : i32
    %dma_start3A_412 = tpu.memref_slice %arg8[%add3A_408, %dma_start3A_411] : memref<20480x128xf32, #tpu.memory_space<hbm>> -> memref<128x128xf32, #tpu.memory_space<hbm>>
    tpu.enqueue_dma source(%arg11 : memref<128x128xf32, #tpu.memory_space<vmem>>) target(%dma_start3A_412 : memref<128x128xf32, #tpu.memory_space<hbm>>) target_semaphore(%arg16 : memref<!tpu.dma_semaphore, #tpu.memory_space<semaphore_mem>>)
    %add3A_413 = arith.constant 128 : i32
    %add3A_414 = arith.addi %mul3A_0, %add3A_413 : i32
    "tpu.region"() ({
      %run_scoped3A = tpu.sem_alloc : memref<!tpu.dma_semaphore, #tpu.memory_space<semaphore_mem>>
      %dma_start3A_449 = arith.constant 0 : i32
      %dma_start3A_450 = tpu.memref_slice %arg13[%add3A_414, %dma_start3A_449] : memref<10240x128xf32, #tpu.memory_space<vmem_shared>> -> memref<128x128xf32, #tpu.memory_space<vmem_shared>>
      %dma_start3A_451 = arith.constant 0 : i32
      %dma_start3A_452 = tpu.memref_slice %arg13[%add3A_414, %dma_start3A_451] : memref<10240x128xf32, #tpu.memory_space<vmem_shared>> -> memref<128x128xf32, #tpu.memory_space<vmem_shared>>
      tpu.enqueue_dma source(%dma_start3A_452 : memref<128x128xf32, #tpu.memory_space<vmem_shared>>) target(%arg12 : memref<128x128xf32, #tpu.memory_space<vmem>>) target_semaphore(%run_scoped3A : memref<!tpu.dma_semaphore, #tpu.memory_space<semaphore_mem>>)
      %dma_wait3A = arith.constant 0 : i32
      %dma_wait3A_453 = tpu.memref_slice %arg13[%add3A_414, %dma_wait3A] : memref<10240x128xf32, #tpu.memory_space<vmem_shared>> -> memref<128x128xf32, #tpu.memory_space<vmem_shared>>
      %dma_wait3A_454 = arith.constant 0 : i32
      %dma_wait3A_455 = tpu.memref_slice %arg13[%add3A_414, %dma_wait3A_454] : memref<10240x128xf32, #tpu.memory_space<vmem_shared>> -> memref<128x128xf32, #tpu.memory_space<vmem_shared>>
      tpu.wait_dma2 semaphore(%run_scoped3A : memref<!tpu.dma_semaphore, #tpu.memory_space<semaphore_mem>>) src(%dma_wait3A_455 : memref<128x128xf32, #tpu.memory_space<vmem_shared>>) dst(%arg12 : memref<128x128xf32, #tpu.memory_space<vmem>>)
      tpu.yield
    }) : () -> ()
    %add3A_415 = arith.addi %mul3A_403, %mul3A_0 : i32
    %add3A_416 = arith.constant 128 : i32
    %add3A_417 = arith.addi %add3A_415, %add3A_416 : i32
    %dma_start3A_418 = arith.constant 0 : i32
    %dma_start3A_419 = tpu.memref_slice %arg8[%add3A_417, %dma_start3A_418] : memref<20480x128xf32, #tpu.memory_space<hbm>> -> memref<128x128xf32, #tpu.memory_space<hbm>>
    %dma_start3A_420 = arith.constant 0 : i32
    %dma_start3A_421 = tpu.memref_slice %arg8[%add3A_417, %dma_start3A_420] : memref<20480x128xf32, #tpu.memory_space<hbm>> -> memref<128x128xf32, #tpu.memory_space<hbm>>
    tpu.enqueue_dma source(%arg12 : memref<128x128xf32, #tpu.memory_space<vmem>>) target(%dma_start3A_421 : memref<128x128xf32, #tpu.memory_space<hbm>>) target_semaphore(%arg17 : memref<!tpu.dma_semaphore, #tpu.memory_space<semaphore_mem>>)
    tpu.wait_dma2 semaphore(%arg16 : memref<!tpu.dma_semaphore, #tpu.memory_space<semaphore_mem>>) src(%arg5 : memref<128x128xf32, #tpu.memory_space<hbm>>) dst(%arg11 : memref<128x128xf32, #tpu.memory_space<vmem>>)
    %add3A_422 = arith.constant 256 : i32
    %add3A_423 = arith.addi %mul3A_0, %add3A_422 : i32
    "tpu.region"() ({
      %run_scoped3A = tpu.sem_alloc : memref<!tpu.dma_semaphore, #tpu.memory_space<semaphore_mem>>
      %dma_start3A_449 = arith.constant 0 : i32
      %dma_start3A_450 = tpu.memref_slice %arg13[%add3A_423, %dma_start3A_449] : memref<10240x128xf32, #tpu.memory_space<vmem_shared>> -> memref<128x128xf32, #tpu.memory_space<vmem_shared>>
      %dma_start3A_451 = arith.constant 0 : i32
      %dma_start3A_452 = tpu.memref_slice %arg13[%add3A_423, %dma_start3A_451] : memref<10240x128xf32, #tpu.memory_space<vmem_shared>> -> memref<128x128xf32, #tpu.memory_space<vmem_shared>>
      tpu.enqueue_dma source(%dma_start3A_452 : memref<128x128xf32, #tpu.memory_space<vmem_shared>>) target(%arg11 : memref<128x128xf32, #tpu.memory_space<vmem>>) target_semaphore(%run_scoped3A : memref<!tpu.dma_semaphore, #tpu.memory_space<semaphore_mem>>)
      %dma_wait3A = arith.constant 0 : i32
      %dma_wait3A_453 = tpu.memref_slice %arg13[%add3A_423, %dma_wait3A] : memref<10240x128xf32, #tpu.memory_space<vmem_shared>> -> memref<128x128xf32, #tpu.memory_space<vmem_shared>>
      %dma_wait3A_454 = arith.constant 0 : i32
      %dma_wait3A_455 = tpu.memref_slice %arg13[%add3A_423, %dma_wait3A_454] : memref<10240x128xf32, #tpu.memory_space<vmem_shared>> -> memref<128x128xf32, #tpu.memory_space<vmem_shared>>
      tpu.wait_dma2 semaphore(%run_scoped3A : memref<!tpu.dma_semaphore, #tpu.memory_space<semaphore_mem>>) src(%dma_wait3A_455 : memref<128x128xf32, #tpu.memory_space<vmem_shared>>) dst(%arg11 : memref<128x128xf32, #tpu.memory_space<vmem>>)
      tpu.yield
    }) : () -> ()
    %add3A_424 = arith.addi %mul3A_403, %mul3A_0 : i32
    %add3A_425 = arith.constant 256 : i32
    %add3A_426 = arith.addi %add3A_424, %add3A_425 : i32
    %dma_start3A_427 = arith.constant 0 : i32
    %dma_start3A_428 = tpu.memref_slice %arg8[%add3A_426, %dma_start3A_427] : memref<20480x128xf32, #tpu.memory_space<hbm>> -> memref<128x128xf32, #tpu.memory_space<hbm>>
    %dma_start3A_429 = arith.constant 0 : i32
    %dma_start3A_430 = tpu.memref_slice %arg8[%add3A_426, %dma_start3A_429] : memref<20480x128xf32, #tpu.memory_space<hbm>> -> memref<128x128xf32, #tpu.memory_space<hbm>>
    tpu.enqueue_dma source(%arg11 : memref<128x128xf32, #tpu.memory_space<vmem>>) target(%dma_start3A_430 : memref<128x128xf32, #tpu.memory_space<hbm>>) target_semaphore(%arg16 : memref<!tpu.dma_semaphore, #tpu.memory_space<semaphore_mem>>)
    tpu.wait_dma2 semaphore(%arg17 : memref<!tpu.dma_semaphore, #tpu.memory_space<semaphore_mem>>) src(%arg5 : memref<128x128xf32, #tpu.memory_space<hbm>>) dst(%arg12 : memref<128x128xf32, #tpu.memory_space<vmem>>)
    %add3A_431 = arith.constant 384 : i32
    %add3A_432 = arith.addi %mul3A_0, %add3A_431 : i32
    "tpu.region"() ({
      %run_scoped3A = tpu.sem_alloc : memref<!tpu.dma_semaphore, #tpu.memory_space<semaphore_mem>>
      %dma_start3A_449 = arith.constant 0 : i32
      %dma_start3A_450 = tpu.memref_slice %arg13[%add3A_432, %dma_start3A_449] : memref<10240x128xf32, #tpu.memory_space<vmem_shared>> -> memref<128x128xf32, #tpu.memory_space<vmem_shared>>
      %dma_start3A_451 = arith.constant 0 : i32
      %dma_start3A_452 = tpu.memref_slice %arg13[%add3A_432, %dma_start3A_451] : memref<10240x128xf32, #tpu.memory_space<vmem_shared>> -> memref<128x128xf32, #tpu.memory_space<vmem_shared>>
      tpu.enqueue_dma source(%dma_start3A_452 : memref<128x128xf32, #tpu.memory_space<vmem_shared>>) target(%arg12 : memref<128x128xf32, #tpu.memory_space<vmem>>) target_semaphore(%run_scoped3A : memref<!tpu.dma_semaphore, #tpu.memory_space<semaphore_mem>>)
      %dma_wait3A = arith.constant 0 : i32
      %dma_wait3A_453 = tpu.memref_slice %arg13[%add3A_432, %dma_wait3A] : memref<10240x128xf32, #tpu.memory_space<vmem_shared>> -> memref<128x128xf32, #tpu.memory_space<vmem_shared>>
      %dma_wait3A_454 = arith.constant 0 : i32
      %dma_wait3A_455 = tpu.memref_slice %arg13[%add3A_432, %dma_wait3A_454] : memref<10240x128xf32, #tpu.memory_space<vmem_shared>> -> memref<128x128xf32, #tpu.memory_space<vmem_shared>>
      tpu.wait_dma2 semaphore(%run_scoped3A : memref<!tpu.dma_semaphore, #tpu.memory_space<semaphore_mem>>) src(%dma_wait3A_455 : memref<128x128xf32, #tpu.memory_space<vmem_shared>>) dst(%arg12 : memref<128x128xf32, #tpu.memory_space<vmem>>)
      tpu.yield
    }) : () -> ()
    %add3A_433 = arith.addi %mul3A_403, %mul3A_0 : i32
    %add3A_434 = arith.constant 384 : i32
    %add3A_435 = arith.addi %add3A_433, %add3A_434 : i32
    %dma_start3A_436 = arith.constant 0 : i32
    %dma_start3A_437 = tpu.memref_slice %arg8[%add3A_435, %dma_start3A_436] : memref<20480x128xf32, #tpu.memory_space<hbm>> -> memref<128x128xf32, #tpu.memory_space<hbm>>
    %dma_start3A_438 = arith.constant 0 : i32
    %dma_start3A_439 = tpu.memref_slice %arg8[%add3A_435, %dma_start3A_438] : memref<20480x128xf32, #tpu.memory_space<hbm>> -> memref<128x128xf32, #tpu.memory_space<hbm>>
    tpu.enqueue_dma source(%arg12 : memref<128x128xf32, #tpu.memory_space<vmem>>) target(%dma_start3A_439 : memref<128x128xf32, #tpu.memory_space<hbm>>) target_semaphore(%arg17 : memref<!tpu.dma_semaphore, #tpu.memory_space<semaphore_mem>>)
    tpu.wait_dma2 semaphore(%arg16 : memref<!tpu.dma_semaphore, #tpu.memory_space<semaphore_mem>>) src(%arg5 : memref<128x128xf32, #tpu.memory_space<hbm>>) dst(%arg11 : memref<128x128xf32, #tpu.memory_space<vmem>>)
    %add3A_440 = arith.constant 512 : i32
    %add3A_441 = arith.addi %mul3A_0, %add3A_440 : i32
    "tpu.region"() ({
      %run_scoped3A = tpu.sem_alloc : memref<!tpu.dma_semaphore, #tpu.memory_space<semaphore_mem>>
      %dma_start3A_449 = arith.constant 0 : i32
      %dma_start3A_450 = tpu.memref_slice %arg13[%add3A_441, %dma_start3A_449] : memref<10240x128xf32, #tpu.memory_space<vmem_shared>> -> memref<128x128xf32, #tpu.memory_space<vmem_shared>>
      %dma_start3A_451 = arith.constant 0 : i32
      %dma_start3A_452 = tpu.memref_slice %arg13[%add3A_441, %dma_start3A_451] : memref<10240x128xf32, #tpu.memory_space<vmem_shared>> -> memref<128x128xf32, #tpu.memory_space<vmem_shared>>
      tpu.enqueue_dma source(%dma_start3A_452 : memref<128x128xf32, #tpu.memory_space<vmem_shared>>) target(%arg11 : memref<128x128xf32, #tpu.memory_space<vmem>>) target_semaphore(%run_scoped3A : memref<!tpu.dma_semaphore, #tpu.memory_space<semaphore_mem>>)
      %dma_wait3A = arith.constant 0 : i32
      %dma_wait3A_453 = tpu.memref_slice %arg13[%add3A_441, %dma_wait3A] : memref<10240x128xf32, #tpu.memory_space<vmem_shared>> -> memref<128x128xf32, #tpu.memory_space<vmem_shared>>
      %dma_wait3A_454 = arith.constant 0 : i32
      %dma_wait3A_455 = tpu.memref_slice %arg13[%add3A_441, %dma_wait3A_454] : memref<10240x128xf32, #tpu.memory_space<vmem_shared>> -> memref<128x128xf32, #tpu.memory_space<vmem_shared>>
      tpu.wait_dma2 semaphore(%run_scoped3A : memref<!tpu.dma_semaphore, #tpu.memory_space<semaphore_mem>>) src(%dma_wait3A_455 : memref<128x128xf32, #tpu.memory_space<vmem_shared>>) dst(%arg11 : memref<128x128xf32, #tpu.memory_space<vmem>>)
      tpu.yield
    }) : () -> ()
    %add3A_442 = arith.addi %mul3A_403, %mul3A_0 : i32
    %add3A_443 = arith.constant 512 : i32
    %add3A_444 = arith.addi %add3A_442, %add3A_443 : i32
    %dma_start3A_445 = arith.constant 0 : i32
    %dma_start3A_446 = tpu.memref_slice %arg8[%add3A_444, %dma_start3A_445] : memref<20480x128xf32, #tpu.memory_space<hbm>> -> memref<128x128xf32, #tpu.memory_space<hbm>>
    %dma_start3A_447 = arith.constant 0 : i32
    %dma_start3A_448 = tpu.memref_slice %arg8[%add3A_444, %dma_start3A_447] : memref<20480x128xf32, #tpu.memory_space<hbm>> -> memref<128x128xf32, #tpu.memory_space<hbm>>
    tpu.enqueue_dma source(%arg11 : memref<128x128xf32, #tpu.memory_space<vmem>>) target(%dma_start3A_448 : memref<128x128xf32, #tpu.memory_space<hbm>>) target_semaphore(%arg16 : memref<!tpu.dma_semaphore, #tpu.memory_space<semaphore_mem>>)
    tpu.wait_dma2 semaphore(%arg16 : memref<!tpu.dma_semaphore, #tpu.memory_space<semaphore_mem>>) src(%arg5 : memref<128x128xf32, #tpu.memory_space<hbm>>) dst(%arg11 : memref<128x128xf32, #tpu.memory_space<vmem>>)
    tpu.wait_dma2 semaphore(%arg17 : memref<!tpu.dma_semaphore, #tpu.memory_space<semaphore_mem>>) src(%arg5 : memref<128x128xf32, #tpu.memory_space<hbm>>) dst(%arg12 : memref<128x128xf32, #tpu.memory_space<vmem>>)
    return
  }
}

#map = affine_map<(d0, d1) -> (0, 0)>
module attributes {stable_mosaic.version = 14 : i64} {
  func.func @sc_agg2(%arg0: i32, %arg1: i32, %arg2: memref<40960x128xf32, #tpu.memory_space<hbm>>, %arg3: memref<5120x128xi32, #tpu.memory_space<hbm>>, %arg4: memref<1280x128xi32, #tpu.memory_space<hbm>>, %arg5: memref<128x128xf32, #tpu.memory_space<hbm>>, %arg6: memref<40960x128xf32, #tpu.memory_space<hbm>>, %arg7: memref<40x128xi32, #tpu.memory_space<vmem>>, %arg8: memref<40x128xi32, #tpu.memory_space<vmem>>, %arg9: memref<128x128xf32, #tpu.memory_space<vmem>>, %arg10: memref<128x128xf32, #tpu.memory_space<vmem>>, %arg11: memref<10240x128xf32, #tpu.memory_space<vmem_shared>>, %arg12: memref<!tpu.dma_semaphore, #tpu.memory_space<semaphore_mem>>, %arg13: memref<!tpu.dma_semaphore, #tpu.memory_space<semaphore_mem>>, %arg14: memref<!tpu.dma_semaphore, #tpu.memory_space<semaphore_mem>>, %arg15: memref<!tpu.dma_semaphore, #tpu.memory_space<semaphore_mem>>) attributes {dimension_semantics = [#tpu.dimension_semantics<core_parallel>, #tpu.dimension_semantics<subcore_parallel>], iteration_bounds = array<i64: 2, 16>, scalar_prefetch = 0 : i64, scratch_operands = 9 : i64, tpu.core_type = #tpu.core_type<sc_vector_subcore>, window_params = [{transform_indices = #map}, {transform_indices = #map}, {transform_indices = #map}, {transform_indices = #map}, {transform_indices = #map}]} {
    %mul3A = arith.constant 640 : i32
    %mul3A_0 = arith.muli %arg1, %mul3A : i32
    %mul3A_1 = arith.constant 2 : i32
    %mul3A_2 = arith.muli %arg0, %mul3A_1 : i32
    %add3A = arith.constant 0 : i32
    %add3A_3 = arith.addi %mul3A_2, %add3A : i32
    "tpu.region"() ({
      %run_scoped3A = tpu.sem_alloc : memref<!tpu.dma_semaphore, #tpu.memory_space<semaphore_mem>>
      tpu.enqueue_dma source(%arg5 : memref<128x128xf32, #tpu.memory_space<hbm>>) target(%arg9 : memref<128x128xf32, #tpu.memory_space<vmem>>) target_semaphore(%run_scoped3A : memref<!tpu.dma_semaphore, #tpu.memory_space<semaphore_mem>>)
      tpu.wait_dma2 semaphore(%run_scoped3A : memref<!tpu.dma_semaphore, #tpu.memory_space<semaphore_mem>>) src(%arg5 : memref<128x128xf32, #tpu.memory_space<hbm>>) dst(%arg9 : memref<128x128xf32, #tpu.memory_space<vmem>>)
      tpu.yield
    }) : () -> ()
    %add3A_4 = arith.constant 0 : i32
    %add3A_5 = arith.addi %mul3A_0, %add3A_4 : i32
    %dma_start3A = arith.constant 0 : i32
    %dma_start3A_6 = tpu.memref_slice %arg11[%add3A_5, %dma_start3A] : memref<10240x128xf32, #tpu.memory_space<vmem_shared>> -> memref<128x128xf32, #tpu.memory_space<vmem_shared>>
    %dma_start3A_7 = arith.constant 0 : i32
    %dma_start3A_8 = tpu.memref_slice %arg11[%add3A_5, %dma_start3A_7] : memref<10240x128xf32, #tpu.memory_space<vmem_shared>> -> memref<128x128xf32, #tpu.memory_space<vmem_shared>>
    tpu.enqueue_dma source(%arg9 : memref<128x128xf32, #tpu.memory_space<vmem>>) target(%dma_start3A_8 : memref<128x128xf32, #tpu.memory_space<vmem_shared>>) target_semaphore(%arg14 : memref<!tpu.dma_semaphore, #tpu.memory_space<semaphore_mem>>)
    %add3A_9 = arith.constant 128 : i32
    %add3A_10 = arith.addi %mul3A_0, %add3A_9 : i32
    %dma_start3A_11 = arith.constant 0 : i32
    %dma_start3A_12 = tpu.memref_slice %arg11[%add3A_10, %dma_start3A_11] : memref<10240x128xf32, #tpu.memory_space<vmem_shared>> -> memref<128x128xf32, #tpu.memory_space<vmem_shared>>
    %dma_start3A_13 = arith.constant 0 : i32
    %dma_start3A_14 = tpu.memref_slice %arg11[%add3A_10, %dma_start3A_13] : memref<10240x128xf32, #tpu.memory_space<vmem_shared>> -> memref<128x128xf32, #tpu.memory_space<vmem_shared>>
    tpu.enqueue_dma source(%arg9 : memref<128x128xf32, #tpu.memory_space<vmem>>) target(%dma_start3A_14 : memref<128x128xf32, #tpu.memory_space<vmem_shared>>) target_semaphore(%arg14 : memref<!tpu.dma_semaphore, #tpu.memory_space<semaphore_mem>>)
    %add3A_15 = arith.constant 256 : i32
    %add3A_16 = arith.addi %mul3A_0, %add3A_15 : i32
    %dma_start3A_17 = arith.constant 0 : i32
    %dma_start3A_18 = tpu.memref_slice %arg11[%add3A_16, %dma_start3A_17] : memref<10240x128xf32, #tpu.memory_space<vmem_shared>> -> memref<128x128xf32, #tpu.memory_space<vmem_shared>>
    %dma_start3A_19 = arith.constant 0 : i32
    %dma_start3A_20 = tpu.memref_slice %arg11[%add3A_16, %dma_start3A_19] : memref<10240x128xf32, #tpu.memory_space<vmem_shared>> -> memref<128x128xf32, #tpu.memory_space<vmem_shared>>
    tpu.enqueue_dma source(%arg9 : memref<128x128xf32, #tpu.memory_space<vmem>>) target(%dma_start3A_20 : memref<128x128xf32, #tpu.memory_space<vmem_shared>>) target_semaphore(%arg14 : memref<!tpu.dma_semaphore, #tpu.memory_space<semaphore_mem>>)
    %add3A_21 = arith.constant 384 : i32
    %add3A_22 = arith.addi %mul3A_0, %add3A_21 : i32
    %dma_start3A_23 = arith.constant 0 : i32
    %dma_start3A_24 = tpu.memref_slice %arg11[%add3A_22, %dma_start3A_23] : memref<10240x128xf32, #tpu.memory_space<vmem_shared>> -> memref<128x128xf32, #tpu.memory_space<vmem_shared>>
    %dma_start3A_25 = arith.constant 0 : i32
    %dma_start3A_26 = tpu.memref_slice %arg11[%add3A_22, %dma_start3A_25] : memref<10240x128xf32, #tpu.memory_space<vmem_shared>> -> memref<128x128xf32, #tpu.memory_space<vmem_shared>>
    tpu.enqueue_dma source(%arg9 : memref<128x128xf32, #tpu.memory_space<vmem>>) target(%dma_start3A_26 : memref<128x128xf32, #tpu.memory_space<vmem_shared>>) target_semaphore(%arg14 : memref<!tpu.dma_semaphore, #tpu.memory_space<semaphore_mem>>)
    %add3A_27 = arith.constant 512 : i32
    %add3A_28 = arith.addi %mul3A_0, %add3A_27 : i32
    %dma_start3A_29 = arith.constant 0 : i32
    %dma_start3A_30 = tpu.memref_slice %arg11[%add3A_28, %dma_start3A_29] : memref<10240x128xf32, #tpu.memory_space<vmem_shared>> -> memref<128x128xf32, #tpu.memory_space<vmem_shared>>
    %dma_start3A_31 = arith.constant 0 : i32
    %dma_start3A_32 = tpu.memref_slice %arg11[%add3A_28, %dma_start3A_31] : memref<10240x128xf32, #tpu.memory_space<vmem_shared>> -> memref<128x128xf32, #tpu.memory_space<vmem_shared>>
    tpu.enqueue_dma source(%arg9 : memref<128x128xf32, #tpu.memory_space<vmem>>) target(%dma_start3A_32 : memref<128x128xf32, #tpu.memory_space<vmem_shared>>) target_semaphore(%arg14 : memref<!tpu.dma_semaphore, #tpu.memory_space<semaphore_mem>>)
    tpu.wait_dma2 semaphore(%arg14 : memref<!tpu.dma_semaphore, #tpu.memory_space<semaphore_mem>>) src(%arg5 : memref<128x128xf32, #tpu.memory_space<hbm>>) dst(%arg9 : memref<128x128xf32, #tpu.memory_space<vmem>>)
    tpu.wait_dma2 semaphore(%arg14 : memref<!tpu.dma_semaphore, #tpu.memory_space<semaphore_mem>>) src(%arg5 : memref<128x128xf32, #tpu.memory_space<hbm>>) dst(%arg9 : memref<128x128xf32, #tpu.memory_space<vmem>>)
    tpu.wait_dma2 semaphore(%arg14 : memref<!tpu.dma_semaphore, #tpu.memory_space<semaphore_mem>>) src(%arg5 : memref<128x128xf32, #tpu.memory_space<hbm>>) dst(%arg9 : memref<128x128xf32, #tpu.memory_space<vmem>>)
    tpu.wait_dma2 semaphore(%arg14 : memref<!tpu.dma_semaphore, #tpu.memory_space<semaphore_mem>>) src(%arg5 : memref<128x128xf32, #tpu.memory_space<hbm>>) dst(%arg9 : memref<128x128xf32, #tpu.memory_space<vmem>>)
    tpu.wait_dma2 semaphore(%arg14 : memref<!tpu.dma_semaphore, #tpu.memory_space<semaphore_mem>>) src(%arg5 : memref<128x128xf32, #tpu.memory_space<hbm>>) dst(%arg9 : memref<128x128xf32, #tpu.memory_space<vmem>>)
    %barrier3A = arith.constant 0 : index
    tpu.barrier barrier_id(%barrier3A)
    %scan3A = arith.constant 0 : i32
    %scan3A_33 = arith.constant 2 : i32
    %scan3A_34 = arith.addi %scan3A, %scan3A_33 : i32
    %scan3A_35 = arith.constant 1 : i32
    scf.for %scan3A_173 = %scan3A to %scan3A_34 step %scan3A_35  : i32 {
      %mul3A_174 = arith.constant 1 : i32
      %mul3A_175 = arith.muli %scan3A_173, %mul3A_174 : i32
      %add3A_176 = arith.constant 0 : i32
      %add3A_177 = arith.addi %add3A_176, %mul3A_175 : i32
      %mul3A_178 = arith.constant 80 : i32
      %mul3A_179 = arith.muli %arg1, %mul3A_178 : i32
      %mul3A_180 = arith.constant 40 : i32
      %mul3A_181 = arith.muli %add3A_177, %mul3A_180 : i32
      %add3A_182 = arith.addi %mul3A_179, %mul3A_181 : i32
      %mul3A_183 = arith.constant 1280 : i32
      %mul3A_184 = arith.muli %add3A_3, %mul3A_183 : i32
      %add3A_185 = arith.addi %mul3A_184, %add3A_182 : i32
      "tpu.region"() ({
        %run_scoped3A = tpu.sem_alloc : memref<!tpu.dma_semaphore, #tpu.memory_space<semaphore_mem>>
        %dma_start3A_205 = arith.constant 0 : i32
        %dma_start3A_206 = tpu.memref_slice %arg3[%add3A_185, %dma_start3A_205] : memref<5120x128xi32, #tpu.memory_space<hbm>> -> memref<40x128xi32, #tpu.memory_space<hbm>>
        %dma_start3A_207 = arith.constant 0 : i32
        %dma_start3A_208 = tpu.memref_slice %arg3[%add3A_185, %dma_start3A_207] : memref<5120x128xi32, #tpu.memory_space<hbm>> -> memref<40x128xi32, #tpu.memory_space<hbm>>
        tpu.enqueue_dma source(%dma_start3A_208 : memref<40x128xi32, #tpu.memory_space<hbm>>) target(%arg7 : memref<40x128xi32, #tpu.memory_space<vmem>>) target_semaphore(%run_scoped3A : memref<!tpu.dma_semaphore, #tpu.memory_space<semaphore_mem>>)
        %dma_wait3A = arith.constant 0 : i32
        %dma_wait3A_209 = tpu.memref_slice %arg3[%add3A_185, %dma_wait3A] : memref<5120x128xi32, #tpu.memory_space<hbm>> -> memref<40x128xi32, #tpu.memory_space<hbm>>
        %dma_wait3A_210 = arith.constant 0 : i32
        %dma_wait3A_211 = tpu.memref_slice %arg3[%add3A_185, %dma_wait3A_210] : memref<5120x128xi32, #tpu.memory_space<hbm>> -> memref<40x128xi32, #tpu.memory_space<hbm>>
        tpu.wait_dma2 semaphore(%run_scoped3A : memref<!tpu.dma_semaphore, #tpu.memory_space<semaphore_mem>>) src(%dma_wait3A_211 : memref<40x128xi32, #tpu.memory_space<hbm>>) dst(%arg7 : memref<40x128xi32, #tpu.memory_space<vmem>>)
        tpu.yield
      }) : () -> ()
      "tpu.region"() ({
        %run_scoped3A = tpu.sem_alloc : memref<!tpu.dma_semaphore, #tpu.memory_space<semaphore_mem>>
        %dma_start3A_205 = arith.constant 0 : i32
        %dma_start3A_206 = tpu.memref_slice %arg4[%add3A_182, %dma_start3A_205] : memref<1280x128xi32, #tpu.memory_space<hbm>> -> memref<40x128xi32, #tpu.memory_space<hbm>>
        %dma_start3A_207 = arith.constant 0 : i32
        %dma_start3A_208 = tpu.memref_slice %arg4[%add3A_182, %dma_start3A_207] : memref<1280x128xi32, #tpu.memory_space<hbm>> -> memref<40x128xi32, #tpu.memory_space<hbm>>
        tpu.enqueue_dma source(%dma_start3A_208 : memref<40x128xi32, #tpu.memory_space<hbm>>) target(%arg8 : memref<40x128xi32, #tpu.memory_space<vmem>>) target_semaphore(%run_scoped3A : memref<!tpu.dma_semaphore, #tpu.memory_space<semaphore_mem>>)
        %dma_wait3A = arith.constant 0 : i32
        %dma_wait3A_209 = tpu.memref_slice %arg4[%add3A_182, %dma_wait3A] : memref<1280x128xi32, #tpu.memory_space<hbm>> -> memref<40x128xi32, #tpu.memory_space<hbm>>
        %dma_wait3A_210 = arith.constant 0 : i32
        %dma_wait3A_211 = tpu.memref_slice %arg4[%add3A_182, %dma_wait3A_210] : memref<1280x128xi32, #tpu.memory_space<hbm>> -> memref<40x128xi32, #tpu.memory_space<hbm>>
        tpu.wait_dma2 semaphore(%run_scoped3A : memref<!tpu.dma_semaphore, #tpu.memory_space<semaphore_mem>>) src(%dma_wait3A_211 : memref<40x128xi32, #tpu.memory_space<hbm>>) dst(%arg8 : memref<40x128xi32, #tpu.memory_space<vmem>>)
        tpu.yield
      }) : () -> ()
      %dma_start3A_186 = arith.constant 0 : i32
      %dma_start3A_187 = arith.constant 0 : i32
      %dma_start3A_188 = tpu.memref_slice %arg7[%dma_start3A_186, %dma_start3A_187] : memref<40x128xi32, #tpu.memory_space<vmem>> -> memref<1x128xi32, #tpu.memory_space<vmem>>
      %dma_start3A_189 = tpu.memref_squeeze %dma_start3A_188 : memref<1x128xi32, #tpu.memory_space<vmem>> -> memref<128xi32, #tpu.memory_space<vmem>>
      %dma_start3A_190 = arith.constant 0 : i32
      %dma_start3A_191 = arith.constant 0 : i32
      %dma_start3A_192 = tpu.memref_slice %arg2[%dma_start3A_190, %dma_start3A_191] : memref<40960x128xf32, #tpu.memory_space<hbm>> -> memref<40960x128xf32, #tpu.memory_space<hbm>>
      tpu.enqueue_indirect_dma source(%dma_start3A_192 : memref<40960x128xf32, #tpu.memory_space<hbm>>) target(%arg9 : memref<128x128xf32, #tpu.memory_space<vmem>>) offsets(%dma_start3A_189 : memref<128xi32, #tpu.memory_space<vmem>>) semaphore(%arg12 : memref<!tpu.dma_semaphore, #tpu.memory_space<semaphore_mem>>)
      %dma_start3A_193 = arith.constant 1 : i32
      %dma_start3A_194 = arith.constant 0 : i32
      %dma_start3A_195 = tpu.memref_slice %arg7[%dma_start3A_193, %dma_start3A_194] : memref<40x128xi32, #tpu.memory_space<vmem>> -> memref<1x128xi32, #tpu.memory_space<vmem>>
      %dma_start3A_196 = tpu.memref_squeeze %dma_start3A_195 : memref<1x128xi32, #tpu.memory_space<vmem>> -> memref<128xi32, #tpu.memory_space<vmem>>
      %dma_start3A_197 = arith.constant 0 : i32
      %dma_start3A_198 = arith.constant 0 : i32
      %dma_start3A_199 = tpu.memref_slice %arg2[%dma_start3A_197, %dma_start3A_198] : memref<40960x128xf32, #tpu.memory_space<hbm>> -> memref<40960x128xf32, #tpu.memory_space<hbm>>
      tpu.enqueue_indirect_dma source(%dma_start3A_199 : memref<40960x128xf32, #tpu.memory_space<hbm>>) target(%arg10 : memref<128x128xf32, #tpu.memory_space<vmem>>) offsets(%dma_start3A_196 : memref<128xi32, #tpu.memory_space<vmem>>) semaphore(%arg13 : memref<!tpu.dma_semaphore, #tpu.memory_space<semaphore_mem>>)
      %scan3A_200 = arith.constant 0 : i32
      %scan3A_201 = arith.constant 20 : i32
      %scan3A_202 = arith.addi %scan3A_200, %scan3A_201 : i32
      %scan3A_203 = arith.constant 1 : i32
      scf.for %scan3A_205 = %scan3A_200 to %scan3A_202 step %scan3A_203  : i32 {
        %mul3A_206 = arith.constant 1 : i32
        %mul3A_207 = arith.muli %scan3A_205, %mul3A_206 : i32
        %add3A_208 = arith.constant 0 : i32
        %add3A_209 = arith.addi %add3A_208, %mul3A_207 : i32
        %mul3A_210 = arith.constant 2 : i32
        %mul3A_211 = arith.muli %mul3A_210, %add3A_209 : i32
        tpu.wait_dma2 semaphore(%arg12 : memref<!tpu.dma_semaphore, #tpu.memory_space<semaphore_mem>>) src(%arg5 : memref<128x128xf32, #tpu.memory_space<hbm>>) dst(%arg9 : memref<128x128xf32, #tpu.memory_space<vmem>>)
        "tpu.region"() ({
          %run_scoped3A = tpu.sem_alloc : memref<!tpu.dma_semaphore, #tpu.memory_space<semaphore_mem>>
          %dma_start3A_233 = arith.constant 0 : i32
          %dma_start3A_234 = tpu.memref_slice %arg8[%mul3A_211, %dma_start3A_233] : memref<40x128xi32, #tpu.memory_space<vmem>> -> memref<1x128xi32, #tpu.memory_space<vmem>>
          %dma_start3A_235 = tpu.memref_squeeze %dma_start3A_234 : memref<1x128xi32, #tpu.memory_space<vmem>> -> memref<128xi32, #tpu.memory_space<vmem>>
          %dma_start3A_236 = arith.constant 0 : i32
          %dma_start3A_237 = arith.constant 0 : i32
          %dma_start3A_238 = tpu.memref_slice %arg11[%dma_start3A_236, %dma_start3A_237] : memref<10240x128xf32, #tpu.memory_space<vmem_shared>> -> memref<10240x128xf32, #tpu.memory_space<vmem_shared>>
          tpu.enqueue_indirect_dma source(%arg9 : memref<128x128xf32, #tpu.memory_space<vmem>>) target(%dma_start3A_238 : memref<10240x128xf32, #tpu.memory_space<vmem_shared>>) offsets(%dma_start3A_235 : memref<128xi32, #tpu.memory_space<vmem>>) semaphore(%run_scoped3A : memref<!tpu.dma_semaphore, #tpu.memory_space<semaphore_mem>>) {add = true}
          %dma_wait3A = arith.constant 0 : i32
          %dma_wait3A_239 = tpu.memref_slice %arg8[%mul3A_211, %dma_wait3A] : memref<40x128xi32, #tpu.memory_space<vmem>> -> memref<1x128xi32, #tpu.memory_space<vmem>>
          %dma_wait3A_240 = tpu.memref_squeeze %dma_wait3A_239 : memref<1x128xi32, #tpu.memory_space<vmem>> -> memref<128xi32, #tpu.memory_space<vmem>>
          %dma_wait3A_241 = arith.constant 0 : i32
          %dma_wait3A_242 = arith.constant 0 : i32
          %dma_wait3A_243 = tpu.memref_slice %arg11[%dma_wait3A_241, %dma_wait3A_242] : memref<10240x128xf32, #tpu.memory_space<vmem_shared>> -> memref<10240x128xf32, #tpu.memory_space<vmem_shared>>
          tpu.wait_indirect_dma semaphore(%run_scoped3A : memref<!tpu.dma_semaphore, #tpu.memory_space<semaphore_mem>>) src(%arg9 : memref<128x128xf32, #tpu.memory_space<vmem>>) dst(%dma_wait3A_243 : memref<10240x128xf32, #tpu.memory_space<vmem_shared>>)
          tpu.yield
        }) : () -> ()
        %add3A_212 = arith.constant 2 : i32
        %add3A_213 = arith.addi %mul3A_211, %add3A_212 : i32
        %min3A = arith.constant 39 : i32
        %min3A_214 = arith.minsi %add3A_213, %min3A : i32
        %dma_start3A_215 = arith.constant 0 : i32
        %dma_start3A_216 = tpu.memref_slice %arg7[%min3A_214, %dma_start3A_215] : memref<40x128xi32, #tpu.memory_space<vmem>> -> memref<1x128xi32, #tpu.memory_space<vmem>>
        %dma_start3A_217 = tpu.memref_squeeze %dma_start3A_216 : memref<1x128xi32, #tpu.memory_space<vmem>> -> memref<128xi32, #tpu.memory_space<vmem>>
        %dma_start3A_218 = arith.constant 0 : i32
        %dma_start3A_219 = arith.constant 0 : i32
        %dma_start3A_220 = tpu.memref_slice %arg2[%dma_start3A_218, %dma_start3A_219] : memref<40960x128xf32, #tpu.memory_space<hbm>> -> memref<40960x128xf32, #tpu.memory_space<hbm>>
        tpu.enqueue_indirect_dma source(%dma_start3A_220 : memref<40960x128xf32, #tpu.memory_space<hbm>>) target(%arg9 : memref<128x128xf32, #tpu.memory_space<vmem>>) offsets(%dma_start3A_217 : memref<128xi32, #tpu.memory_space<vmem>>) semaphore(%arg12 : memref<!tpu.dma_semaphore, #tpu.memory_space<semaphore_mem>>)
        tpu.wait_dma2 semaphore(%arg13 : memref<!tpu.dma_semaphore, #tpu.memory_space<semaphore_mem>>) src(%arg5 : memref<128x128xf32, #tpu.memory_space<hbm>>) dst(%arg10 : memref<128x128xf32, #tpu.memory_space<vmem>>)
        %add3A_221 = arith.constant 1 : i32
        %add3A_222 = arith.addi %mul3A_211, %add3A_221 : i32
        "tpu.region"() ({
          %run_scoped3A = tpu.sem_alloc : memref<!tpu.dma_semaphore, #tpu.memory_space<semaphore_mem>>
          %dma_start3A_233 = arith.constant 0 : i32
          %dma_start3A_234 = tpu.memref_slice %arg8[%add3A_222, %dma_start3A_233] : memref<40x128xi32, #tpu.memory_space<vmem>> -> memref<1x128xi32, #tpu.memory_space<vmem>>
          %dma_start3A_235 = tpu.memref_squeeze %dma_start3A_234 : memref<1x128xi32, #tpu.memory_space<vmem>> -> memref<128xi32, #tpu.memory_space<vmem>>
          %dma_start3A_236 = arith.constant 0 : i32
          %dma_start3A_237 = arith.constant 0 : i32
          %dma_start3A_238 = tpu.memref_slice %arg11[%dma_start3A_236, %dma_start3A_237] : memref<10240x128xf32, #tpu.memory_space<vmem_shared>> -> memref<10240x128xf32, #tpu.memory_space<vmem_shared>>
          tpu.enqueue_indirect_dma source(%arg10 : memref<128x128xf32, #tpu.memory_space<vmem>>) target(%dma_start3A_238 : memref<10240x128xf32, #tpu.memory_space<vmem_shared>>) offsets(%dma_start3A_235 : memref<128xi32, #tpu.memory_space<vmem>>) semaphore(%run_scoped3A : memref<!tpu.dma_semaphore, #tpu.memory_space<semaphore_mem>>) {add = true}
          %dma_wait3A = arith.constant 0 : i32
          %dma_wait3A_239 = tpu.memref_slice %arg8[%add3A_222, %dma_wait3A] : memref<40x128xi32, #tpu.memory_space<vmem>> -> memref<1x128xi32, #tpu.memory_space<vmem>>
          %dma_wait3A_240 = tpu.memref_squeeze %dma_wait3A_239 : memref<1x128xi32, #tpu.memory_space<vmem>> -> memref<128xi32, #tpu.memory_space<vmem>>
          %dma_wait3A_241 = arith.constant 0 : i32
          %dma_wait3A_242 = arith.constant 0 : i32
          %dma_wait3A_243 = tpu.memref_slice %arg11[%dma_wait3A_241, %dma_wait3A_242] : memref<10240x128xf32, #tpu.memory_space<vmem_shared>> -> memref<10240x128xf32, #tpu.memory_space<vmem_shared>>
          tpu.wait_indirect_dma semaphore(%run_scoped3A : memref<!tpu.dma_semaphore, #tpu.memory_space<semaphore_mem>>) src(%arg10 : memref<128x128xf32, #tpu.memory_space<vmem>>) dst(%dma_wait3A_243 : memref<10240x128xf32, #tpu.memory_space<vmem_shared>>)
          tpu.yield
        }) : () -> ()
        %add3A_223 = arith.constant 3 : i32
        %add3A_224 = arith.addi %mul3A_211, %add3A_223 : i32
        %min3A_225 = arith.constant 39 : i32
        %min3A_226 = arith.minsi %add3A_224, %min3A_225 : i32
        %dma_start3A_227 = arith.constant 0 : i32
        %dma_start3A_228 = tpu.memref_slice %arg7[%min3A_226, %dma_start3A_227] : memref<40x128xi32, #tpu.memory_space<vmem>> -> memref<1x128xi32, #tpu.memory_space<vmem>>
        %dma_start3A_229 = tpu.memref_squeeze %dma_start3A_228 : memref<1x128xi32, #tpu.memory_space<vmem>> -> memref<128xi32, #tpu.memory_space<vmem>>
        %dma_start3A_230 = arith.constant 0 : i32
        %dma_start3A_231 = arith.constant 0 : i32
        %dma_start3A_232 = tpu.memref_slice %arg2[%dma_start3A_230, %dma_start3A_231] : memref<40960x128xf32, #tpu.memory_space<hbm>> -> memref<40960x128xf32, #tpu.memory_space<hbm>>
        tpu.enqueue_indirect_dma source(%dma_start3A_232 : memref<40960x128xf32, #tpu.memory_space<hbm>>) target(%arg10 : memref<128x128xf32, #tpu.memory_space<vmem>>) offsets(%dma_start3A_229 : memref<128xi32, #tpu.memory_space<vmem>>) semaphore(%arg13 : memref<!tpu.dma_semaphore, #tpu.memory_space<semaphore_mem>>)
      }
      %scan3A_204 = arith.constant 20 : i32
      tpu.wait_dma2 semaphore(%arg12 : memref<!tpu.dma_semaphore, #tpu.memory_space<semaphore_mem>>) src(%arg5 : memref<128x128xf32, #tpu.memory_space<hbm>>) dst(%arg9 : memref<128x128xf32, #tpu.memory_space<vmem>>)
      tpu.wait_dma2 semaphore(%arg13 : memref<!tpu.dma_semaphore, #tpu.memory_space<semaphore_mem>>) src(%arg5 : memref<128x128xf32, #tpu.memory_space<hbm>>) dst(%arg10 : memref<128x128xf32, #tpu.memory_space<vmem>>)
    }
    %scan3A_36 = arith.constant 2 : i32
    %barrier3A_37 = arith.constant 0 : index
    tpu.barrier barrier_id(%barrier3A_37)
    %mul3A_38 = arith.constant 10240 : i32
    %mul3A_39 = arith.muli %add3A_3, %mul3A_38 : i32
    %add3A_40 = arith.constant 0 : i32
    %add3A_41 = arith.addi %mul3A_0, %add3A_40 : i32
    "tpu.region"() ({
      %run_scoped3A = tpu.sem_alloc : memref<!tpu.dma_semaphore, #tpu.memory_space<semaphore_mem>>
      %dma_start3A_173 = arith.constant 0 : i32
      %dma_start3A_174 = tpu.memref_slice %arg11[%add3A_41, %dma_start3A_173] : memref<10240x128xf32, #tpu.memory_space<vmem_shared>> -> memref<128x128xf32, #tpu.memory_space<vmem_shared>>
      %dma_start3A_175 = arith.constant 0 : i32
      %dma_start3A_176 = tpu.memref_slice %arg11[%add3A_41, %dma_start3A_175] : memref<10240x128xf32, #tpu.memory_space<vmem_shared>> -> memref<128x128xf32, #tpu.memory_space<vmem_shared>>
      tpu.enqueue_dma source(%dma_start3A_176 : memref<128x128xf32, #tpu.memory_space<vmem_shared>>) target(%arg9 : memref<128x128xf32, #tpu.memory_space<vmem>>) target_semaphore(%run_scoped3A : memref<!tpu.dma_semaphore, #tpu.memory_space<semaphore_mem>>)
      %dma_wait3A = arith.constant 0 : i32
      %dma_wait3A_177 = tpu.memref_slice %arg11[%add3A_41, %dma_wait3A] : memref<10240x128xf32, #tpu.memory_space<vmem_shared>> -> memref<128x128xf32, #tpu.memory_space<vmem_shared>>
      %dma_wait3A_178 = arith.constant 0 : i32
      %dma_wait3A_179 = tpu.memref_slice %arg11[%add3A_41, %dma_wait3A_178] : memref<10240x128xf32, #tpu.memory_space<vmem_shared>> -> memref<128x128xf32, #tpu.memory_space<vmem_shared>>
      tpu.wait_dma2 semaphore(%run_scoped3A : memref<!tpu.dma_semaphore, #tpu.memory_space<semaphore_mem>>) src(%dma_wait3A_179 : memref<128x128xf32, #tpu.memory_space<vmem_shared>>) dst(%arg9 : memref<128x128xf32, #tpu.memory_space<vmem>>)
      tpu.yield
    }) : () -> ()
    %add3A_42 = arith.addi %mul3A_39, %mul3A_0 : i32
    %add3A_43 = arith.constant 0 : i32
    %add3A_44 = arith.addi %add3A_42, %add3A_43 : i32
    %dma_start3A_45 = arith.constant 0 : i32
    %dma_start3A_46 = tpu.memref_slice %arg6[%add3A_44, %dma_start3A_45] : memref<40960x128xf32, #tpu.memory_space<hbm>> -> memref<128x128xf32, #tpu.memory_space<hbm>>
    %dma_start3A_47 = arith.constant 0 : i32
    %dma_start3A_48 = tpu.memref_slice %arg6[%add3A_44, %dma_start3A_47] : memref<40960x128xf32, #tpu.memory_space<hbm>> -> memref<128x128xf32, #tpu.memory_space<hbm>>
    tpu.enqueue_dma source(%arg9 : memref<128x128xf32, #tpu.memory_space<vmem>>) target(%dma_start3A_48 : memref<128x128xf32, #tpu.memory_space<hbm>>) target_semaphore(%arg14 : memref<!tpu.dma_semaphore, #tpu.memory_space<semaphore_mem>>)
    %add3A_49 = arith.constant 128 : i32
    %add3A_50 = arith.addi %mul3A_0, %add3A_49 : i32
    "tpu.region"() ({
      %run_scoped3A = tpu.sem_alloc : memref<!tpu.dma_semaphore, #tpu.memory_space<semaphore_mem>>
      %dma_start3A_173 = arith.constant 0 : i32
      %dma_start3A_174 = tpu.memref_slice %arg11[%add3A_50, %dma_start3A_173] : memref<10240x128xf32, #tpu.memory_space<vmem_shared>> -> memref<128x128xf32, #tpu.memory_space<vmem_shared>>
      %dma_start3A_175 = arith.constant 0 : i32
      %dma_start3A_176 = tpu.memref_slice %arg11[%add3A_50, %dma_start3A_175] : memref<10240x128xf32, #tpu.memory_space<vmem_shared>> -> memref<128x128xf32, #tpu.memory_space<vmem_shared>>
      tpu.enqueue_dma source(%dma_start3A_176 : memref<128x128xf32, #tpu.memory_space<vmem_shared>>) target(%arg10 : memref<128x128xf32, #tpu.memory_space<vmem>>) target_semaphore(%run_scoped3A : memref<!tpu.dma_semaphore, #tpu.memory_space<semaphore_mem>>)
      %dma_wait3A = arith.constant 0 : i32
      %dma_wait3A_177 = tpu.memref_slice %arg11[%add3A_50, %dma_wait3A] : memref<10240x128xf32, #tpu.memory_space<vmem_shared>> -> memref<128x128xf32, #tpu.memory_space<vmem_shared>>
      %dma_wait3A_178 = arith.constant 0 : i32
      %dma_wait3A_179 = tpu.memref_slice %arg11[%add3A_50, %dma_wait3A_178] : memref<10240x128xf32, #tpu.memory_space<vmem_shared>> -> memref<128x128xf32, #tpu.memory_space<vmem_shared>>
      tpu.wait_dma2 semaphore(%run_scoped3A : memref<!tpu.dma_semaphore, #tpu.memory_space<semaphore_mem>>) src(%dma_wait3A_179 : memref<128x128xf32, #tpu.memory_space<vmem_shared>>) dst(%arg10 : memref<128x128xf32, #tpu.memory_space<vmem>>)
      tpu.yield
    }) : () -> ()
    %add3A_51 = arith.addi %mul3A_39, %mul3A_0 : i32
    %add3A_52 = arith.constant 128 : i32
    %add3A_53 = arith.addi %add3A_51, %add3A_52 : i32
    %dma_start3A_54 = arith.constant 0 : i32
    %dma_start3A_55 = tpu.memref_slice %arg6[%add3A_53, %dma_start3A_54] : memref<40960x128xf32, #tpu.memory_space<hbm>> -> memref<128x128xf32, #tpu.memory_space<hbm>>
    %dma_start3A_56 = arith.constant 0 : i32
    %dma_start3A_57 = tpu.memref_slice %arg6[%add3A_53, %dma_start3A_56] : memref<40960x128xf32, #tpu.memory_space<hbm>> -> memref<128x128xf32, #tpu.memory_space<hbm>>
    tpu.enqueue_dma source(%arg10 : memref<128x128xf32, #tpu.memory_space<vmem>>) target(%dma_start3A_57 : memref<128x128xf32, #tpu.memory_space<hbm>>) target_semaphore(%arg15 : memref<!tpu.dma_semaphore, #tpu.memory_space<semaphore_mem>>)
    tpu.wait_dma2 semaphore(%arg14 : memref<!tpu.dma_semaphore, #tpu.memory_space<semaphore_mem>>) src(%arg5 : memref<128x128xf32, #tpu.memory_space<hbm>>) dst(%arg9 : memref<128x128xf32, #tpu.memory_space<vmem>>)
    %add3A_58 = arith.constant 256 : i32
    %add3A_59 = arith.addi %mul3A_0, %add3A_58 : i32
    "tpu.region"() ({
      %run_scoped3A = tpu.sem_alloc : memref<!tpu.dma_semaphore, #tpu.memory_space<semaphore_mem>>
      %dma_start3A_173 = arith.constant 0 : i32
      %dma_start3A_174 = tpu.memref_slice %arg11[%add3A_59, %dma_start3A_173] : memref<10240x128xf32, #tpu.memory_space<vmem_shared>> -> memref<128x128xf32, #tpu.memory_space<vmem_shared>>
      %dma_start3A_175 = arith.constant 0 : i32
      %dma_start3A_176 = tpu.memref_slice %arg11[%add3A_59, %dma_start3A_175] : memref<10240x128xf32, #tpu.memory_space<vmem_shared>> -> memref<128x128xf32, #tpu.memory_space<vmem_shared>>
      tpu.enqueue_dma source(%dma_start3A_176 : memref<128x128xf32, #tpu.memory_space<vmem_shared>>) target(%arg9 : memref<128x128xf32, #tpu.memory_space<vmem>>) target_semaphore(%run_scoped3A : memref<!tpu.dma_semaphore, #tpu.memory_space<semaphore_mem>>)
      %dma_wait3A = arith.constant 0 : i32
      %dma_wait3A_177 = tpu.memref_slice %arg11[%add3A_59, %dma_wait3A] : memref<10240x128xf32, #tpu.memory_space<vmem_shared>> -> memref<128x128xf32, #tpu.memory_space<vmem_shared>>
      %dma_wait3A_178 = arith.constant 0 : i32
      %dma_wait3A_179 = tpu.memref_slice %arg11[%add3A_59, %dma_wait3A_178] : memref<10240x128xf32, #tpu.memory_space<vmem_shared>> -> memref<128x128xf32, #tpu.memory_space<vmem_shared>>
      tpu.wait_dma2 semaphore(%run_scoped3A : memref<!tpu.dma_semaphore, #tpu.memory_space<semaphore_mem>>) src(%dma_wait3A_179 : memref<128x128xf32, #tpu.memory_space<vmem_shared>>) dst(%arg9 : memref<128x128xf32, #tpu.memory_space<vmem>>)
      tpu.yield
    }) : () -> ()
    %add3A_60 = arith.addi %mul3A_39, %mul3A_0 : i32
    %add3A_61 = arith.constant 256 : i32
    %add3A_62 = arith.addi %add3A_60, %add3A_61 : i32
    %dma_start3A_63 = arith.constant 0 : i32
    %dma_start3A_64 = tpu.memref_slice %arg6[%add3A_62, %dma_start3A_63] : memref<40960x128xf32, #tpu.memory_space<hbm>> -> memref<128x128xf32, #tpu.memory_space<hbm>>
    %dma_start3A_65 = arith.constant 0 : i32
    %dma_start3A_66 = tpu.memref_slice %arg6[%add3A_62, %dma_start3A_65] : memref<40960x128xf32, #tpu.memory_space<hbm>> -> memref<128x128xf32, #tpu.memory_space<hbm>>
    tpu.enqueue_dma source(%arg9 : memref<128x128xf32, #tpu.memory_space<vmem>>) target(%dma_start3A_66 : memref<128x128xf32, #tpu.memory_space<hbm>>) target_semaphore(%arg14 : memref<!tpu.dma_semaphore, #tpu.memory_space<semaphore_mem>>)
    tpu.wait_dma2 semaphore(%arg15 : memref<!tpu.dma_semaphore, #tpu.memory_space<semaphore_mem>>) src(%arg5 : memref<128x128xf32, #tpu.memory_space<hbm>>) dst(%arg10 : memref<128x128xf32, #tpu.memory_space<vmem>>)
    %add3A_67 = arith.constant 384 : i32
    %add3A_68 = arith.addi %mul3A_0, %add3A_67 : i32
    "tpu.region"() ({
      %run_scoped3A = tpu.sem_alloc : memref<!tpu.dma_semaphore, #tpu.memory_space<semaphore_mem>>
      %dma_start3A_173 = arith.constant 0 : i32
      %dma_start3A_174 = tpu.memref_slice %arg11[%add3A_68, %dma_start3A_173] : memref<10240x128xf32, #tpu.memory_space<vmem_shared>> -> memref<128x128xf32, #tpu.memory_space<vmem_shared>>
      %dma_start3A_175 = arith.constant 0 : i32
      %dma_start3A_176 = tpu.memref_slice %arg11[%add3A_68, %dma_start3A_175] : memref<10240x128xf32, #tpu.memory_space<vmem_shared>> -> memref<128x128xf32, #tpu.memory_space<vmem_shared>>
      tpu.enqueue_dma source(%dma_start3A_176 : memref<128x128xf32, #tpu.memory_space<vmem_shared>>) target(%arg10 : memref<128x128xf32, #tpu.memory_space<vmem>>) target_semaphore(%run_scoped3A : memref<!tpu.dma_semaphore, #tpu.memory_space<semaphore_mem>>)
      %dma_wait3A = arith.constant 0 : i32
      %dma_wait3A_177 = tpu.memref_slice %arg11[%add3A_68, %dma_wait3A] : memref<10240x128xf32, #tpu.memory_space<vmem_shared>> -> memref<128x128xf32, #tpu.memory_space<vmem_shared>>
      %dma_wait3A_178 = arith.constant 0 : i32
      %dma_wait3A_179 = tpu.memref_slice %arg11[%add3A_68, %dma_wait3A_178] : memref<10240x128xf32, #tpu.memory_space<vmem_shared>> -> memref<128x128xf32, #tpu.memory_space<vmem_shared>>
      tpu.wait_dma2 semaphore(%run_scoped3A : memref<!tpu.dma_semaphore, #tpu.memory_space<semaphore_mem>>) src(%dma_wait3A_179 : memref<128x128xf32, #tpu.memory_space<vmem_shared>>) dst(%arg10 : memref<128x128xf32, #tpu.memory_space<vmem>>)
      tpu.yield
    }) : () -> ()
    %add3A_69 = arith.addi %mul3A_39, %mul3A_0 : i32
    %add3A_70 = arith.constant 384 : i32
    %add3A_71 = arith.addi %add3A_69, %add3A_70 : i32
    %dma_start3A_72 = arith.constant 0 : i32
    %dma_start3A_73 = tpu.memref_slice %arg6[%add3A_71, %dma_start3A_72] : memref<40960x128xf32, #tpu.memory_space<hbm>> -> memref<128x128xf32, #tpu.memory_space<hbm>>
    %dma_start3A_74 = arith.constant 0 : i32
    %dma_start3A_75 = tpu.memref_slice %arg6[%add3A_71, %dma_start3A_74] : memref<40960x128xf32, #tpu.memory_space<hbm>> -> memref<128x128xf32, #tpu.memory_space<hbm>>
    tpu.enqueue_dma source(%arg10 : memref<128x128xf32, #tpu.memory_space<vmem>>) target(%dma_start3A_75 : memref<128x128xf32, #tpu.memory_space<hbm>>) target_semaphore(%arg15 : memref<!tpu.dma_semaphore, #tpu.memory_space<semaphore_mem>>)
    tpu.wait_dma2 semaphore(%arg14 : memref<!tpu.dma_semaphore, #tpu.memory_space<semaphore_mem>>) src(%arg5 : memref<128x128xf32, #tpu.memory_space<hbm>>) dst(%arg9 : memref<128x128xf32, #tpu.memory_space<vmem>>)
    %add3A_76 = arith.constant 512 : i32
    %add3A_77 = arith.addi %mul3A_0, %add3A_76 : i32
    "tpu.region"() ({
      %run_scoped3A = tpu.sem_alloc : memref<!tpu.dma_semaphore, #tpu.memory_space<semaphore_mem>>
      %dma_start3A_173 = arith.constant 0 : i32
      %dma_start3A_174 = tpu.memref_slice %arg11[%add3A_77, %dma_start3A_173] : memref<10240x128xf32, #tpu.memory_space<vmem_shared>> -> memref<128x128xf32, #tpu.memory_space<vmem_shared>>
      %dma_start3A_175 = arith.constant 0 : i32
      %dma_start3A_176 = tpu.memref_slice %arg11[%add3A_77, %dma_start3A_175] : memref<10240x128xf32, #tpu.memory_space<vmem_shared>> -> memref<128x128xf32, #tpu.memory_space<vmem_shared>>
      tpu.enqueue_dma source(%dma_start3A_176 : memref<128x128xf32, #tpu.memory_space<vmem_shared>>) target(%arg9 : memref<128x128xf32, #tpu.memory_space<vmem>>) target_semaphore(%run_scoped3A : memref<!tpu.dma_semaphore, #tpu.memory_space<semaphore_mem>>)
      %dma_wait3A = arith.constant 0 : i32
      %dma_wait3A_177 = tpu.memref_slice %arg11[%add3A_77, %dma_wait3A] : memref<10240x128xf32, #tpu.memory_space<vmem_shared>> -> memref<128x128xf32, #tpu.memory_space<vmem_shared>>
      %dma_wait3A_178 = arith.constant 0 : i32
      %dma_wait3A_179 = tpu.memref_slice %arg11[%add3A_77, %dma_wait3A_178] : memref<10240x128xf32, #tpu.memory_space<vmem_shared>> -> memref<128x128xf32, #tpu.memory_space<vmem_shared>>
      tpu.wait_dma2 semaphore(%run_scoped3A : memref<!tpu.dma_semaphore, #tpu.memory_space<semaphore_mem>>) src(%dma_wait3A_179 : memref<128x128xf32, #tpu.memory_space<vmem_shared>>) dst(%arg9 : memref<128x128xf32, #tpu.memory_space<vmem>>)
      tpu.yield
    }) : () -> ()
    %add3A_78 = arith.addi %mul3A_39, %mul3A_0 : i32
    %add3A_79 = arith.constant 512 : i32
    %add3A_80 = arith.addi %add3A_78, %add3A_79 : i32
    %dma_start3A_81 = arith.constant 0 : i32
    %dma_start3A_82 = tpu.memref_slice %arg6[%add3A_80, %dma_start3A_81] : memref<40960x128xf32, #tpu.memory_space<hbm>> -> memref<128x128xf32, #tpu.memory_space<hbm>>
    %dma_start3A_83 = arith.constant 0 : i32
    %dma_start3A_84 = tpu.memref_slice %arg6[%add3A_80, %dma_start3A_83] : memref<40960x128xf32, #tpu.memory_space<hbm>> -> memref<128x128xf32, #tpu.memory_space<hbm>>
    tpu.enqueue_dma source(%arg9 : memref<128x128xf32, #tpu.memory_space<vmem>>) target(%dma_start3A_84 : memref<128x128xf32, #tpu.memory_space<hbm>>) target_semaphore(%arg14 : memref<!tpu.dma_semaphore, #tpu.memory_space<semaphore_mem>>)
    tpu.wait_dma2 semaphore(%arg14 : memref<!tpu.dma_semaphore, #tpu.memory_space<semaphore_mem>>) src(%arg5 : memref<128x128xf32, #tpu.memory_space<hbm>>) dst(%arg9 : memref<128x128xf32, #tpu.memory_space<vmem>>)
    tpu.wait_dma2 semaphore(%arg15 : memref<!tpu.dma_semaphore, #tpu.memory_space<semaphore_mem>>) src(%arg5 : memref<128x128xf32, #tpu.memory_space<hbm>>) dst(%arg10 : memref<128x128xf32, #tpu.memory_space<vmem>>)
    %mul3A_85 = arith.constant 2 : i32
    %mul3A_86 = arith.muli %arg0, %mul3A_85 : i32
    %add3A_87 = arith.constant 1 : i32
    %add3A_88 = arith.addi %mul3A_86, %add3A_87 : i32
    "tpu.region"() ({
      %run_scoped3A = tpu.sem_alloc : memref<!tpu.dma_semaphore, #tpu.memory_space<semaphore_mem>>
      tpu.enqueue_dma source(%arg5 : memref<128x128xf32, #tpu.memory_space<hbm>>) target(%arg9 : memref<128x128xf32, #tpu.memory_space<vmem>>) target_semaphore(%run_scoped3A : memref<!tpu.dma_semaphore, #tpu.memory_space<semaphore_mem>>)
      tpu.wait_dma2 semaphore(%run_scoped3A : memref<!tpu.dma_semaphore, #tpu.memory_space<semaphore_mem>>) src(%arg5 : memref<128x128xf32, #tpu.memory_space<hbm>>) dst(%arg9 : memref<128x128xf32, #tpu.memory_space<vmem>>)
      tpu.yield
    }) : () -> ()
    %add3A_89 = arith.constant 0 : i32
    %add3A_90 = arith.addi %mul3A_0, %add3A_89 : i32
    %dma_start3A_91 = arith.constant 0 : i32
    %dma_start3A_92 = tpu.memref_slice %arg11[%add3A_90, %dma_start3A_91] : memref<10240x128xf32, #tpu.memory_space<vmem_shared>> -> memref<128x128xf32, #tpu.memory_space<vmem_shared>>
    %dma_start3A_93 = arith.constant 0 : i32
    %dma_start3A_94 = tpu.memref_slice %arg11[%add3A_90, %dma_start3A_93] : memref<10240x128xf32, #tpu.memory_space<vmem_shared>> -> memref<128x128xf32, #tpu.memory_space<vmem_shared>>
    tpu.enqueue_dma source(%arg9 : memref<128x128xf32, #tpu.memory_space<vmem>>) target(%dma_start3A_94 : memref<128x128xf32, #tpu.memory_space<vmem_shared>>) target_semaphore(%arg14 : memref<!tpu.dma_semaphore, #tpu.memory_space<semaphore_mem>>)
    %add3A_95 = arith.constant 128 : i32
    %add3A_96 = arith.addi %mul3A_0, %add3A_95 : i32
    %dma_start3A_97 = arith.constant 0 : i32
    %dma_start3A_98 = tpu.memref_slice %arg11[%add3A_96, %dma_start3A_97] : memref<10240x128xf32, #tpu.memory_space<vmem_shared>> -> memref<128x128xf32, #tpu.memory_space<vmem_shared>>
    %dma_start3A_99 = arith.constant 0 : i32
    %dma_start3A_100 = tpu.memref_slice %arg11[%add3A_96, %dma_start3A_99] : memref<10240x128xf32, #tpu.memory_space<vmem_shared>> -> memref<128x128xf32, #tpu.memory_space<vmem_shared>>
    tpu.enqueue_dma source(%arg9 : memref<128x128xf32, #tpu.memory_space<vmem>>) target(%dma_start3A_100 : memref<128x128xf32, #tpu.memory_space<vmem_shared>>) target_semaphore(%arg14 : memref<!tpu.dma_semaphore, #tpu.memory_space<semaphore_mem>>)
    %add3A_101 = arith.constant 256 : i32
    %add3A_102 = arith.addi %mul3A_0, %add3A_101 : i32
    %dma_start3A_103 = arith.constant 0 : i32
    %dma_start3A_104 = tpu.memref_slice %arg11[%add3A_102, %dma_start3A_103] : memref<10240x128xf32, #tpu.memory_space<vmem_shared>> -> memref<128x128xf32, #tpu.memory_space<vmem_shared>>
    %dma_start3A_105 = arith.constant 0 : i32
    %dma_start3A_106 = tpu.memref_slice %arg11[%add3A_102, %dma_start3A_105] : memref<10240x128xf32, #tpu.memory_space<vmem_shared>> -> memref<128x128xf32, #tpu.memory_space<vmem_shared>>
    tpu.enqueue_dma source(%arg9 : memref<128x128xf32, #tpu.memory_space<vmem>>) target(%dma_start3A_106 : memref<128x128xf32, #tpu.memory_space<vmem_shared>>) target_semaphore(%arg14 : memref<!tpu.dma_semaphore, #tpu.memory_space<semaphore_mem>>)
    %add3A_107 = arith.constant 384 : i32
    %add3A_108 = arith.addi %mul3A_0, %add3A_107 : i32
    %dma_start3A_109 = arith.constant 0 : i32
    %dma_start3A_110 = tpu.memref_slice %arg11[%add3A_108, %dma_start3A_109] : memref<10240x128xf32, #tpu.memory_space<vmem_shared>> -> memref<128x128xf32, #tpu.memory_space<vmem_shared>>
    %dma_start3A_111 = arith.constant 0 : i32
    %dma_start3A_112 = tpu.memref_slice %arg11[%add3A_108, %dma_start3A_111] : memref<10240x128xf32, #tpu.memory_space<vmem_shared>> -> memref<128x128xf32, #tpu.memory_space<vmem_shared>>
    tpu.enqueue_dma source(%arg9 : memref<128x128xf32, #tpu.memory_space<vmem>>) target(%dma_start3A_112 : memref<128x128xf32, #tpu.memory_space<vmem_shared>>) target_semaphore(%arg14 : memref<!tpu.dma_semaphore, #tpu.memory_space<semaphore_mem>>)
    %add3A_113 = arith.constant 512 : i32
    %add3A_114 = arith.addi %mul3A_0, %add3A_113 : i32
    %dma_start3A_115 = arith.constant 0 : i32
    %dma_start3A_116 = tpu.memref_slice %arg11[%add3A_114, %dma_start3A_115] : memref<10240x128xf32, #tpu.memory_space<vmem_shared>> -> memref<128x128xf32, #tpu.memory_space<vmem_shared>>
    %dma_start3A_117 = arith.constant 0 : i32
    %dma_start3A_118 = tpu.memref_slice %arg11[%add3A_114, %dma_start3A_117] : memref<10240x128xf32, #tpu.memory_space<vmem_shared>> -> memref<128x128xf32, #tpu.memory_space<vmem_shared>>
    tpu.enqueue_dma source(%arg9 : memref<128x128xf32, #tpu.memory_space<vmem>>) target(%dma_start3A_118 : memref<128x128xf32, #tpu.memory_space<vmem_shared>>) target_semaphore(%arg14 : memref<!tpu.dma_semaphore, #tpu.memory_space<semaphore_mem>>)
    tpu.wait_dma2 semaphore(%arg14 : memref<!tpu.dma_semaphore, #tpu.memory_space<semaphore_mem>>) src(%arg5 : memref<128x128xf32, #tpu.memory_space<hbm>>) dst(%arg9 : memref<128x128xf32, #tpu.memory_space<vmem>>)
    tpu.wait_dma2 semaphore(%arg14 : memref<!tpu.dma_semaphore, #tpu.memory_space<semaphore_mem>>) src(%arg5 : memref<128x128xf32, #tpu.memory_space<hbm>>) dst(%arg9 : memref<128x128xf32, #tpu.memory_space<vmem>>)
    tpu.wait_dma2 semaphore(%arg14 : memref<!tpu.dma_semaphore, #tpu.memory_space<semaphore_mem>>) src(%arg5 : memref<128x128xf32, #tpu.memory_space<hbm>>) dst(%arg9 : memref<128x128xf32, #tpu.memory_space<vmem>>)
    tpu.wait_dma2 semaphore(%arg14 : memref<!tpu.dma_semaphore, #tpu.memory_space<semaphore_mem>>) src(%arg5 : memref<128x128xf32, #tpu.memory_space<hbm>>) dst(%arg9 : memref<128x128xf32, #tpu.memory_space<vmem>>)
    tpu.wait_dma2 semaphore(%arg14 : memref<!tpu.dma_semaphore, #tpu.memory_space<semaphore_mem>>) src(%arg5 : memref<128x128xf32, #tpu.memory_space<hbm>>) dst(%arg9 : memref<128x128xf32, #tpu.memory_space<vmem>>)
    %barrier3A_119 = arith.constant 0 : index
    tpu.barrier barrier_id(%barrier3A_119)
    %scan3A_120 = arith.constant 0 : i32
    %scan3A_121 = arith.constant 2 : i32
    %scan3A_122 = arith.addi %scan3A_120, %scan3A_121 : i32
    %scan3A_123 = arith.constant 1 : i32
    scf.for %scan3A_173 = %scan3A_120 to %scan3A_122 step %scan3A_123  : i32 {
      %mul3A_174 = arith.constant 1 : i32
      %mul3A_175 = arith.muli %scan3A_173, %mul3A_174 : i32
      %add3A_176 = arith.constant 0 : i32
      %add3A_177 = arith.addi %add3A_176, %mul3A_175 : i32
      %mul3A_178 = arith.constant 80 : i32
      %mul3A_179 = arith.muli %arg1, %mul3A_178 : i32
      %mul3A_180 = arith.constant 40 : i32
      %mul3A_181 = arith.muli %add3A_177, %mul3A_180 : i32
      %add3A_182 = arith.addi %mul3A_179, %mul3A_181 : i32
      %mul3A_183 = arith.constant 1280 : i32
      %mul3A_184 = arith.muli %add3A_88, %mul3A_183 : i32
      %add3A_185 = arith.addi %mul3A_184, %add3A_182 : i32
      "tpu.region"() ({
        %run_scoped3A = tpu.sem_alloc : memref<!tpu.dma_semaphore, #tpu.memory_space<semaphore_mem>>
        %dma_start3A_205 = arith.constant 0 : i32
        %dma_start3A_206 = tpu.memref_slice %arg3[%add3A_185, %dma_start3A_205] : memref<5120x128xi32, #tpu.memory_space<hbm>> -> memref<40x128xi32, #tpu.memory_space<hbm>>
        %dma_start3A_207 = arith.constant 0 : i32
        %dma_start3A_208 = tpu.memref_slice %arg3[%add3A_185, %dma_start3A_207] : memref<5120x128xi32, #tpu.memory_space<hbm>> -> memref<40x128xi32, #tpu.memory_space<hbm>>
        tpu.enqueue_dma source(%dma_start3A_208 : memref<40x128xi32, #tpu.memory_space<hbm>>) target(%arg7 : memref<40x128xi32, #tpu.memory_space<vmem>>) target_semaphore(%run_scoped3A : memref<!tpu.dma_semaphore, #tpu.memory_space<semaphore_mem>>)
        %dma_wait3A = arith.constant 0 : i32
        %dma_wait3A_209 = tpu.memref_slice %arg3[%add3A_185, %dma_wait3A] : memref<5120x128xi32, #tpu.memory_space<hbm>> -> memref<40x128xi32, #tpu.memory_space<hbm>>
        %dma_wait3A_210 = arith.constant 0 : i32
        %dma_wait3A_211 = tpu.memref_slice %arg3[%add3A_185, %dma_wait3A_210] : memref<5120x128xi32, #tpu.memory_space<hbm>> -> memref<40x128xi32, #tpu.memory_space<hbm>>
        tpu.wait_dma2 semaphore(%run_scoped3A : memref<!tpu.dma_semaphore, #tpu.memory_space<semaphore_mem>>) src(%dma_wait3A_211 : memref<40x128xi32, #tpu.memory_space<hbm>>) dst(%arg7 : memref<40x128xi32, #tpu.memory_space<vmem>>)
        tpu.yield
      }) : () -> ()
      "tpu.region"() ({
        %run_scoped3A = tpu.sem_alloc : memref<!tpu.dma_semaphore, #tpu.memory_space<semaphore_mem>>
        %dma_start3A_205 = arith.constant 0 : i32
        %dma_start3A_206 = tpu.memref_slice %arg4[%add3A_182, %dma_start3A_205] : memref<1280x128xi32, #tpu.memory_space<hbm>> -> memref<40x128xi32, #tpu.memory_space<hbm>>
        %dma_start3A_207 = arith.constant 0 : i32
        %dma_start3A_208 = tpu.memref_slice %arg4[%add3A_182, %dma_start3A_207] : memref<1280x128xi32, #tpu.memory_space<hbm>> -> memref<40x128xi32, #tpu.memory_space<hbm>>
        tpu.enqueue_dma source(%dma_start3A_208 : memref<40x128xi32, #tpu.memory_space<hbm>>) target(%arg8 : memref<40x128xi32, #tpu.memory_space<vmem>>) target_semaphore(%run_scoped3A : memref<!tpu.dma_semaphore, #tpu.memory_space<semaphore_mem>>)
        %dma_wait3A = arith.constant 0 : i32
        %dma_wait3A_209 = tpu.memref_slice %arg4[%add3A_182, %dma_wait3A] : memref<1280x128xi32, #tpu.memory_space<hbm>> -> memref<40x128xi32, #tpu.memory_space<hbm>>
        %dma_wait3A_210 = arith.constant 0 : i32
        %dma_wait3A_211 = tpu.memref_slice %arg4[%add3A_182, %dma_wait3A_210] : memref<1280x128xi32, #tpu.memory_space<hbm>> -> memref<40x128xi32, #tpu.memory_space<hbm>>
        tpu.wait_dma2 semaphore(%run_scoped3A : memref<!tpu.dma_semaphore, #tpu.memory_space<semaphore_mem>>) src(%dma_wait3A_211 : memref<40x128xi32, #tpu.memory_space<hbm>>) dst(%arg8 : memref<40x128xi32, #tpu.memory_space<vmem>>)
        tpu.yield
      }) : () -> ()
      %dma_start3A_186 = arith.constant 0 : i32
      %dma_start3A_187 = arith.constant 0 : i32
      %dma_start3A_188 = tpu.memref_slice %arg7[%dma_start3A_186, %dma_start3A_187] : memref<40x128xi32, #tpu.memory_space<vmem>> -> memref<1x128xi32, #tpu.memory_space<vmem>>
      %dma_start3A_189 = tpu.memref_squeeze %dma_start3A_188 : memref<1x128xi32, #tpu.memory_space<vmem>> -> memref<128xi32, #tpu.memory_space<vmem>>
      %dma_start3A_190 = arith.constant 0 : i32
      %dma_start3A_191 = arith.constant 0 : i32
      %dma_start3A_192 = tpu.memref_slice %arg2[%dma_start3A_190, %dma_start3A_191] : memref<40960x128xf32, #tpu.memory_space<hbm>> -> memref<40960x128xf32, #tpu.memory_space<hbm>>
      tpu.enqueue_indirect_dma source(%dma_start3A_192 : memref<40960x128xf32, #tpu.memory_space<hbm>>) target(%arg9 : memref<128x128xf32, #tpu.memory_space<vmem>>) offsets(%dma_start3A_189 : memref<128xi32, #tpu.memory_space<vmem>>) semaphore(%arg12 : memref<!tpu.dma_semaphore, #tpu.memory_space<semaphore_mem>>)
      %dma_start3A_193 = arith.constant 1 : i32
      %dma_start3A_194 = arith.constant 0 : i32
      %dma_start3A_195 = tpu.memref_slice %arg7[%dma_start3A_193, %dma_start3A_194] : memref<40x128xi32, #tpu.memory_space<vmem>> -> memref<1x128xi32, #tpu.memory_space<vmem>>
      %dma_start3A_196 = tpu.memref_squeeze %dma_start3A_195 : memref<1x128xi32, #tpu.memory_space<vmem>> -> memref<128xi32, #tpu.memory_space<vmem>>
      %dma_start3A_197 = arith.constant 0 : i32
      %dma_start3A_198 = arith.constant 0 : i32
      %dma_start3A_199 = tpu.memref_slice %arg2[%dma_start3A_197, %dma_start3A_198] : memref<40960x128xf32, #tpu.memory_space<hbm>> -> memref<40960x128xf32, #tpu.memory_space<hbm>>
      tpu.enqueue_indirect_dma source(%dma_start3A_199 : memref<40960x128xf32, #tpu.memory_space<hbm>>) target(%arg10 : memref<128x128xf32, #tpu.memory_space<vmem>>) offsets(%dma_start3A_196 : memref<128xi32, #tpu.memory_space<vmem>>) semaphore(%arg13 : memref<!tpu.dma_semaphore, #tpu.memory_space<semaphore_mem>>)
      %scan3A_200 = arith.constant 0 : i32
      %scan3A_201 = arith.constant 20 : i32
      %scan3A_202 = arith.addi %scan3A_200, %scan3A_201 : i32
      %scan3A_203 = arith.constant 1 : i32
      scf.for %scan3A_205 = %scan3A_200 to %scan3A_202 step %scan3A_203  : i32 {
        %mul3A_206 = arith.constant 1 : i32
        %mul3A_207 = arith.muli %scan3A_205, %mul3A_206 : i32
        %add3A_208 = arith.constant 0 : i32
        %add3A_209 = arith.addi %add3A_208, %mul3A_207 : i32
        %mul3A_210 = arith.constant 2 : i32
        %mul3A_211 = arith.muli %mul3A_210, %add3A_209 : i32
        tpu.wait_dma2 semaphore(%arg12 : memref<!tpu.dma_semaphore, #tpu.memory_space<semaphore_mem>>) src(%arg5 : memref<128x128xf32, #tpu.memory_space<hbm>>) dst(%arg9 : memref<128x128xf32, #tpu.memory_space<vmem>>)
        "tpu.region"() ({
          %run_scoped3A = tpu.sem_alloc : memref<!tpu.dma_semaphore, #tpu.memory_space<semaphore_mem>>
          %dma_start3A_233 = arith.constant 0 : i32
          %dma_start3A_234 = tpu.memref_slice %arg8[%mul3A_211, %dma_start3A_233] : memref<40x128xi32, #tpu.memory_space<vmem>> -> memref<1x128xi32, #tpu.memory_space<vmem>>
          %dma_start3A_235 = tpu.memref_squeeze %dma_start3A_234 : memref<1x128xi32, #tpu.memory_space<vmem>> -> memref<128xi32, #tpu.memory_space<vmem>>
          %dma_start3A_236 = arith.constant 0 : i32
          %dma_start3A_237 = arith.constant 0 : i32
          %dma_start3A_238 = tpu.memref_slice %arg11[%dma_start3A_236, %dma_start3A_237] : memref<10240x128xf32, #tpu.memory_space<vmem_shared>> -> memref<10240x128xf32, #tpu.memory_space<vmem_shared>>
          tpu.enqueue_indirect_dma source(%arg9 : memref<128x128xf32, #tpu.memory_space<vmem>>) target(%dma_start3A_238 : memref<10240x128xf32, #tpu.memory_space<vmem_shared>>) offsets(%dma_start3A_235 : memref<128xi32, #tpu.memory_space<vmem>>) semaphore(%run_scoped3A : memref<!tpu.dma_semaphore, #tpu.memory_space<semaphore_mem>>) {add = true}
          %dma_wait3A = arith.constant 0 : i32
          %dma_wait3A_239 = tpu.memref_slice %arg8[%mul3A_211, %dma_wait3A] : memref<40x128xi32, #tpu.memory_space<vmem>> -> memref<1x128xi32, #tpu.memory_space<vmem>>
          %dma_wait3A_240 = tpu.memref_squeeze %dma_wait3A_239 : memref<1x128xi32, #tpu.memory_space<vmem>> -> memref<128xi32, #tpu.memory_space<vmem>>
          %dma_wait3A_241 = arith.constant 0 : i32
          %dma_wait3A_242 = arith.constant 0 : i32
          %dma_wait3A_243 = tpu.memref_slice %arg11[%dma_wait3A_241, %dma_wait3A_242] : memref<10240x128xf32, #tpu.memory_space<vmem_shared>> -> memref<10240x128xf32, #tpu.memory_space<vmem_shared>>
          tpu.wait_indirect_dma semaphore(%run_scoped3A : memref<!tpu.dma_semaphore, #tpu.memory_space<semaphore_mem>>) src(%arg9 : memref<128x128xf32, #tpu.memory_space<vmem>>) dst(%dma_wait3A_243 : memref<10240x128xf32, #tpu.memory_space<vmem_shared>>)
          tpu.yield
        }) : () -> ()
        %add3A_212 = arith.constant 2 : i32
        %add3A_213 = arith.addi %mul3A_211, %add3A_212 : i32
        %min3A = arith.constant 39 : i32
        %min3A_214 = arith.minsi %add3A_213, %min3A : i32
        %dma_start3A_215 = arith.constant 0 : i32
        %dma_start3A_216 = tpu.memref_slice %arg7[%min3A_214, %dma_start3A_215] : memref<40x128xi32, #tpu.memory_space<vmem>> -> memref<1x128xi32, #tpu.memory_space<vmem>>
        %dma_start3A_217 = tpu.memref_squeeze %dma_start3A_216 : memref<1x128xi32, #tpu.memory_space<vmem>> -> memref<128xi32, #tpu.memory_space<vmem>>
        %dma_start3A_218 = arith.constant 0 : i32
        %dma_start3A_219 = arith.constant 0 : i32
        %dma_start3A_220 = tpu.memref_slice %arg2[%dma_start3A_218, %dma_start3A_219] : memref<40960x128xf32, #tpu.memory_space<hbm>> -> memref<40960x128xf32, #tpu.memory_space<hbm>>
        tpu.enqueue_indirect_dma source(%dma_start3A_220 : memref<40960x128xf32, #tpu.memory_space<hbm>>) target(%arg9 : memref<128x128xf32, #tpu.memory_space<vmem>>) offsets(%dma_start3A_217 : memref<128xi32, #tpu.memory_space<vmem>>) semaphore(%arg12 : memref<!tpu.dma_semaphore, #tpu.memory_space<semaphore_mem>>)
        tpu.wait_dma2 semaphore(%arg13 : memref<!tpu.dma_semaphore, #tpu.memory_space<semaphore_mem>>) src(%arg5 : memref<128x128xf32, #tpu.memory_space<hbm>>) dst(%arg10 : memref<128x128xf32, #tpu.memory_space<vmem>>)
        %add3A_221 = arith.constant 1 : i32
        %add3A_222 = arith.addi %mul3A_211, %add3A_221 : i32
        "tpu.region"() ({
          %run_scoped3A = tpu.sem_alloc : memref<!tpu.dma_semaphore, #tpu.memory_space<semaphore_mem>>
          %dma_start3A_233 = arith.constant 0 : i32
          %dma_start3A_234 = tpu.memref_slice %arg8[%add3A_222, %dma_start3A_233] : memref<40x128xi32, #tpu.memory_space<vmem>> -> memref<1x128xi32, #tpu.memory_space<vmem>>
          %dma_start3A_235 = tpu.memref_squeeze %dma_start3A_234 : memref<1x128xi32, #tpu.memory_space<vmem>> -> memref<128xi32, #tpu.memory_space<vmem>>
          %dma_start3A_236 = arith.constant 0 : i32
          %dma_start3A_237 = arith.constant 0 : i32
          %dma_start3A_238 = tpu.memref_slice %arg11[%dma_start3A_236, %dma_start3A_237] : memref<10240x128xf32, #tpu.memory_space<vmem_shared>> -> memref<10240x128xf32, #tpu.memory_space<vmem_shared>>
          tpu.enqueue_indirect_dma source(%arg10 : memref<128x128xf32, #tpu.memory_space<vmem>>) target(%dma_start3A_238 : memref<10240x128xf32, #tpu.memory_space<vmem_shared>>) offsets(%dma_start3A_235 : memref<128xi32, #tpu.memory_space<vmem>>) semaphore(%run_scoped3A : memref<!tpu.dma_semaphore, #tpu.memory_space<semaphore_mem>>) {add = true}
          %dma_wait3A = arith.constant 0 : i32
          %dma_wait3A_239 = tpu.memref_slice %arg8[%add3A_222, %dma_wait3A] : memref<40x128xi32, #tpu.memory_space<vmem>> -> memref<1x128xi32, #tpu.memory_space<vmem>>
          %dma_wait3A_240 = tpu.memref_squeeze %dma_wait3A_239 : memref<1x128xi32, #tpu.memory_space<vmem>> -> memref<128xi32, #tpu.memory_space<vmem>>
          %dma_wait3A_241 = arith.constant 0 : i32
          %dma_wait3A_242 = arith.constant 0 : i32
          %dma_wait3A_243 = tpu.memref_slice %arg11[%dma_wait3A_241, %dma_wait3A_242] : memref<10240x128xf32, #tpu.memory_space<vmem_shared>> -> memref<10240x128xf32, #tpu.memory_space<vmem_shared>>
          tpu.wait_indirect_dma semaphore(%run_scoped3A : memref<!tpu.dma_semaphore, #tpu.memory_space<semaphore_mem>>) src(%arg10 : memref<128x128xf32, #tpu.memory_space<vmem>>) dst(%dma_wait3A_243 : memref<10240x128xf32, #tpu.memory_space<vmem_shared>>)
          tpu.yield
        }) : () -> ()
        %add3A_223 = arith.constant 3 : i32
        %add3A_224 = arith.addi %mul3A_211, %add3A_223 : i32
        %min3A_225 = arith.constant 39 : i32
        %min3A_226 = arith.minsi %add3A_224, %min3A_225 : i32
        %dma_start3A_227 = arith.constant 0 : i32
        %dma_start3A_228 = tpu.memref_slice %arg7[%min3A_226, %dma_start3A_227] : memref<40x128xi32, #tpu.memory_space<vmem>> -> memref<1x128xi32, #tpu.memory_space<vmem>>
        %dma_start3A_229 = tpu.memref_squeeze %dma_start3A_228 : memref<1x128xi32, #tpu.memory_space<vmem>> -> memref<128xi32, #tpu.memory_space<vmem>>
        %dma_start3A_230 = arith.constant 0 : i32
        %dma_start3A_231 = arith.constant 0 : i32
        %dma_start3A_232 = tpu.memref_slice %arg2[%dma_start3A_230, %dma_start3A_231] : memref<40960x128xf32, #tpu.memory_space<hbm>> -> memref<40960x128xf32, #tpu.memory_space<hbm>>
        tpu.enqueue_indirect_dma source(%dma_start3A_232 : memref<40960x128xf32, #tpu.memory_space<hbm>>) target(%arg10 : memref<128x128xf32, #tpu.memory_space<vmem>>) offsets(%dma_start3A_229 : memref<128xi32, #tpu.memory_space<vmem>>) semaphore(%arg13 : memref<!tpu.dma_semaphore, #tpu.memory_space<semaphore_mem>>)
      }
      %scan3A_204 = arith.constant 20 : i32
      tpu.wait_dma2 semaphore(%arg12 : memref<!tpu.dma_semaphore, #tpu.memory_space<semaphore_mem>>) src(%arg5 : memref<128x128xf32, #tpu.memory_space<hbm>>) dst(%arg9 : memref<128x128xf32, #tpu.memory_space<vmem>>)
      tpu.wait_dma2 semaphore(%arg13 : memref<!tpu.dma_semaphore, #tpu.memory_space<semaphore_mem>>) src(%arg5 : memref<128x128xf32, #tpu.memory_space<hbm>>) dst(%arg10 : memref<128x128xf32, #tpu.memory_space<vmem>>)
    }
    %scan3A_124 = arith.constant 2 : i32
    %barrier3A_125 = arith.constant 0 : index
    tpu.barrier barrier_id(%barrier3A_125)
    %mul3A_126 = arith.constant 10240 : i32
    %mul3A_127 = arith.muli %add3A_88, %mul3A_126 : i32
    %add3A_128 = arith.constant 0 : i32
    %add3A_129 = arith.addi %mul3A_0, %add3A_128 : i32
    "tpu.region"() ({
      %run_scoped3A = tpu.sem_alloc : memref<!tpu.dma_semaphore, #tpu.memory_space<semaphore_mem>>
      %dma_start3A_173 = arith.constant 0 : i32
      %dma_start3A_174 = tpu.memref_slice %arg11[%add3A_129, %dma_start3A_173] : memref<10240x128xf32, #tpu.memory_space<vmem_shared>> -> memref<128x128xf32, #tpu.memory_space<vmem_shared>>
      %dma_start3A_175 = arith.constant 0 : i32
      %dma_start3A_176 = tpu.memref_slice %arg11[%add3A_129, %dma_start3A_175] : memref<10240x128xf32, #tpu.memory_space<vmem_shared>> -> memref<128x128xf32, #tpu.memory_space<vmem_shared>>
      tpu.enqueue_dma source(%dma_start3A_176 : memref<128x128xf32, #tpu.memory_space<vmem_shared>>) target(%arg9 : memref<128x128xf32, #tpu.memory_space<vmem>>) target_semaphore(%run_scoped3A : memref<!tpu.dma_semaphore, #tpu.memory_space<semaphore_mem>>)
      %dma_wait3A = arith.constant 0 : i32
      %dma_wait3A_177 = tpu.memref_slice %arg11[%add3A_129, %dma_wait3A] : memref<10240x128xf32, #tpu.memory_space<vmem_shared>> -> memref<128x128xf32, #tpu.memory_space<vmem_shared>>
      %dma_wait3A_178 = arith.constant 0 : i32
      %dma_wait3A_179 = tpu.memref_slice %arg11[%add3A_129, %dma_wait3A_178] : memref<10240x128xf32, #tpu.memory_space<vmem_shared>> -> memref<128x128xf32, #tpu.memory_space<vmem_shared>>
      tpu.wait_dma2 semaphore(%run_scoped3A : memref<!tpu.dma_semaphore, #tpu.memory_space<semaphore_mem>>) src(%dma_wait3A_179 : memref<128x128xf32, #tpu.memory_space<vmem_shared>>) dst(%arg9 : memref<128x128xf32, #tpu.memory_space<vmem>>)
      tpu.yield
    }) : () -> ()
    %add3A_130 = arith.addi %mul3A_127, %mul3A_0 : i32
    %add3A_131 = arith.constant 0 : i32
    %add3A_132 = arith.addi %add3A_130, %add3A_131 : i32
    %dma_start3A_133 = arith.constant 0 : i32
    %dma_start3A_134 = tpu.memref_slice %arg6[%add3A_132, %dma_start3A_133] : memref<40960x128xf32, #tpu.memory_space<hbm>> -> memref<128x128xf32, #tpu.memory_space<hbm>>
    %dma_start3A_135 = arith.constant 0 : i32
    %dma_start3A_136 = tpu.memref_slice %arg6[%add3A_132, %dma_start3A_135] : memref<40960x128xf32, #tpu.memory_space<hbm>> -> memref<128x128xf32, #tpu.memory_space<hbm>>
    tpu.enqueue_dma source(%arg9 : memref<128x128xf32, #tpu.memory_space<vmem>>) target(%dma_start3A_136 : memref<128x128xf32, #tpu.memory_space<hbm>>) target_semaphore(%arg14 : memref<!tpu.dma_semaphore, #tpu.memory_space<semaphore_mem>>)
    %add3A_137 = arith.constant 128 : i32
    %add3A_138 = arith.addi %mul3A_0, %add3A_137 : i32
    "tpu.region"() ({
      %run_scoped3A = tpu.sem_alloc : memref<!tpu.dma_semaphore, #tpu.memory_space<semaphore_mem>>
      %dma_start3A_173 = arith.constant 0 : i32
      %dma_start3A_174 = tpu.memref_slice %arg11[%add3A_138, %dma_start3A_173] : memref<10240x128xf32, #tpu.memory_space<vmem_shared>> -> memref<128x128xf32, #tpu.memory_space<vmem_shared>>
      %dma_start3A_175 = arith.constant 0 : i32
      %dma_start3A_176 = tpu.memref_slice %arg11[%add3A_138, %dma_start3A_175] : memref<10240x128xf32, #tpu.memory_space<vmem_shared>> -> memref<128x128xf32, #tpu.memory_space<vmem_shared>>
      tpu.enqueue_dma source(%dma_start3A_176 : memref<128x128xf32, #tpu.memory_space<vmem_shared>>) target(%arg10 : memref<128x128xf32, #tpu.memory_space<vmem>>) target_semaphore(%run_scoped3A : memref<!tpu.dma_semaphore, #tpu.memory_space<semaphore_mem>>)
      %dma_wait3A = arith.constant 0 : i32
      %dma_wait3A_177 = tpu.memref_slice %arg11[%add3A_138, %dma_wait3A] : memref<10240x128xf32, #tpu.memory_space<vmem_shared>> -> memref<128x128xf32, #tpu.memory_space<vmem_shared>>
      %dma_wait3A_178 = arith.constant 0 : i32
      %dma_wait3A_179 = tpu.memref_slice %arg11[%add3A_138, %dma_wait3A_178] : memref<10240x128xf32, #tpu.memory_space<vmem_shared>> -> memref<128x128xf32, #tpu.memory_space<vmem_shared>>
      tpu.wait_dma2 semaphore(%run_scoped3A : memref<!tpu.dma_semaphore, #tpu.memory_space<semaphore_mem>>) src(%dma_wait3A_179 : memref<128x128xf32, #tpu.memory_space<vmem_shared>>) dst(%arg10 : memref<128x128xf32, #tpu.memory_space<vmem>>)
      tpu.yield
    }) : () -> ()
    %add3A_139 = arith.addi %mul3A_127, %mul3A_0 : i32
    %add3A_140 = arith.constant 128 : i32
    %add3A_141 = arith.addi %add3A_139, %add3A_140 : i32
    %dma_start3A_142 = arith.constant 0 : i32
    %dma_start3A_143 = tpu.memref_slice %arg6[%add3A_141, %dma_start3A_142] : memref<40960x128xf32, #tpu.memory_space<hbm>> -> memref<128x128xf32, #tpu.memory_space<hbm>>
    %dma_start3A_144 = arith.constant 0 : i32
    %dma_start3A_145 = tpu.memref_slice %arg6[%add3A_141, %dma_start3A_144] : memref<40960x128xf32, #tpu.memory_space<hbm>> -> memref<128x128xf32, #tpu.memory_space<hbm>>
    tpu.enqueue_dma source(%arg10 : memref<128x128xf32, #tpu.memory_space<vmem>>) target(%dma_start3A_145 : memref<128x128xf32, #tpu.memory_space<hbm>>) target_semaphore(%arg15 : memref<!tpu.dma_semaphore, #tpu.memory_space<semaphore_mem>>)
    tpu.wait_dma2 semaphore(%arg14 : memref<!tpu.dma_semaphore, #tpu.memory_space<semaphore_mem>>) src(%arg5 : memref<128x128xf32, #tpu.memory_space<hbm>>) dst(%arg9 : memref<128x128xf32, #tpu.memory_space<vmem>>)
    %add3A_146 = arith.constant 256 : i32
    %add3A_147 = arith.addi %mul3A_0, %add3A_146 : i32
    "tpu.region"() ({
      %run_scoped3A = tpu.sem_alloc : memref<!tpu.dma_semaphore, #tpu.memory_space<semaphore_mem>>
      %dma_start3A_173 = arith.constant 0 : i32
      %dma_start3A_174 = tpu.memref_slice %arg11[%add3A_147, %dma_start3A_173] : memref<10240x128xf32, #tpu.memory_space<vmem_shared>> -> memref<128x128xf32, #tpu.memory_space<vmem_shared>>
      %dma_start3A_175 = arith.constant 0 : i32
      %dma_start3A_176 = tpu.memref_slice %arg11[%add3A_147, %dma_start3A_175] : memref<10240x128xf32, #tpu.memory_space<vmem_shared>> -> memref<128x128xf32, #tpu.memory_space<vmem_shared>>
      tpu.enqueue_dma source(%dma_start3A_176 : memref<128x128xf32, #tpu.memory_space<vmem_shared>>) target(%arg9 : memref<128x128xf32, #tpu.memory_space<vmem>>) target_semaphore(%run_scoped3A : memref<!tpu.dma_semaphore, #tpu.memory_space<semaphore_mem>>)
      %dma_wait3A = arith.constant 0 : i32
      %dma_wait3A_177 = tpu.memref_slice %arg11[%add3A_147, %dma_wait3A] : memref<10240x128xf32, #tpu.memory_space<vmem_shared>> -> memref<128x128xf32, #tpu.memory_space<vmem_shared>>
      %dma_wait3A_178 = arith.constant 0 : i32
      %dma_wait3A_179 = tpu.memref_slice %arg11[%add3A_147, %dma_wait3A_178] : memref<10240x128xf32, #tpu.memory_space<vmem_shared>> -> memref<128x128xf32, #tpu.memory_space<vmem_shared>>
      tpu.wait_dma2 semaphore(%run_scoped3A : memref<!tpu.dma_semaphore, #tpu.memory_space<semaphore_mem>>) src(%dma_wait3A_179 : memref<128x128xf32, #tpu.memory_space<vmem_shared>>) dst(%arg9 : memref<128x128xf32, #tpu.memory_space<vmem>>)
      tpu.yield
    }) : () -> ()
    %add3A_148 = arith.addi %mul3A_127, %mul3A_0 : i32
    %add3A_149 = arith.constant 256 : i32
    %add3A_150 = arith.addi %add3A_148, %add3A_149 : i32
    %dma_start3A_151 = arith.constant 0 : i32
    %dma_start3A_152 = tpu.memref_slice %arg6[%add3A_150, %dma_start3A_151] : memref<40960x128xf32, #tpu.memory_space<hbm>> -> memref<128x128xf32, #tpu.memory_space<hbm>>
    %dma_start3A_153 = arith.constant 0 : i32
    %dma_start3A_154 = tpu.memref_slice %arg6[%add3A_150, %dma_start3A_153] : memref<40960x128xf32, #tpu.memory_space<hbm>> -> memref<128x128xf32, #tpu.memory_space<hbm>>
    tpu.enqueue_dma source(%arg9 : memref<128x128xf32, #tpu.memory_space<vmem>>) target(%dma_start3A_154 : memref<128x128xf32, #tpu.memory_space<hbm>>) target_semaphore(%arg14 : memref<!tpu.dma_semaphore, #tpu.memory_space<semaphore_mem>>)
    tpu.wait_dma2 semaphore(%arg15 : memref<!tpu.dma_semaphore, #tpu.memory_space<semaphore_mem>>) src(%arg5 : memref<128x128xf32, #tpu.memory_space<hbm>>) dst(%arg10 : memref<128x128xf32, #tpu.memory_space<vmem>>)
    %add3A_155 = arith.constant 384 : i32
    %add3A_156 = arith.addi %mul3A_0, %add3A_155 : i32
    "tpu.region"() ({
      %run_scoped3A = tpu.sem_alloc : memref<!tpu.dma_semaphore, #tpu.memory_space<semaphore_mem>>
      %dma_start3A_173 = arith.constant 0 : i32
      %dma_start3A_174 = tpu.memref_slice %arg11[%add3A_156, %dma_start3A_173] : memref<10240x128xf32, #tpu.memory_space<vmem_shared>> -> memref<128x128xf32, #tpu.memory_space<vmem_shared>>
      %dma_start3A_175 = arith.constant 0 : i32
      %dma_start3A_176 = tpu.memref_slice %arg11[%add3A_156, %dma_start3A_175] : memref<10240x128xf32, #tpu.memory_space<vmem_shared>> -> memref<128x128xf32, #tpu.memory_space<vmem_shared>>
      tpu.enqueue_dma source(%dma_start3A_176 : memref<128x128xf32, #tpu.memory_space<vmem_shared>>) target(%arg10 : memref<128x128xf32, #tpu.memory_space<vmem>>) target_semaphore(%run_scoped3A : memref<!tpu.dma_semaphore, #tpu.memory_space<semaphore_mem>>)
      %dma_wait3A = arith.constant 0 : i32
      %dma_wait3A_177 = tpu.memref_slice %arg11[%add3A_156, %dma_wait3A] : memref<10240x128xf32, #tpu.memory_space<vmem_shared>> -> memref<128x128xf32, #tpu.memory_space<vmem_shared>>
      %dma_wait3A_178 = arith.constant 0 : i32
      %dma_wait3A_179 = tpu.memref_slice %arg11[%add3A_156, %dma_wait3A_178] : memref<10240x128xf32, #tpu.memory_space<vmem_shared>> -> memref<128x128xf32, #tpu.memory_space<vmem_shared>>
      tpu.wait_dma2 semaphore(%run_scoped3A : memref<!tpu.dma_semaphore, #tpu.memory_space<semaphore_mem>>) src(%dma_wait3A_179 : memref<128x128xf32, #tpu.memory_space<vmem_shared>>) dst(%arg10 : memref<128x128xf32, #tpu.memory_space<vmem>>)
      tpu.yield
    }) : () -> ()
    %add3A_157 = arith.addi %mul3A_127, %mul3A_0 : i32
    %add3A_158 = arith.constant 384 : i32
    %add3A_159 = arith.addi %add3A_157, %add3A_158 : i32
    %dma_start3A_160 = arith.constant 0 : i32
    %dma_start3A_161 = tpu.memref_slice %arg6[%add3A_159, %dma_start3A_160] : memref<40960x128xf32, #tpu.memory_space<hbm>> -> memref<128x128xf32, #tpu.memory_space<hbm>>
    %dma_start3A_162 = arith.constant 0 : i32
    %dma_start3A_163 = tpu.memref_slice %arg6[%add3A_159, %dma_start3A_162] : memref<40960x128xf32, #tpu.memory_space<hbm>> -> memref<128x128xf32, #tpu.memory_space<hbm>>
    tpu.enqueue_dma source(%arg10 : memref<128x128xf32, #tpu.memory_space<vmem>>) target(%dma_start3A_163 : memref<128x128xf32, #tpu.memory_space<hbm>>) target_semaphore(%arg15 : memref<!tpu.dma_semaphore, #tpu.memory_space<semaphore_mem>>)
    tpu.wait_dma2 semaphore(%arg14 : memref<!tpu.dma_semaphore, #tpu.memory_space<semaphore_mem>>) src(%arg5 : memref<128x128xf32, #tpu.memory_space<hbm>>) dst(%arg9 : memref<128x128xf32, #tpu.memory_space<vmem>>)
    %add3A_164 = arith.constant 512 : i32
    %add3A_165 = arith.addi %mul3A_0, %add3A_164 : i32
    "tpu.region"() ({
      %run_scoped3A = tpu.sem_alloc : memref<!tpu.dma_semaphore, #tpu.memory_space<semaphore_mem>>
      %dma_start3A_173 = arith.constant 0 : i32
      %dma_start3A_174 = tpu.memref_slice %arg11[%add3A_165, %dma_start3A_173] : memref<10240x128xf32, #tpu.memory_space<vmem_shared>> -> memref<128x128xf32, #tpu.memory_space<vmem_shared>>
      %dma_start3A_175 = arith.constant 0 : i32
      %dma_start3A_176 = tpu.memref_slice %arg11[%add3A_165, %dma_start3A_175] : memref<10240x128xf32, #tpu.memory_space<vmem_shared>> -> memref<128x128xf32, #tpu.memory_space<vmem_shared>>
      tpu.enqueue_dma source(%dma_start3A_176 : memref<128x128xf32, #tpu.memory_space<vmem_shared>>) target(%arg9 : memref<128x128xf32, #tpu.memory_space<vmem>>) target_semaphore(%run_scoped3A : memref<!tpu.dma_semaphore, #tpu.memory_space<semaphore_mem>>)
      %dma_wait3A = arith.constant 0 : i32
      %dma_wait3A_177 = tpu.memref_slice %arg11[%add3A_165, %dma_wait3A] : memref<10240x128xf32, #tpu.memory_space<vmem_shared>> -> memref<128x128xf32, #tpu.memory_space<vmem_shared>>
      %dma_wait3A_178 = arith.constant 0 : i32
      %dma_wait3A_179 = tpu.memref_slice %arg11[%add3A_165, %dma_wait3A_178] : memref<10240x128xf32, #tpu.memory_space<vmem_shared>> -> memref<128x128xf32, #tpu.memory_space<vmem_shared>>
      tpu.wait_dma2 semaphore(%run_scoped3A : memref<!tpu.dma_semaphore, #tpu.memory_space<semaphore_mem>>) src(%dma_wait3A_179 : memref<128x128xf32, #tpu.memory_space<vmem_shared>>) dst(%arg9 : memref<128x128xf32, #tpu.memory_space<vmem>>)
      tpu.yield
    }) : () -> ()
    %add3A_166 = arith.addi %mul3A_127, %mul3A_0 : i32
    %add3A_167 = arith.constant 512 : i32
    %add3A_168 = arith.addi %add3A_166, %add3A_167 : i32
    %dma_start3A_169 = arith.constant 0 : i32
    %dma_start3A_170 = tpu.memref_slice %arg6[%add3A_168, %dma_start3A_169] : memref<40960x128xf32, #tpu.memory_space<hbm>> -> memref<128x128xf32, #tpu.memory_space<hbm>>
    %dma_start3A_171 = arith.constant 0 : i32
    %dma_start3A_172 = tpu.memref_slice %arg6[%add3A_168, %dma_start3A_171] : memref<40960x128xf32, #tpu.memory_space<hbm>> -> memref<128x128xf32, #tpu.memory_space<hbm>>
    tpu.enqueue_dma source(%arg9 : memref<128x128xf32, #tpu.memory_space<vmem>>) target(%dma_start3A_172 : memref<128x128xf32, #tpu.memory_space<hbm>>) target_semaphore(%arg14 : memref<!tpu.dma_semaphore, #tpu.memory_space<semaphore_mem>>)
    tpu.wait_dma2 semaphore(%arg14 : memref<!tpu.dma_semaphore, #tpu.memory_space<semaphore_mem>>) src(%arg5 : memref<128x128xf32, #tpu.memory_space<hbm>>) dst(%arg9 : memref<128x128xf32, #tpu.memory_space<vmem>>)
    tpu.wait_dma2 semaphore(%arg15 : memref<!tpu.dma_semaphore, #tpu.memory_space<semaphore_mem>>) src(%arg5 : memref<128x128xf32, #tpu.memory_space<hbm>>) dst(%arg10 : memref<128x128xf32, #tpu.memory_space<vmem>>)
    return
  }
}

module attributes {stable_mosaic.version = 14 : i64} {
  func.func @_self1_body(%arg0: i32, %arg1: memref<1024x256xf32, #tpu.memory_space<vmem>>, %arg2: memref<256x512xf32, #tpu.memory_space<vmem>>, %arg3: memref<1x512xf32, #tpu.memory_space<vmem>>, %arg4: memref<1024x512xf32, #tpu.memory_space<vmem>>) attributes {dimension_semantics = [#tpu.dimension_semantics<arbitrary>], iteration_bounds = array<i64: 10>, scalar_prefetch = 0 : i64, scratch_operands = 0 : i64, tpu.core_type = #tpu.core_type<tc>, window_params = [{transform_indices = @transform_0, window_bounds = array<i64: 1024, 256>}, {pipeline_mode = #tpu.pipeline_mode<synchronous>, transform_indices = @transform_1, window_bounds = array<i64: 256, 512>}, {pipeline_mode = #tpu.pipeline_mode<synchronous>, transform_indices = @transform_2, window_bounds = array<i64: 1, 512>}, {transform_indices = @transform_3, window_bounds = array<i64: 1024, 512>}]} {
    %get3A = arith.constant 0 : index
    %get3A_0 = arith.constant 0 : index
    %get3A_1 = vector.load %arg1[%get3A, %get3A_0] : memref<1024x256xf32, #tpu.memory_space<vmem>>, vector<1024x256xf32>
    %get3A_2 = arith.constant 0 : index
    %get3A_3 = arith.constant 0 : index
    %get3A_4 = vector.load %arg2[%get3A_2, %get3A_3] : memref<256x512xf32, #tpu.memory_space<vmem>>, vector<256x512xf32>
    %dot_general3A = arith.constant dense<0.000000e+00> : vector<1024x512xf32>
    %dot_general3A_5 = tpu.matmul %get3A_1, %get3A_4, %dot_general3A {dimension_numbers = #tpu.dot_dimension_numbers<[1], [0], [0], [1], [0, 0, 1, 1], [], []>, transpose_lhs_hint = false} : vector<1024x256xf32>, vector<256x512xf32>, vector<1024x512xf32> -> vector<1024x512xf32>
    %get3A_6 = arith.constant 0 : index
    %get3A_7 = arith.constant 0 : index
    %get3A_8 = vector.load %arg3[%get3A_6, %get3A_7] : memref<1x512xf32, #tpu.memory_space<vmem>>, vector<1x512xf32>
    %add3A = vector.broadcast %get3A_8 : vector<1x512xf32> to vector<1024x512xf32>
    %add3A_9 = arith.addf %dot_general3A_5, %add3A : vector<1024x512xf32>
    %swap3A = arith.constant 0 : index
    %swap3A_10 = arith.constant 0 : index
    %swap3A_11 = vector.load %arg4[%swap3A, %swap3A_10] : memref<1024x512xf32, #tpu.memory_space<vmem>>, vector<1024x512xf32>
    tpu.vector_store %arg4[%swap3A, %swap3A_10], %add3A_9 {strides = array<i32>} : memref<1024x512xf32, #tpu.memory_space<vmem>>, vector<1024x512xf32>,
    return
  }
  func.func @transform_0(%arg0: i32) -> (i32, i32) {
    %c0_i32 = arith.constant 0 : i32
    %c0_i32_0 = arith.constant 0 : i32
    return %arg0, %c0_i32 : i32, i32
  }
  func.func @transform_1(%arg0: i32) -> (i32, i32) {
    %c0_i32 = arith.constant 0 : i32
    %c0_i32_0 = arith.constant 0 : i32
    %c0_i32_1 = arith.constant 0 : i32
    return %c0_i32, %c0_i32_0 : i32, i32
  }
  func.func @transform_2(%arg0: i32) -> (i32, i32) {
    %c0_i32 = arith.constant 0 : i32
    %c0_i32_0 = arith.constant 0 : i32
    %c0_i32_1 = arith.constant 0 : i32
    return %c0_i32, %c0_i32_0 : i32, i32
  }
  func.func @transform_3(%arg0: i32) -> (i32, i32) {
    %c0_i32 = arith.constant 0 : i32
    %c0_i32_0 = arith.constant 0 : i32
    return %arg0, %c0_i32 : i32, i32
  }
}

module attributes {stable_mosaic.version = 14 : i64} {
  func.func @_rest1_body(%arg0: i32, %arg1: memref<1024x512xf32, #tpu.memory_space<vmem>>, %arg2: memref<2x1024x128xf32, #tpu.memory_space<vmem>>, %arg3: memref<2x1024x128xf32, #tpu.memory_space<vmem>>, %arg4: memref<256x512xf32, #tpu.memory_space<vmem>>, %arg5: memref<4x1024x128xf32, #tpu.memory_space<vmem>>) attributes {dimension_semantics = [#tpu.dimension_semantics<arbitrary>], iteration_bounds = array<i64: 10>, scalar_prefetch = 0 : i64, scratch_operands = 0 : i64, tpu.core_type = #tpu.core_type<tc>, window_params = [{transform_indices = @transform_0, window_bounds = array<i64: 1024, 512>}, {transform_indices = @transform_1, window_bounds = array<i64: 2, 1024, 128>}, {transform_indices = @transform_2, window_bounds = array<i64: 2, 1024, 128>}, {pipeline_mode = #tpu.pipeline_mode<synchronous>, transform_indices = @transform_3, window_bounds = array<i64: 256, 512>}, {transform_indices = @transform_4, window_bounds = array<i64: 4, 1024, 128>}]} {
    %get3A = arith.constant 0 : index
    %get3A_0 = arith.constant 0 : index
    %get3A_1 = arith.constant 0 : index
    %get3A_2 = vector.load %arg3[%get3A, %get3A_0, %get3A_1] : memref<2x1024x128xf32, #tpu.memory_space<vmem>>, vector<1x1024x128xf32>
    %get3A_3 = vector.shape_cast %get3A_2 : vector<1x1024x128xf32> to vector<1024x128xf32>
    %slice3A = vector.extract_strided_slice %get3A_3 {offsets = [0, 0], sizes = [1024, 1], strides = [1, 1]} : vector<1024x128xf32> to vector<1024x1xf32>
    %get3A_4 = arith.constant 1 : index
    %get3A_5 = arith.constant 0 : index
    %get3A_6 = arith.constant 0 : index
    %get3A_7 = vector.load %arg3[%get3A_4, %get3A_5, %get3A_6] : memref<2x1024x128xf32, #tpu.memory_space<vmem>>, vector<1x1024x128xf32>
    %get3A_8 = vector.shape_cast %get3A_7 : vector<1x1024x128xf32> to vector<1024x128xf32>
    %slice3A_9 = vector.extract_strided_slice %get3A_8 {offsets = [0, 0], sizes = [1024, 1], strides = [1, 1]} : vector<1024x128xf32> to vector<1024x1xf32>
    %add3A = arith.addf %slice3A, %slice3A_9 : vector<1024x1xf32>
    %max3A = arith.constant 1.000000e+00 : f32
    %max3A_10 = vector.broadcast %max3A : f32 to vector<1024x1xf32>
    %max3A_11 = arith.maximumf %add3A, %max3A_10 : vector<1024x1xf32>
    %div3A = arith.constant 1.000000e+00 : f32
    %div3A_12 = vector.broadcast %div3A : f32 to vector<1024x1xf32>
    %div3A_13 = arith.divf %div3A_12, %max3A_11 : vector<1024x1xf32>
    %get3A_14 = arith.constant 0 : index
    %get3A_15 = arith.constant 0 : index
    %get3A_16 = arith.constant 0 : index
    %get3A_17 = vector.load %arg2[%get3A_14, %get3A_15, %get3A_16] : memref<2x1024x128xf32, #tpu.memory_space<vmem>>, vector<1x1024x128xf32>
    %get3A_18 = vector.shape_cast %get3A_17 : vector<1x1024x128xf32> to vector<1024x128xf32>
    %get3A_19 = arith.constant 1 : index
    %get3A_20 = arith.constant 0 : index
    %get3A_21 = arith.constant 0 : index
    %get3A_22 = vector.load %arg2[%get3A_19, %get3A_20, %get3A_21] : memref<2x1024x128xf32, #tpu.memory_space<vmem>>, vector<1x1024x128xf32>
    %get3A_23 = vector.shape_cast %get3A_22 : vector<1x1024x128xf32> to vector<1024x128xf32>
    %concatenate3A = tpu.concatenate %get3A_18, %get3A_23 in 1 : vector<1024x128xf32>, vector<1024x128xf32> -> vector<1024x256xf32>
    %mul3A = vector.broadcast %div3A_13 : vector<1024x1xf32> to vector<1024x256xf32>
    %mul3A_24 = arith.mulf %concatenate3A, %mul3A : vector<1024x256xf32>
    %get3A_25 = arith.constant 0 : index
    %get3A_26 = arith.constant 0 : index
    %get3A_27 = vector.load %arg1[%get3A_25, %get3A_26] : memref<1024x512xf32, #tpu.memory_space<vmem>>, vector<1024x512xf32>
    %get3A_28 = arith.constant 0 : index
    %get3A_29 = arith.constant 0 : index
    %get3A_30 = vector.load %arg4[%get3A_28, %get3A_29] : memref<256x512xf32, #tpu.memory_space<vmem>>, vector<256x512xf32>
    %dot_general3A = arith.constant dense<0.000000e+00> : vector<1024x512xf32>
    %dot_general3A_31 = tpu.matmul %mul3A_24, %get3A_30, %dot_general3A {dimension_numbers = #tpu.dot_dimension_numbers<[1], [0], [0], [1], [0, 0, 1, 1], [], []>, transpose_lhs_hint = false} : vector<1024x256xf32>, vector<256x512xf32>, vector<1024x512xf32> -> vector<1024x512xf32>
    %add3A_32 = arith.addf %get3A_27, %dot_general3A_31 : vector<1024x512xf32>
    %max3A_33 = arith.constant 0.000000e+00 : f32
    %max3A_34 = vector.broadcast %max3A_33 : f32 to vector<1024x512xf32>
    %max3A_35 = arith.maximumf %add3A_32, %max3A_34 : vector<1024x512xf32>
    %slice3A_36 = vector.extract_strided_slice %max3A_35 {offsets = [0, 0], sizes = [1024, 128], strides = [1, 1]} : vector<1024x512xf32> to vector<1024x128xf32>
    %swap3A = arith.constant 0 : index
    %swap3A_37 = arith.constant 0 : index
    %swap3A_38 = arith.constant 0 : index
    %swap3A_39 = vector.load %arg5[%swap3A, %swap3A_37, %swap3A_38] : memref<4x1024x128xf32, #tpu.memory_space<vmem>>, vector<1x1024x128xf32>
    %swap3A_40 = vector.shape_cast %swap3A_39 : vector<1x1024x128xf32> to vector<1024x128xf32>
    %swap3A_41 = vector.shape_cast %slice3A_36 : vector<1024x128xf32> to vector<1x1024x128xf32>
    tpu.vector_store %arg5[%swap3A, %swap3A_37, %swap3A_38], %swap3A_41 {strides = array<i32>} : memref<4x1024x128xf32, #tpu.memory_space<vmem>>, vector<1x1024x128xf32>,
    %slice3A_42 = vector.extract_strided_slice %max3A_35 {offsets = [0, 128], sizes = [1024, 128], strides = [1, 1]} : vector<1024x512xf32> to vector<1024x128xf32>
    %swap3A_43 = arith.constant 1 : index
    %swap3A_44 = arith.constant 0 : index
    %swap3A_45 = arith.constant 0 : index
    %swap3A_46 = vector.load %arg5[%swap3A_43, %swap3A_44, %swap3A_45] : memref<4x1024x128xf32, #tpu.memory_space<vmem>>, vector<1x1024x128xf32>
    %swap3A_47 = vector.shape_cast %swap3A_46 : vector<1x1024x128xf32> to vector<1024x128xf32>
    %swap3A_48 = vector.shape_cast %slice3A_42 : vector<1024x128xf32> to vector<1x1024x128xf32>
    tpu.vector_store %arg5[%swap3A_43, %swap3A_44, %swap3A_45], %swap3A_48 {strides = array<i32>} : memref<4x1024x128xf32, #tpu.memory_space<vmem>>, vector<1x1024x128xf32>,
    %slice3A_49 = vector.extract_strided_slice %max3A_35 {offsets = [0, 256], sizes = [1024, 128], strides = [1, 1]} : vector<1024x512xf32> to vector<1024x128xf32>
    %swap3A_50 = arith.constant 2 : index
    %swap3A_51 = arith.constant 0 : index
    %swap3A_52 = arith.constant 0 : index
    %swap3A_53 = vector.load %arg5[%swap3A_50, %swap3A_51, %swap3A_52] : memref<4x1024x128xf32, #tpu.memory_space<vmem>>, vector<1x1024x128xf32>
    %swap3A_54 = vector.shape_cast %swap3A_53 : vector<1x1024x128xf32> to vector<1024x128xf32>
    %swap3A_55 = vector.shape_cast %slice3A_49 : vector<1024x128xf32> to vector<1x1024x128xf32>
    tpu.vector_store %arg5[%swap3A_50, %swap3A_51, %swap3A_52], %swap3A_55 {strides = array<i32>} : memref<4x1024x128xf32, #tpu.memory_space<vmem>>, vector<1x1024x128xf32>,
    %slice3A_56 = vector.extract_strided_slice %max3A_35 {offsets = [0, 384], sizes = [1024, 128], strides = [1, 1]} : vector<1024x512xf32> to vector<1024x128xf32>
    %swap3A_57 = arith.constant 3 : index
    %swap3A_58 = arith.constant 0 : index
    %swap3A_59 = arith.constant 0 : index
    %swap3A_60 = vector.load %arg5[%swap3A_57, %swap3A_58, %swap3A_59] : memref<4x1024x128xf32, #tpu.memory_space<vmem>>, vector<1x1024x128xf32>
    %swap3A_61 = vector.shape_cast %swap3A_60 : vector<1x1024x128xf32> to vector<1024x128xf32>
    %swap3A_62 = vector.shape_cast %slice3A_56 : vector<1024x128xf32> to vector<1x1024x128xf32>
    tpu.vector_store %arg5[%swap3A_57, %swap3A_58, %swap3A_59], %swap3A_62 {strides = array<i32>} : memref<4x1024x128xf32, #tpu.memory_space<vmem>>, vector<1x1024x128xf32>,
    return
  }
  func.func @transform_0(%arg0: i32) -> (i32, i32) {
    %c0_i32 = arith.constant 0 : i32
    %c0_i32_0 = arith.constant 0 : i32
    return %arg0, %c0_i32 : i32, i32
  }
  func.func @transform_1(%arg0: i32) -> (i32, i32, i32) {
    %c0_i32 = arith.constant 0 : i32
    %c0_i32_0 = arith.constant 0 : i32
    %c0_i32_1 = arith.constant 0 : i32
    return %c0_i32, %arg0, %c0_i32_0 : i32, i32, i32
  }
  func.func @transform_2(%arg0: i32) -> (i32, i32, i32) {
    %c0_i32 = arith.constant 0 : i32
    %c0_i32_0 = arith.constant 0 : i32
    %c0_i32_1 = arith.constant 0 : i32
    return %c0_i32, %arg0, %c0_i32_0 : i32, i32, i32
  }
  func.func @transform_3(%arg0: i32) -> (i32, i32) {
    %c0_i32 = arith.constant 0 : i32
    %c0_i32_0 = arith.constant 0 : i32
    %c0_i32_1 = arith.constant 0 : i32
    return %c0_i32, %c0_i32_0 : i32, i32
  }
  func.func @transform_4(%arg0: i32) -> (i32, i32, i32) {
    %c0_i32 = arith.constant 0 : i32
    %c0_i32_0 = arith.constant 0 : i32
    %c0_i32_1 = arith.constant 0 : i32
    return %c0_i32, %arg0, %c0_i32_0 : i32, i32, i32
  }
}

module attributes {stable_mosaic.version = 14 : i64} {
  func.func @_self2_body(%arg0: i32, %arg1: memref<4x1024x128xf32, #tpu.memory_space<vmem>>, %arg2: memref<512x512xf32, #tpu.memory_space<vmem>>, %arg3: memref<1x512xf32, #tpu.memory_space<vmem>>, %arg4: memref<1024x512xf32, #tpu.memory_space<vmem>>) attributes {dimension_semantics = [#tpu.dimension_semantics<arbitrary>], iteration_bounds = array<i64: 10>, scalar_prefetch = 0 : i64, scratch_operands = 0 : i64, tpu.core_type = #tpu.core_type<tc>, window_params = [{transform_indices = @transform_0, window_bounds = array<i64: 4, 1024, 128>}, {pipeline_mode = #tpu.pipeline_mode<synchronous>, transform_indices = @transform_1, window_bounds = array<i64: 512, 512>}, {pipeline_mode = #tpu.pipeline_mode<synchronous>, transform_indices = @transform_2, window_bounds = array<i64: 1, 512>}, {transform_indices = @transform_3, window_bounds = array<i64: 1024, 512>}]} {
    %get3A = arith.constant 0 : index
    %get3A_0 = arith.constant 0 : index
    %get3A_1 = arith.constant 0 : index
    %get3A_2 = vector.load %arg1[%get3A, %get3A_0, %get3A_1] : memref<4x1024x128xf32, #tpu.memory_space<vmem>>, vector<1x1024x128xf32>
    %get3A_3 = vector.shape_cast %get3A_2 : vector<1x1024x128xf32> to vector<1024x128xf32>
    %get3A_4 = arith.constant 1 : index
    %get3A_5 = arith.constant 0 : index
    %get3A_6 = arith.constant 0 : index
    %get3A_7 = vector.load %arg1[%get3A_4, %get3A_5, %get3A_6] : memref<4x1024x128xf32, #tpu.memory_space<vmem>>, vector<1x1024x128xf32>
    %get3A_8 = vector.shape_cast %get3A_7 : vector<1x1024x128xf32> to vector<1024x128xf32>
    %get3A_9 = arith.constant 2 : index
    %get3A_10 = arith.constant 0 : index
    %get3A_11 = arith.constant 0 : index
    %get3A_12 = vector.load %arg1[%get3A_9, %get3A_10, %get3A_11] : memref<4x1024x128xf32, #tpu.memory_space<vmem>>, vector<1x1024x128xf32>
    %get3A_13 = vector.shape_cast %get3A_12 : vector<1x1024x128xf32> to vector<1024x128xf32>
    %get3A_14 = arith.constant 3 : index
    %get3A_15 = arith.constant 0 : index
    %get3A_16 = arith.constant 0 : index
    %get3A_17 = vector.load %arg1[%get3A_14, %get3A_15, %get3A_16] : memref<4x1024x128xf32, #tpu.memory_space<vmem>>, vector<1x1024x128xf32>
    %get3A_18 = vector.shape_cast %get3A_17 : vector<1x1024x128xf32> to vector<1024x128xf32>
    %concatenate3A = tpu.concatenate %get3A_3, %get3A_8, %get3A_13, %get3A_18 in 1 : vector<1024x128xf32>, vector<1024x128xf32>, vector<1024x128xf32>, vector<1024x128xf32> -> vector<1024x512xf32>
    %get3A_19 = arith.constant 0 : index
    %get3A_20 = arith.constant 0 : index
    %get3A_21 = vector.load %arg2[%get3A_19, %get3A_20] : memref<512x512xf32, #tpu.memory_space<vmem>>, vector<512x512xf32>
    %dot_general3A = arith.constant dense<0.000000e+00> : vector<1024x512xf32>
    %dot_general3A_22 = tpu.matmul %concatenate3A, %get3A_21, %dot_general3A {dimension_numbers = #tpu.dot_dimension_numbers<[1], [0], [0], [1], [0, 0, 1, 1], [], []>, transpose_lhs_hint = false} : vector<1024x512xf32>, vector<512x512xf32>, vector<1024x512xf32> -> vector<1024x512xf32>
    %get3A_23 = arith.constant 0 : index
    %get3A_24 = arith.constant 0 : index
    %get3A_25 = vector.load %arg3[%get3A_23, %get3A_24] : memref<1x512xf32, #tpu.memory_space<vmem>>, vector<1x512xf32>
    %add3A = vector.broadcast %get3A_25 : vector<1x512xf32> to vector<1024x512xf32>
    %add3A_26 = arith.addf %dot_general3A_22, %add3A : vector<1024x512xf32>
    %swap3A = arith.constant 0 : index
    %swap3A_27 = arith.constant 0 : index
    %swap3A_28 = vector.load %arg4[%swap3A, %swap3A_27] : memref<1024x512xf32, #tpu.memory_space<vmem>>, vector<1024x512xf32>
    tpu.vector_store %arg4[%swap3A, %swap3A_27], %add3A_26 {strides = array<i32>} : memref<1024x512xf32, #tpu.memory_space<vmem>>, vector<1024x512xf32>,
    return
  }
  func.func @transform_0(%arg0: i32) -> (i32, i32, i32) {
    %c0_i32 = arith.constant 0 : i32
    %c0_i32_0 = arith.constant 0 : i32
    %c0_i32_1 = arith.constant 0 : i32
    return %c0_i32, %arg0, %c0_i32_0 : i32, i32, i32
  }
  func.func @transform_1(%arg0: i32) -> (i32, i32) {
    %c0_i32 = arith.constant 0 : i32
    %c0_i32_0 = arith.constant 0 : i32
    %c0_i32_1 = arith.constant 0 : i32
    return %c0_i32, %c0_i32_0 : i32, i32
  }
  func.func @transform_2(%arg0: i32) -> (i32, i32) {
    %c0_i32 = arith.constant 0 : i32
    %c0_i32_0 = arith.constant 0 : i32
    %c0_i32_1 = arith.constant 0 : i32
    return %c0_i32, %c0_i32_0 : i32, i32
  }
  func.func @transform_3(%arg0: i32) -> (i32, i32) {
    %c0_i32 = arith.constant 0 : i32
    %c0_i32_0 = arith.constant 0 : i32
    return %arg0, %c0_i32 : i32, i32
  }
}

module attributes {stable_mosaic.version = 14 : i64} {
  func.func @_rest2_body(%arg0: i32, %arg1: memref<1000x512xf32, #tpu.memory_space<vmem>>, %arg2: memref<4x1000x128xf32, #tpu.memory_space<vmem>>, %arg3: memref<2x1000x128xf32, #tpu.memory_space<vmem>>, %arg4: memref<512x512xf32, #tpu.memory_space<vmem>>, %arg5: memref<1000x512xf32, #tpu.memory_space<vmem>>) attributes {dimension_semantics = [#tpu.dimension_semantics<arbitrary>], iteration_bounds = array<i64: 10>, scalar_prefetch = 0 : i64, scratch_operands = 0 : i64, tpu.core_type = #tpu.core_type<tc>, window_params = [{transform_indices = @transform_0, window_bounds = array<i64: 1000, 512>}, {transform_indices = @transform_1, window_bounds = array<i64: 4, 1000, 128>}, {transform_indices = @transform_2, window_bounds = array<i64: 2, 1000, 128>}, {pipeline_mode = #tpu.pipeline_mode<synchronous>, transform_indices = @transform_3, window_bounds = array<i64: 512, 512>}, {transform_indices = @transform_4, window_bounds = array<i64: 1000, 512>}]} {
    %get3A = arith.constant 0 : index
    %get3A_0 = arith.constant 0 : index
    %get3A_1 = arith.constant 0 : index
    %get3A_2 = vector.load %arg3[%get3A, %get3A_0, %get3A_1] : memref<2x1000x128xf32, #tpu.memory_space<vmem>>, vector<1x1000x128xf32>
    %get3A_3 = vector.shape_cast %get3A_2 : vector<1x1000x128xf32> to vector<1000x128xf32>
    %slice3A = vector.extract_strided_slice %get3A_3 {offsets = [0, 0], sizes = [1000, 1], strides = [1, 1]} : vector<1000x128xf32> to vector<1000x1xf32>
    %get3A_4 = arith.constant 1 : index
    %get3A_5 = arith.constant 0 : index
    %get3A_6 = arith.constant 0 : index
    %get3A_7 = vector.load %arg3[%get3A_4, %get3A_5, %get3A_6] : memref<2x1000x128xf32, #tpu.memory_space<vmem>>, vector<1x1000x128xf32>
    %get3A_8 = vector.shape_cast %get3A_7 : vector<1x1000x128xf32> to vector<1000x128xf32>
    %slice3A_9 = vector.extract_strided_slice %get3A_8 {offsets = [0, 0], sizes = [1000, 1], strides = [1, 1]} : vector<1000x128xf32> to vector<1000x1xf32>
    %add3A = arith.addf %slice3A, %slice3A_9 : vector<1000x1xf32>
    %max3A = arith.constant 1.000000e+00 : f32
    %max3A_10 = vector.broadcast %max3A : f32 to vector<1000x1xf32>
    %max3A_11 = arith.maximumf %add3A, %max3A_10 : vector<1000x1xf32>
    %div3A = arith.constant 1.000000e+00 : f32
    %div3A_12 = vector.broadcast %div3A : f32 to vector<1000x1xf32>
    %div3A_13 = arith.divf %div3A_12, %max3A_11 : vector<1000x1xf32>
    %get3A_14 = arith.constant 0 : index
    %get3A_15 = arith.constant 0 : index
    %get3A_16 = arith.constant 0 : index
    %get3A_17 = vector.load %arg2[%get3A_14, %get3A_15, %get3A_16] : memref<4x1000x128xf32, #tpu.memory_space<vmem>>, vector<1x1000x128xf32>
    %get3A_18 = vector.shape_cast %get3A_17 : vector<1x1000x128xf32> to vector<1000x128xf32>
    %get3A_19 = arith.constant 1 : index
    %get3A_20 = arith.constant 0 : index
    %get3A_21 = arith.constant 0 : index
    %get3A_22 = vector.load %arg2[%get3A_19, %get3A_20, %get3A_21] : memref<4x1000x128xf32, #tpu.memory_space<vmem>>, vector<1x1000x128xf32>
    %get3A_23 = vector.shape_cast %get3A_22 : vector<1x1000x128xf32> to vector<1000x128xf32>
    %get3A_24 = arith.constant 2 : index
    %get3A_25 = arith.constant 0 : index
    %get3A_26 = arith.constant 0 : index
    %get3A_27 = vector.load %arg2[%get3A_24, %get3A_25, %get3A_26] : memref<4x1000x128xf32, #tpu.memory_space<vmem>>, vector<1x1000x128xf32>
    %get3A_28 = vector.shape_cast %get3A_27 : vector<1x1000x128xf32> to vector<1000x128xf32>
    %get3A_29 = arith.constant 3 : index
    %get3A_30 = arith.constant 0 : index
    %get3A_31 = arith.constant 0 : index
    %get3A_32 = vector.load %arg2[%get3A_29, %get3A_30, %get3A_31] : memref<4x1000x128xf32, #tpu.memory_space<vmem>>, vector<1x1000x128xf32>
    %get3A_33 = vector.shape_cast %get3A_32 : vector<1x1000x128xf32> to vector<1000x128xf32>
    %concatenate3A = tpu.concatenate %get3A_18, %get3A_23, %get3A_28, %get3A_33 in 1 : vector<1000x128xf32>, vector<1000x128xf32>, vector<1000x128xf32>, vector<1000x128xf32> -> vector<1000x512xf32>
    %mul3A = vector.broadcast %div3A_13 : vector<1000x1xf32> to vector<1000x512xf32>
    %mul3A_34 = arith.mulf %concatenate3A, %mul3A : vector<1000x512xf32>
    %get3A_35 = arith.constant 0 : index
    %get3A_36 = arith.constant 0 : index
    %get3A_37 = vector.load %arg1[%get3A_35, %get3A_36] : memref<1000x512xf32, #tpu.memory_space<vmem>>, vector<1000x512xf32>
    %get3A_38 = arith.constant 0 : index
    %get3A_39 = arith.constant 0 : index
    %get3A_40 = vector.load %arg4[%get3A_38, %get3A_39] : memref<512x512xf32, #tpu.memory_space<vmem>>, vector<512x512xf32>
    %dot_general3A = arith.constant dense<0.000000e+00> : vector<1000x512xf32>
    %dot_general3A_41 = tpu.matmul %mul3A_34, %get3A_40, %dot_general3A {dimension_numbers = #tpu.dot_dimension_numbers<[1], [0], [0], [1], [0, 0, 1, 1], [], []>, transpose_lhs_hint = false} : vector<1000x512xf32>, vector<512x512xf32>, vector<1000x512xf32> -> vector<1000x512xf32>
    %add3A_42 = arith.addf %get3A_37, %dot_general3A_41 : vector<1000x512xf32>
    %swap3A = arith.constant 0 : index
    %swap3A_43 = arith.constant 0 : index
    %swap3A_44 = vector.load %arg5[%swap3A, %swap3A_43] : memref<1000x512xf32, #tpu.memory_space<vmem>>, vector<1000x512xf32>
    tpu.vector_store %arg5[%swap3A, %swap3A_43], %add3A_42 {strides = array<i32>} : memref<1000x512xf32, #tpu.memory_space<vmem>>, vector<1000x512xf32>,
    return
  }
  func.func @transform_0(%arg0: i32) -> (i32, i32) {
    %c0_i32 = arith.constant 0 : i32
    %c0_i32_0 = arith.constant 0 : i32
    return %arg0, %c0_i32 : i32, i32
  }
  func.func @transform_1(%arg0: i32) -> (i32, i32, i32) {
    %c0_i32 = arith.constant 0 : i32
    %c0_i32_0 = arith.constant 0 : i32
    %c0_i32_1 = arith.constant 0 : i32
    return %c0_i32, %arg0, %c0_i32_0 : i32, i32, i32
  }
  func.func @transform_2(%arg0: i32) -> (i32, i32, i32) {
    %c0_i32 = arith.constant 0 : i32
    %c0_i32_0 = arith.constant 0 : i32
    %c0_i32_1 = arith.constant 0 : i32
    return %c0_i32, %arg0, %c0_i32_0 : i32, i32, i32
  }
  func.func @transform_3(%arg0: i32) -> (i32, i32) {
    %c0_i32 = arith.constant 0 : i32
    %c0_i32_0 = arith.constant 0 : i32
    %c0_i32_1 = arith.constant 0 : i32
    return %c0_i32, %c0_i32_0 : i32, i32
  }
  func.func @transform_4(%arg0: i32) -> (i32, i32) {
    %c0_i32 = arith.constant 0 : i32
    %c0_i32_0 = arith.constant 0 : i32
    return %arg0, %c0_i32 : i32, i32
  }
}

</mosaic_0001>

<sc_bundles>
// kernel: kernel.11.cloned.1.call-start
scs
__scs_entry_jumppad:
0x0: {  	(pc) =	sbr.rel $0x88, $3  }
0x1: {  	(tag) =	ssettag $0x0;
	lr =	simm.s32 $0x1  }
0x2: {  	[smem:$0x3F99] =	sst lr;
	_ =	strace $0xD0000000  }
0x3: {  	_ = 	snop  }
0x4: {  	_ = 	snop  }
0x5: {  	_ = 	snop  }
0x6: {  	_ = 	snop  }
0x7: {  	_ = 	snop  }
__scs_overlays_trampoline_lowered:
0x8: {  	[smem:$0x3FA8] =	sst s0  }
0x9: {  	[smem:$0x3FA9] =	sst s1  }
0xa: {  	[smem:$0x3FAA] =	sst s2  }
0xb: {  	[smem:$0x3FAB] =	sst s3  }
0xc: {  	[smem:$0x3FAC] =	sst s4  }
0xd: {  	[smem:$0x3FAD] =	sst s5  }
0xe: {  	[smem:$0x3FAE] =	sst s6  }
0xf: {  	[smem:$0x3FAF] =	sst s7  }
0x10: {  	[smem:$0x3FB0] =	sst s8  }
0x11: {  	[smem:$0x3FB1] =	sst s9;
	s0 =	simm.s32 @!p0 $0x0  }
0x12: {  	s1 =	sld [smem:$0x3F97];
	s0 =	simm.s32 @p0 $0x1  }
0x13: {  	[smem:$0x3FB2] =	sst s0;
	s0 =	simm.s32 @!p1 $0x0  }
0x14: {  	s2 =	sld [smem:$0x3F96];
	s0 =	simm.s32 @p1 $0x1  }
0x15: {  	[smem:$0x3FB3] =	sst s0;
	s0 =	simm.s32 @!p2 $0x0  }
0x16: {  	s3 =	sld [smem:$0x3FDB];
	s0 =	simm.s32 @p2 $0x1  }
0x17: {  	s4 =	simm.s32 $0x1BF5;
	[smem:$0x3FB5] =	sst s0  }
0x18: {  	s0 =	sld [smem:$0x3F98];
	_ =	swait.ge [sflag:s4], $0x0  }
0x19: {  	s7 =	sld [smem:$0x3F99]  }
0x1a: {  	s8 =	sadd.s32 $0xFFFFE003, lr  }
0x1b: {  	s9 =	sadd.s32 $0xFFFFFEF7, lr;
	s5 =	simm.s32 $0xFFFFFFFF;
	p2 =	slt.u32 s8, $0xFFFFF086  }
0x1c: {  	p1 =	slt.u32 s9, $0xF7A;
	s5 =	simm.s32 @!p2 $0x0  }
0x1d: {  	s5 =	simm.s32 @p1 $0x1;
	p0 =	seq.s32 s7, s2  }
0x1e: {  	s7 =	smul.u32 @!p0 $0xF7A, s2;
	p2 =	seq.s32 @!p0 s5, $0x0  }
0x1f: {  	s9 =	smul.u32 $0xF7A, s1;
	s8 =	simm.s32 @!p0 $0x1BF5;
	p2 =	por !p2, p0  }
0x20: {  	[sflag:s8] =	ssyncset.s32 @!p0 $0xFFFFF086;
	s6 =	sadd.s32 @!p0 s3, s7;
	s7 =	simm.s32 @!p0 $0x108  }
0x21: {  	s3 =	sadd.s32 s3, s9;
	s6 =	sadd.s32 @!p0 $0x88, s6;
	s7 =	simm.s32 @p2 $0x1082  }
0x22: {  	[simem:s7], [sflag:s8] =	dma.local @!p0 [hbm:s6], $0xF7A  }
0x23: {  	s9 =	sor.u32 $0xD0000000, s2;
	s6 =	simm.s32 $0x108;
	_ =	swait.ge @!p0 [sflag:s8], $0x0  }
0x24: {  	s3 =	sadd.s32 $0x88, s3;
	s6 =	simm.s32 @!p1 $0x1082;
	[sflag:s4] =	ssyncset.s32 $0xFFFFF086  }
0x25: {  	[simem:s6], [sflag:s4] =	dma.local [hbm:s3], $0xF7A  }
0x26: {  	[smem:$0x3F99] =	sst s1;
	(tag) =	ssettag s2;
	_ =	strace s9  }
0x27: {  	s1 =	sld [smem:$0x3FA9]  }
0x28: {  	s2 =	sld [smem:$0x3FAA]  }
0x29: {  	s4 =	sld [smem:$0x3FAC]  }
0x2a: {  	p0 =	seq.s32 s5, $0x0;
	s5 =	sld [smem:$0x3FAD]  }
0x2b: {  	s6 =	sld [smem:$0x3FAE]  }
0x2c: {  	s7 =	sld [smem:$0x3FAF]  }
0x2d: {  	s3 =	simm.s32 $0x108;
	s8 =	sld [smem:$0x3FB0]  }
0x2e: {  	s3 =	simm.s32 @!p0 $0x1082;
	s9 =	sld [smem:$0x3FB1]  }
0x2f: {  	lr =	sadd.s32 s0, s3;
	s0 =	sld [smem:$0x3FA8]  }
0x30: {  	s3 =	sld [smem:$0x3FAB]  }
0x31: {  	[smem:$0x3FB4] =	sst s10  }
0x32: {  	s10 =	sld [smem:$0x3FB2];
	_ =	sdelay $0x3  }
0x33: {  	p0 =	seq.s32 s10, $0x1;
	s10 =	sld [smem:$0x3FB4];
	_ =	sdelay $0x3  }
0x34: {  	[smem:$0x3FB4] =	sst s10  }
0x35: {  	s10 =	sld [smem:$0x3FB3];
	_ =	sdelay $0x3  }
0x36: {  	p1 =	seq.s32 s10, $0x1;
	s10 =	sld [smem:$0x3FB4];
	_ =	sdelay $0x3  }
0x37: {  	[smem:$0x3FB4] =	sst s10  }
0x38: {  	s10 =	sld [smem:$0x3FB5]  }
0x39: {  	_ = 	snop;
	(pc) =	sbr.ind lr, $3  }
0x3a: {  	_ = 	snop  }
0x3b: {  	_ = 	snop  }
0x3c: {  	p2 =	seq.s32 s10, $0x1;
	s10 =	sld [smem:$0x3FB4]  }
0x3d: {  	_ =	shalt  }
0x3e: {  	_ =	shalt  }
0x3f: {  	_ =	shalt  }
0x40: {  	_ =	shalt  }
0x41: {  	_ =	shalt  }
0x42: {  	_ =	shalt  }
0x43: {  	_ =	shalt  }
0x44: {  	_ =	shalt  }
0x45: {  	_ =	shalt  }
0x46: {  	_ =	shalt  }
0x47: {  	_ =	shalt  }
0x48: {  	_ =	shalt  }
0x49: {  	_ =	shalt  }
0x4a: {  	_ =	shalt  }
0x4b: {  	_ =	shalt  }
0x4c: {  	_ =	shalt  }
0x4d: {  	_ =	shalt  }
0x4e: {  	_ =	shalt  }
0x4f: {  	_ =	shalt  }
0x50: {  	_ =	shalt  }
0x51: {  	_ =	shalt  }
0x52: {  	_ =	shalt  }
0x53: {  	_ =	shalt  }
0x54: {  	_ =	shalt  }
0x55: {  	_ =	shalt  }
0x56: {  	_ =	shalt  }
0x57: {  	_ =	shalt  }
0x58: {  	_ =	shalt  }
0x59: {  	_ =	shalt  }
0x5a: {  	_ =	shalt  }
0x5b: {  	_ =	shalt  }
0x5c: {  	_ =	shalt  }
0x5d: {  	_ =	shalt  }
0x5e: {  	_ =	shalt  }
0x5f: {  	_ =	shalt  }
0x60: {  	_ =	shalt  }
0x61: {  	_ =	shalt  }
0x62: {  	_ =	shalt  }
0x63: {  	_ =	shalt  }
0x64: {  	_ =	shalt  }
0x65: {  	_ =	shalt  }
0x66: {  	_ =	shalt  }
0x67: {  	_ =	shalt  }
0x68: {  	_ =	shalt  }
0x69: {  	_ =	shalt  }
0x6a: {  	_ =	shalt  }
0x6b: {  	_ =	shalt  }
0x6c: {  	_ =	shalt  }
0x6d: {  	_ =	shalt  }
0x6e: {  	_ =	shalt  }
0x6f: {  	_ =	shalt  }
0x70: {  	_ =	shalt  }
0x71: {  	_ =	shalt  }
0x72: {  	_ =	shalt  }
0x73: {  	_ =	shalt  }
0x74: {  	_ =	shalt  }
0x75: {  	_ =	shalt  }
0x76: {  	_ =	shalt  }
0x77: {  	_ =	shalt  }
0x78: {  	_ =	shalt  }
0x79: {  	_ =	shalt  }
0x7a: {  	_ =	shalt  }
0x7b: {  	_ =	shalt  }
0x7c: {  	_ =	shalt  }
0x7d: {  	_ =	shalt  }
0x7e: {  	_ =	shalt  }
0x7f: {  	_ =	shalt  }
0x80: {  	_ =	shalt  }
0x81: {  	_ =	shalt  }
0x82: {  	_ =	shalt  }
0x83: {  	_ =	shalt  }
0x84: {  	_ =	shalt  }
0x85: {  	_ =	shalt  }
0x86: {  	_ =	shalt  }
0x87: {  	_ =	shalt  }
.Lfunc_end0:
.L_simem_size_0:
called_computation.1_lowered:
.L_overlay_start_0:
0x88: {  	s2 =	sld [smem:$0x3FD9]  }
0x89: {  	s3 =	sld [smem:$0x3FFE];
	_ =	sdelay $0x1  }
0x8a: {  	s1 =	srdreg.scid  }
0x8b: {  	s0 =	sand.u32 $0x1, s1  }
0x8c: {  	s16 =	sshll.u32 s0, $0xA;
	s2 =	sadd.s32 s3, s2  }
0x8d: {  	s2 =	sadd.s32 s2, s16  }
0x8e: {  	[smem:$0x3FC0] =	sst s2  }
0x8f: {  	_ = 	snop  }
0x90: {  	(tm) =	ssettm $0x1  }
0x91: {  	s17 =	sld [smem:$0x3FFB];
	_ =	sdelay $0x3  }
0x92: {  	_ =	strace s17  }
0x93: {  	s2 =	sld [smem:$0x3FFC];
	_ =	sdelay $0x3  }
0x94: {  	_ =	strace s2  }
0x95: {  	s2 =	sld [smem:$0x3FFD];
	_ =	sdelay $0x3  }
0x96: {  	_ =	strace s2  }
0x97: {  	_ =	strace $0x8FFFFFFF  }
0x98: {  	s18 =	sld [smem:$0x3FDB];
	_ =	sdelay $0x1  }
0x99: {  	s19 =	simm.s32 $_scs_section_size  }
0x9a: {  	s4 =	simm.s32 $_size__tile_overlayer_lowered;
	s5 =	simm.s32 $_tile_overlayer_lowered  }
0x9b: {  	s22 =	simm.s32 $0x1BFF;
	s21 =	sshll.u32 s5, $0x1;
	s2 =	sadd.s32 s19, s18  }
0x9c: {  	s6 =	simm.s32 $0x0;
	s20 =	sshll.u32 s4, $0x1;
	s4 =	sadd.s32 s21, s2  }
0x9d: {  	[timem:s6], [sflag:s22] =	dma.local [hbm:s4], s20  }
0x9e: {  	_ =	swait.ge [sflag:s22], s20  }
0x9f: {  	s3 =	ssub.s32 $0x0, s20;
	[sflag:s22] =	ssyncset.done $0x0  }
0xa0: {  	[sflag:s22] =	ssyncadd.s32 s3;
	_ =	sdelay $0x1  }
0xa1: {  	s23 =	simm.s32 $0x1B8B  }
0xa2: {  	_ =	swait.ge [sflag:s23], $0x1  }
0xa3: {  	[sflag:s23] =	ssyncset.done $0x0  }
0xa4: {  	s25 =	simm.s32 $0x1B8E;
	s24 =	sld [smem:$0x3FFE];
	[sflag:s23] =	ssyncadd.s32 $0xFFFFFFFF  }
0xa5: {  	s26 =	simm.s32 $execute0_lowered;
	[smem:$0x3FD2] =	sst s25  }
0xa6: {  	s4 =	sshll.u32 s26, $0x1;
	_ =	strace $0x80000049;
	[dreg:$0x1] =	wrdreg $0xFFFFFFFF  }
0xa7: {  	s28 =	simm.s32 $_size_execute0_lowered;
	s2 =	sadd.s32 s2, s4;
	[dreg:$0x0] =	wrdreg $0x0  }
0xa8: {  	s4 =	sshll.u32 s28, $0x1;
	[dreg:$0x2] =	wrdreg s2  }
0xa9: {  	[dreg:$0x3] =	wrdreg s4  }
0xaa: {  	[dreg:$0x4] =	wrdreg $0xC0  }
0xab: {  	_ =	task [dreg:s6], $0x5FFFF  }
0xac: {  	[dreg:$0x1] =	wrdreg $0xFFFFFFFF  }
0xad: {  	[dreg:$0x0] =	wrdreg $0x60  }
0xae: {  	[dreg:$0x2] =	wrdreg s24  }
0xaf: {  	[dreg:$0x3] =	wrdreg $0xA8000  }
0xb0: {  	[dreg:$0x4] =	wrdreg $0x9  }
0xb1: {  	_ =	task.clear_ibuf [dreg:s6], $0x5FFFF;
	_ =	strace $0x90000049  }
0xb2: {  	s29 =	simm.s32 $0x9;
	_ =	strace $0x8000004B  }
0xb3: {  	_ =	swait.ge [sflag:s29], $0x1  }
0xb4: {  	[sflag:s29] =	ssyncadd.s32 $0xFFFFFFFF  }
0xb5: {  	_ =	strace $0x9000004B  }
0xb6: {  	_ =	sfence  }
0xb7: {  	s30 =	sld [smem:$0x0];
	_ =	sdelay $0x2  }
0xb8: {  	s31 =	sshll.u32 s1, $0xD;
	s1 =	sshrl.u32 s1, $0x2  }
0xb9: {  	s3 =	sand.u32 $0x4000, s31;
	s1 =	sadd.s32 s1, s30  }
0xba: {  	s0 =	sor.u32 s3, s0;
	s1 =	sshll.u32 s1, $0x11  }
0xbb: {  	s0 =	sor.u32 s1, s0  }
0xbc: {  	s0 =	sadd.s32 $0x8F2B, s0  }
0xbd: {  	[sflag:s0] =	ssyncadd.remote.s32 $0x1  }
0xbe: {  	_ =	sfence.sel $0xFFFF  }
0xbf: {  	[dreg:$0x0] =	wrdreg $0xFFFFFFFF;
	(pc) =	sbr.abs _section_cstart, $3  }
0xc0: {  	[dreg:$0x1] =	wrdreg $0xFFFFFFFF  }
0xc1: {  	_ =	task.clear_ibuf [dreg:s6], $0x2FFFF;
	_ =	strace $0x9FFFFFFF  }
0xc2: {  	(tm) =	ssettm $0x7FFFFFFF  }
0xc3: {  	_ =	shalt  }
tec
execute0_lowered:
.L_overlay_start_1:
0x0: {  	(tag) =	ssettag $0x1  }
0x1: {  	s0 =	rddreg [dreg:$0x0]  }
0x2: {  	s1 =	rddreg [dreg:$0x1]  }
0x3: {  	s21 =	simm.s32 $0x0;
	s13 =	stileid.u32;
	s2 =	srdreg.scid  }
0x4: {  	s28 =	simm.s32 $0x2800;
	s29 =	simm.s32 $0x5;
	s30 =	simm.s32 $0x3  }
0x5: {  	s31 =	simm.s32 $0x1400;
	[smem:$0x7FF] =	sst s21;
	s4 =	sadd.s32 $0x166800, s0  }
0x6: {  	s5 =	sadd.s32 $0x2800, s0;
	s3 =	smul.u32 $0x50000, s13;
	s6 =	sadd.s32 $0x16800, s0  }
0x7: {  	s7 =	sadd.s32 $0x25800, s0;
	s2 =	sand.u32 $0x1, s2;
	s14 =	smul.u32 $0x280, s13  }
0x8: {  	s0 =	sadd.s32 $0xC6800, s0;
	s13 =	smul.u32 $0x50, s13;
	_ =	strace $0x8000004A  }
0x9: {  	[dreg:$0x3] =	wrdreg s7;
	s17 =	ssub.s32 $0x2, s2;
	s18 =	smul.u32 $0x5000, s2  }
0xa: {  	s16 =	sshllo.u32 s2, $0x1;
	s3 =	sshrl.u32 s3, $0x2;
	s9 =	sshrl.u32 s17, $0x1  }
0xb: {  	s15 =	smul.u32 $0xA00, s2;
	s8 =	sadd.s32 s3, s1;
	s7 =	ssub.s32 s17, s9  }
0xc: {  	s3 =	sadd.s32 s14, s18;
	s17 =	smul.u32 $0x2800, s16;
	s18 =	simm.s32 $0x2600  }
0xd: {  	s9 =	sadd.s32 $0x4000, s8;
	s10 =	sadd.s32 $0x8000, s8;
	s11 =	sadd.s32 $0xC000, s8  }
0xe: {  	s3 =	sshll.u32 s3, $0x4;
	s26 =	smax.u32 s7, $0x1;
	[dreg:$0x4] =	wrdreg s8  }
0xf: {  	s12 =	sadd.s32 $0x10000, s8;
	s3 =	sadd.s32 s0, s3;
	[dreg:$0xe] =	wrdreg s26  }
0x10: {  	s20 =	sadd.s32 s14, s17;
	s19 =	sadd.s32 $0x800, s3;
	[dreg:$0x5] =	wrdreg s3  }
0x11: {  	s17 =	simm.s32 $0x2;
	s22 =	sadd.s32 $0x1000, s3;
	[dreg:$0x6] =	wrdreg s19  }
0x12: {  	s26 =	simm.s32 $0x4;
	s23 =	sadd.s32 $0x1800, s3;
	[dreg:$0x7] =	wrdreg s22  }
0x13: {  	s2 =	sshll.u32 s20, $0x4;
	s3 =	sadd.s32 $0x2000, s3;
	[dreg:$0x8] =	wrdreg s23  }
0x14: {  	s14 =	simm.s32 $0x0;
	[dreg:$0x9] =	wrdreg s3;
	s0 =	sadd.s32 s0, s2  }
0x15: {  	s20 =	smul.u32 $0x500, s16;
	s2 =	sadd.s32 $0x800, s0;
	[dreg:$0xa] =	wrdreg s0  }
0x16: {  	s16 =	simm.s32 $0x1;
	s24 =	sadd.s32 $0x1000, s0;
	[dreg:$0xb] =	wrdreg s2  }
0x17: {  	s19 =	simm.s32 $0x1300;
	s25 =	sadd.s32 $0x1800, s0;
	[dreg:$0xc] =	wrdreg s24  }
0x18: {  	s22 =	simm.s32 $0x2680;
	s0 =	sadd.s32 $0x2000, s0;
	[dreg:$0xd] =	wrdreg s25  }
0x19: {  	s23 =	simm.s32 $0x1380;
	[dreg:$0xf] =	wrdreg s0;
	s0 =	simm.s32 $0x80  }
0x1a: {  	s2 =	simm.s32 $0x6800;
	s24 =	simm.s32 $0x2700;
	s25 =	simm.s32 $0x2780  }
.LBB2_1:
0x1b: {  	s3 =	rddreg [dreg:$0x3]  }
0x1c: {  	[tilespmem:s28], [sflag:$0x5] =	stream.linear.gather [hbm4b:s3+s21], $0x4000, $0x38;
	[tilespmem:$0x1E800] =	vst v63  }
0x1d: {  	_ =	swait.ge [sflag:s29], $0x4000  }
0x1e: {  	[sflag:s29] =	ssyncset.done $0x0  }
0x1f: {  	[sflag:s29] =	ssyncadd.s32 $0xFFFFC000  }
0x20: {  	[spmem:s8] =	stream.linear.scatter [tilespmem:s28], [sflag:$0x3], $0x4000, $0x38;
	[tilespmem:$0x1E800] =	vst v63  }
0x21: {  	_ = 	snop  }
0x22: {  	[spmem:s9] =	stream.linear.scatter [tilespmem:s28], [sflag:$0x3], $0x4000, $0x38;
	[tilespmem:$0x1E800] =	vst v63  }
0x23: {  	_ = 	snop  }
0x24: {  	[spmem:s10] =	stream.linear.scatter [tilespmem:s28], [sflag:$0x3], $0x4000, $0x38;
	[tilespmem:$0x1E800] =	vst v63  }
0x25: {  	_ = 	snop  }
0x26: {  	[spmem:s11] =	stream.linear.scatter [tilespmem:s28], [sflag:$0x3], $0x4000, $0x38;
	[tilespmem:$0x1E800] =	vst v63  }
0x27: {  	_ = 	snop  }
0x28: {  	[spmem:s12] =	stream.linear.scatter [tilespmem:s28], [sflag:$0x3], $0x4000, $0x38;
	[tilespmem:$0x1E800] =	vst v63  }
0x29: {  	_ =	swait.ge [sflag:s30], $0x4000  }
0x2a: {  	[sflag:s30] =	ssyncset.done $0x0  }
0x2b: {  	[sflag:s30] =	ssyncadd.s32 $0xFFFFC000  }
0x2c: {  	_ =	swait.ge [sflag:s30], $0x4000  }
0x2d: {  	[sflag:s30] =	ssyncset.done $0x0  }
0x2e: {  	[sflag:s30] =	ssyncadd.s32 $0xFFFFC000  }
0x2f: {  	_ =	swait.ge [sflag:s30], $0x4000  }
0x30: {  	[sflag:s30] =	ssyncset.done $0x0  }
0x31: {  	[sflag:s30] =	ssyncadd.s32 $0xFFFFC000  }
0x32: {  	_ =	swait.ge [sflag:s30], $0x4000  }
0x33: {  	[sflag:s30] =	ssyncset.done $0x0  }
0x34: {  	[sflag:s30] =	ssyncadd.s32 $0xFFFFC000  }
0x35: {  	_ =	swait.ge [sflag:s30], $0x4000  }
0x36: {  	[sflag:s30] =	ssyncset.done $0x0  }
0x37: {  	[sflag:s30] =	ssyncadd.s32 $0xFFFFC000  }
0x38: {  	p1 =	por $0x1, $0x1;
	s3 =	simm.s32 $0x0;
	[bflag:$0x0] =	sbarrier.arrive $0xFFFF  }
.LBB2_2:
0x39: {  	s3 =	sadd.s32 s13, s3  }
0x3a: {  	s7 =	sadd.s32 s15, s3  }
0x3b: {  	s7 =	sshll.u32 s7, $0x4  }
0x3c: {  	s21 =	simm.s32 $0x0;
	s7 =	sadd.s32 s5, s7  }
0x3d: {  	[tilespmem:s21], [sflag:$0x5] =	stream.linear.gather [hbm4b:s7+s21], $0x1400, $0x38;
	[tilespmem:$0x1E800] =	vst v63  }
0x3e: {  	_ =	swait.ge [sflag:s29], $0x1400  }
0x3f: {  	s3 =	sshll.u32 s3, $0x4;
	[sflag:s29] =	ssyncset.done $0x0  }
0x40: {  	s3 =	sadd.s32 s6, s3;
	[sflag:s29] =	ssyncadd.s32 $0xFFFFEC00  }
0x41: {  	[tilespmem:s31], [sflag:$0x5] =	stream.linear.gather [hbm4b:s3+s21], $0x1400, $0x38;
	[tilespmem:$0x1E800] =	vst v63  }
0x42: {  	_ =	swait.ge [sflag:s29], $0x1400  }
0x43: {  	[sflag:s29] =	ssyncset.done $0x0  }
0x44: {  	[sflag:s29] =	ssyncadd.s32 $0xFFFFEC00  }
0x45: {  	[tilespmem:s28], [sflag:$0x1] =	stream.indirect.gather [hbm4b:s4+s0], $0x80, s21, s0, $0xb8;
	[tilespmem:$0x1E800] =	vst v63  }
0x46: {  	_ = 	snop  }
0x47: {  	[tilespmem:s2], [sflag:$0x2] =	stream.indirect.gather [hbm4b:s4+s0], $0x80, s0, s0, $0xb8;
	[tilespmem:$0x1E800] =	vst v63  }
0x48: {  	_ =	swait.ge [sflag:s16], $0x4000  }
0x49: {  	[sflag:s16] =	ssyncset.done $0x0  }
0x4a: {  	s21 =	simm.s32 $0x1400;
	[sflag:s16] =	ssyncadd.s32 $0xFFFFC000  }
0x4b: {  	[spmem:s1] =	stream.indirect.scatter.add.f32 [tilespmem:s28], [sflag:$0x5], $0x80, s21, s0, $0xb8;
	[tilespmem:$0x1E800] =	vst v63  }
0x4c: {  	_ =	swait.ge [sflag:s29], $0x4000  }
0x4d: {  	[sflag:s29] =	ssyncset.done $0x0  }
0x4e: {  	s7 =	simm.s32 $0x100;
	[sflag:s29] =	ssyncadd.s32 $0xFFFFC000  }
0x4f: {  	[tilespmem:s28], [sflag:$0x1] =	stream.indirect.gather [hbm4b:s4+s0], $0x80, s7, s0, $0xb8;
	[tilespmem:$0x1E800] =	vst v63  }
0x50: {  	_ =	swait.ge [sflag:s17], $0x4000  }
0x51: {  	[sflag:s17] =	ssyncset.done $0x0  }
0x52: {  	s21 =	simm.s32 $0x1480;
	[sflag:s17] =	ssyncadd.s32 $0xFFFFC000  }
0x53: {  	[spmem:s1] =	stream.indirect.scatter.add.f32 [tilespmem:s2], [sflag:$0x5], $0x80, s21, s0, $0xb8;
	[tilespmem:$0x1E800] =	vst v63  }
0x54: {  	_ =	swait.ge [sflag:s29], $0x4000  }
0x55: {  	p0 =	por p1, p1;
	[sflag:s29] =	ssyncset.done $0x0  }
0x56: {  	s7 =	simm.s32 $0x180;
	s21 =	simm.s32 $0x400;
	[sflag:s29] =	ssyncadd.s32 $0xFFFFC000  }
.LBB2_3:
0x57: {  	[tilespmem:s2], [sflag:$0x2] =	stream.indirect.gather [hbm4b:s4+s0], $0x80, s7, s0, $0xb8;
	[tilespmem:$0x1E800] =	vst v63  }
0x58: {  	s3 =	smov.u32 s21  }
0x59: {  	p1 =	sne.s32 s21, $0x4400;
	s21 =	sadd.s32 $0x400, s21;
	_ =	swait.ge [sflag:s16], $0x4000  }
0x5a: {  	s3 =	sshra.s32 s3, $0x2;
	[sflag:s16] =	ssyncset.done $0x0  }
0x5b: {  	s7 =	sadd.s32 $0x1400, s3;
	[sflag:s16] =	ssyncadd.s32 $0xFFFFC000  }
0x5c: {  	[spmem:s1] =	stream.indirect.scatter.add.f32 [tilespmem:s28], [sflag:$0x5], $0x80, s7, s0, $0xb8;
	[tilespmem:$0x1E800] =	vst v63  }
0x5d: {  	_ =	swait.ge [sflag:s29], $0x4000  }
0x5e: {  	[sflag:s29] =	ssyncset.done $0x0  }
0x5f: {  	s7 =	sadd.s32 $0x100, s3;
	[sflag:s29] =	ssyncadd.s32 $0xFFFFC000  }
0x60: {  	[tilespmem:s28], [sflag:$0x1] =	stream.indirect.gather [hbm4b:s4+s0], $0x80, s7, s0, $0xb8;
	[tilespmem:$0x1E800] =	vst v63  }
0x61: {  	_ =	swait.ge [sflag:s17], $0x4000  }
0x62: {  	[sflag:s17] =	ssyncset.done $0x0  }
.Ltmp0:
0x63: {  	s7 =	sadd.s32 $0x1480, s3;
	[sflag:s17] =	ssyncadd.s32 $0xFFFFC000;
	(pc) =	sbr.rel @p1 .LBB2_3-.Ltmp0, $4  }
0x64: {  	[spmem:s1] =	stream.indirect.scatter.add.f32 [tilespmem:s2], [sflag:$0x5], $0x80, s7, s0, $0xb8;
	[tilespmem:$0x1E800] =	vst v63  }
0x65: {  	_ =	swait.ge [sflag:s29], $0x4000  }
0x66: {  	[sflag:s29] =	ssyncset.done $0x0  }
0x67: {  	s7 =	sadd.s32 $0x180, s3;
	[sflag:s29] =	ssyncadd.s32 $0xFFFFC000  }
0x68: {  	[tilespmem:s2], [sflag:$0x2] =	stream.indirect.gather [hbm4b:s4+s0], $0x80, s7, s0, $0xb8;
	[tilespmem:$0x1E800] =	vst v63  }
0x69: {  	_ =	swait.ge [sflag:s16], $0x4000  }
0x6a: {  	[sflag:s16] =	ssyncset.done $0x0  }
0x6b: {  	[sflag:s16] =	ssyncadd.s32 $0xFFFFC000  }
0x6c: {  	[spmem:s1] =	stream.indirect.scatter.add.f32 [tilespmem:s28], [sflag:$0x5], $0x80, s18, s0, $0xb8;
	[tilespmem:$0x1E800] =	vst v63  }
0x6d: {  	_ =	swait.ge [sflag:s29], $0x4000  }
0x6e: {  	[sflag:s29] =	ssyncset.done $0x0  }
0x6f: {  	[sflag:s29] =	ssyncadd.s32 $0xFFFFC000  }
0x70: {  	[tilespmem:s28], [sflag:$0x1] =	stream.indirect.gather [hbm4b:s4+s0], $0x80, s19, s0, $0xb8;
	[tilespmem:$0x1E800] =	vst v63  }
0x71: {  	_ =	swait.ge [sflag:s17], $0x4000  }
0x72: {  	[sflag:s17] =	ssyncset.done $0x0  }
0x73: {  	[sflag:s17] =	ssyncadd.s32 $0xFFFFC000  }
0x74: {  	[spmem:s1] =	stream.indirect.scatter.add.f32 [tilespmem:s2], [sflag:$0x5], $0x80, s22, s0, $0xb8;
	[tilespmem:$0x1E800] =	vst v63  }
0x75: {  	_ =	swait.ge [sflag:s29], $0x4000  }
0x76: {  	[sflag:s29] =	ssyncset.done $0x0  }
0x77: {  	[sflag:s29] =	ssyncadd.s32 $0xFFFFC000  }
0x78: {  	[tilespmem:s2], [sflag:$0x2] =	stream.indirect.gather [hbm4b:s4+s0], $0x80, s23, s0, $0xb8;
	[tilespmem:$0x1E800] =	vst v63  }
0x79: {  	_ =	swait.ge [sflag:s16], $0x4000  }
0x7a: {  	[sflag:s16] =	ssyncset.done $0x0  }
0x7b: {  	[sflag:s16] =	ssyncadd.s32 $0xFFFFC000  }
0x7c: {  	[spmem:s1] =	stream.indirect.scatter.add.f32 [tilespmem:s28], [sflag:$0x5], $0x80, s24, s0, $0xb8;
	[tilespmem:$0x1E800] =	vst v63  }
0x7d: {  	_ =	swait.ge [sflag:s29], $0x4000  }
0x7e: {  	[sflag:s29] =	ssyncset.done $0x0  }
0x7f: {  	[sflag:s29] =	ssyncadd.s32 $0xFFFFC000  }
0x80: {  	[tilespmem:s28], [sflag:$0x1] =	stream.indirect.gather [hbm4b:s4+s0], $0x80, s23, s0, $0xb8;
	[tilespmem:$0x1E800] =	vst v63  }
0x81: {  	_ =	swait.ge [sflag:s17], $0x4000  }
0x82: {  	[sflag:s17] =	ssyncset.done $0x0  }
0x83: {  	[sflag:s17] =	ssyncadd.s32 $0xFFFFC000  }
0x84: {  	[spmem:s1] =	stream.indirect.scatter.add.f32 [tilespmem:s2], [sflag:$0x5], $0x80, s25, s0, $0xb8;
	[tilespmem:$0x1E800] =	vst v63  }
0x85: {  	_ =	swait.ge [sflag:s29], $0x4000  }
0x86: {  	[sflag:s29] =	ssyncset.done $0x0  }
0x87: {  	[sflag:s29] =	ssyncadd.s32 $0xFFFFC000  }
0x88: {  	[tilespmem:s2], [sflag:$0x2] =	stream.indirect.gather [hbm4b:s4+s0], $0x80, s23, s0, $0xb8;
	[tilespmem:$0x1E800] =	vst v63  }
0x89: {  	_ =	swait.ge [sflag:s16], $0x4000  }
.Ltmp1:
0x8a: {  	[sflag:s16] =	ssyncset.done $0x0;
	(pc) =	sbr.rel @p0 .LBB2_2-.Ltmp1, $4  }
0x8b: {  	[sflag:s16] =	ssyncadd.s32 $0xFFFFC000  }
0x8c: {  	_ =	swait.ge [sflag:s17], $0x4000  }
0x8d: {  	[sflag:s17] =	ssyncset.done $0x0  }
0x8e: {  	s3 =	simm.s32 $0x28;
	p1 =	por $0x0, $0x0;
	[sflag:s17] =	ssyncadd.s32 $0xFFFFC000  }
0x8f: {  	[bflag:$0x0] =	sbarrier.arrive $0xFFFF  }
0x90: {  	[tilespmem:s28], [sflag:$0x5] =	stream.linear.gather [spmem:s8], $0x4000, $0x38;
	[tilespmem:$0x1E800] =	vst v63  }
0x91: {  	_ =	swait.ge [sflag:s29], $0x4000  }
0x92: {  	[sflag:s29] =	ssyncset.done $0x0  }
0x93: {  	s21 =	simm.s32 $0x0;
	s3 =	rddreg [dreg:$0x5];
	[sflag:s29] =	ssyncadd.s32 $0xFFFFC000  }
0x94: {  	[hbm4b:s3+s21] =	stream.linear.scatter [tilespmem:s28], [sflag:$0x3], $0x4000, $0x38;
	[tilespmem:$0x1E800] =	vst v63  }
0x95: {  	_ = 	snop  }
0x96: {  	[tilespmem:s2], [sflag:$0x5] =	stream.linear.gather [spmem:s9], $0x4000, $0x38;
	[tilespmem:$0x1E800] =	vst v63  }
0x97: {  	_ =	swait.ge [sflag:s29], $0x4000  }
0x98: {  	[sflag:s29] =	ssyncset.done $0x0  }
0x99: {  	s7 =	rddreg [dreg:$0x6];
	[sflag:s29] =	ssyncadd.s32 $0xFFFFC000  }
0x9a: {  	[hbm4b:s7+s21] =	stream.linear.scatter [tilespmem:s2], [sflag:$0x4], $0x4000, $0x38;
	[tilespmem:$0x1E800] =	vst v63  }
0x9b: {  	_ =	swait.ge [sflag:s30], $0x4000  }
0x9c: {  	[sflag:s30] =	ssyncset.done $0x0  }
0x9d: {  	[sflag:s30] =	ssyncadd.s32 $0xFFFFC000  }
0x9e: {  	[tilespmem:s28], [sflag:$0x5] =	stream.linear.gather [spmem:s10], $0x4000, $0x38;
	[tilespmem:$0x1E800] =	vst v63  }
0x9f: {  	_ =	swait.ge [sflag:s29], $0x4000  }
0xa0: {  	[sflag:s29] =	ssyncset.done $0x0  }
0xa1: {  	s7 =	rddreg [dreg:$0x7];
	[sflag:s29] =	ssyncadd.s32 $0xFFFFC000  }
0xa2: {  	[hbm4b:s7+s21] =	stream.linear.scatter [tilespmem:s28], [sflag:$0x3], $0x4000, $0x38;
	[tilespmem:$0x1E800] =	vst v63  }
0xa3: {  	_ =	swait.ge [sflag:s26], $0x4000  }
0xa4: {  	[sflag:s26] =	ssyncset.done $0x0  }
0xa5: {  	[sflag:s26] =	ssyncadd.s32 $0xFFFFC000  }
0xa6: {  	[tilespmem:s2], [sflag:$0x5] =	stream.linear.gather [spmem:s11], $0x4000, $0x38;
	[tilespmem:$0x1E800] =	vst v63  }
0xa7: {  	_ =	swait.ge [sflag:s29], $0x4000  }
0xa8: {  	[sflag:s29] =	ssyncset.done $0x0  }
0xa9: {  	s7 =	rddreg [dreg:$0x8];
	[sflag:s29] =	ssyncadd.s32 $0xFFFFC000  }
0xaa: {  	[hbm4b:s7+s21] =	stream.linear.scatter [tilespmem:s2], [sflag:$0x4], $0x4000, $0x38;
	[tilespmem:$0x1E800] =	vst v63  }
0xab: {  	_ =	swait.ge [sflag:s30], $0x4000  }
0xac: {  	[sflag:s30] =	ssyncset.done $0x0  }
0xad: {  	[sflag:s30] =	ssyncadd.s32 $0xFFFFC000  }
0xae: {  	[tilespmem:s28], [sflag:$0x5] =	stream.linear.gather [spmem:s12], $0x4000, $0x38;
	[tilespmem:$0x1E800] =	vst v63  }
0xaf: {  	_ =	swait.ge [sflag:s29], $0x4000  }
0xb0: {  	[sflag:s29] =	ssyncset.done $0x0  }
0xb1: {  	s7 =	rddreg [dreg:$0x9];
	[sflag:s29] =	ssyncadd.s32 $0xFFFFC000  }
0xb2: {  	[hbm4b:s7+s21] =	stream.linear.scatter [tilespmem:s28], [sflag:$0x3], $0x4000, $0x38;
	[tilespmem:$0x1E800] =	vst v63  }
0xb3: {  	_ =	swait.ge [sflag:s30], $0x4000  }
0xb4: {  	[sflag:s30] =	ssyncset.done $0x0  }
0xb5: {  	[sflag:s30] =	ssyncadd.s32 $0xFFFFC000  }
0xb6: {  	_ =	swait.ge [sflag:s26], $0x4000  }
0xb7: {  	[sflag:s26] =	ssyncset.done $0x0  }
0xb8: {  	s7 =	rddreg [dreg:$0x3];
	[sflag:s26] =	ssyncadd.s32 $0xFFFFC000  }
0xb9: {  	[tilespmem:s28], [sflag:$0x5] =	stream.linear.gather [hbm4b:s7+s21], $0x4000, $0x38;
	[tilespmem:$0x1E800] =	vst v63  }
0xba: {  	_ =	swait.ge [sflag:s29], $0x4000  }
0xbb: {  	[sflag:s29] =	ssyncset.done $0x0  }
0xbc: {  	[sflag:s29] =	ssyncadd.s32 $0xFFFFC000  }
0xbd: {  	[spmem:s8] =	stream.linear.scatter [tilespmem:s28], [sflag:$0x3], $0x4000, $0x38;
	[tilespmem:$0x1E800] =	vst v63  }
0xbe: {  	_ = 	snop  }
0xbf: {  	[spmem:s9] =	stream.linear.scatter [tilespmem:s28], [sflag:$0x3], $0x4000, $0x38;
	[tilespmem:$0x1E800] =	vst v63  }
0xc0: {  	s8 =	smov.u32 s10  }
0xc1: {  	[spmem:s8] =	stream.linear.scatter [tilespmem:s28], [sflag:$0x3], $0x4000, $0x38;
	[tilespmem:$0x1E800] =	vst v63  }
0xc2: {  	s7 =	smov.u32 s11  }
0xc3: {  	[spmem:s7] =	stream.linear.scatter [tilespmem:s28], [sflag:$0x3], $0x4000, $0x38;
	[tilespmem:$0x1E800] =	vst v63  }
0xc4: {  	s10 =	smov.u32 s9;
	s9 =	smov.u32 s12  }
0xc5: {  	[spmem:s9] =	stream.linear.scatter [tilespmem:s28], [sflag:$0x3], $0x4000, $0x38;
	[tilespmem:$0x1E800] =	vst v63  }
0xc6: {  	_ =	swait.ge [sflag:s30], $0x4000  }
0xc7: {  	[sflag:s30] =	ssyncset.done $0x0  }
0xc8: {  	[sflag:s30] =	ssyncadd.s32 $0xFFFFC000  }
0xc9: {  	_ =	swait.ge [sflag:s30], $0x4000  }
0xca: {  	[sflag:s30] =	ssyncset.done $0x0  }
0xcb: {  	[sflag:s30] =	ssyncadd.s32 $0xFFFFC000  }
0xcc: {  	_ =	swait.ge [sflag:s30], $0x4000  }
0xcd: {  	[sflag:s30] =	ssyncset.done $0x0  }
0xce: {  	[sflag:s30] =	ssyncadd.s32 $0xFFFFC000  }
0xcf: {  	_ =	swait.ge [sflag:s30], $0x4000  }
0xd0: {  	[sflag:s30] =	ssyncset.done $0x0  }
0xd1: {  	[sflag:s30] =	ssyncadd.s32 $0xFFFFC000  }
0xd2: {  	_ =	swait.ge [sflag:s30], $0x4000  }
0xd3: {  	p1 =	por $0x1, $0x1;
	[sflag:s30] =	ssyncset.done $0x0  }
0xd4: {  	s3 =	simm.s32 $0x0;
	s11 =	smov.u32 s8;
	[sflag:s30] =	ssyncadd.s32 $0xFFFFC000  }
0xd5: {  	s12 =	smov.u32 s7;
	s8 =	smov.u32 s9;
	[bflag:$0x0] =	sbarrier.arrive $0xFFFF  }
.LBB2_6:
0xd6: {  	s3 =	sadd.s32 s13, s3  }
0xd7: {  	s7 =	sadd.s32 s20, s3  }
0xd8: {  	s7 =	sshll.u32 s7, $0x4  }
0xd9: {  	s7 =	sadd.s32 s5, s7  }
0xda: {  	[tilespmem:s21], [sflag:$0x5] =	stream.linear.gather [hbm4b:s7+s21], $0x1400, $0x38;
	[tilespmem:$0x1E800] =	vst v63  }
0xdb: {  	_ =	swait.ge [sflag:s29], $0x1400  }
0xdc: {  	s3 =	sshll.u32 s3, $0x4;
	[sflag:s29] =	ssyncset.done $0x0  }
0xdd: {  	s3 =	sadd.s32 s6, s3;
	[sflag:s29] =	ssyncadd.s32 $0xFFFFEC00  }
0xde: {  	[tilespmem:s31], [sflag:$0x5] =	stream.linear.gather [hbm4b:s3+s21], $0x1400, $0x38;
	[tilespmem:$0x1E800] =	vst v63  }
0xdf: {  	_ =	swait.ge [sflag:s29], $0x1400  }
0xe0: {  	[sflag:s29] =	ssyncset.done $0x0  }
0xe1: {  	[sflag:s29] =	ssyncadd.s32 $0xFFFFEC00  }
0xe2: {  	[tilespmem:s28], [sflag:$0x1] =	stream.indirect.gather [hbm4b:s4+s0], $0x80, s21, s0, $0xb8;
	[tilespmem:$0x1E800] =	vst v63  }
0xe3: {  	_ = 	snop  }
0xe4: {  	[tilespmem:s2], [sflag:$0x2] =	stream.indirect.gather [hbm4b:s4+s0], $0x80, s0, s0, $0xb8;
	[tilespmem:$0x1E800] =	vst v63  }
0xe5: {  	_ =	swait.ge [sflag:s16], $0x4000  }
0xe6: {  	[sflag:s16] =	ssyncset.done $0x0  }
0xe7: {  	s9 =	simm.s32 $0x1400;
	[sflag:s16] =	ssyncadd.s32 $0xFFFFC000  }
0xe8: {  	[spmem:s1] =	stream.indirect.scatter.add.f32 [tilespmem:s28], [sflag:$0x5], $0x80, s9, s0, $0xb8;
	[tilespmem:$0x1E800] =	vst v63  }
0xe9: {  	_ =	swait.ge [sflag:s29], $0x4000  }
0xea: {  	[sflag:s29] =	ssyncset.done $0x0  }
0xeb: {  	s7 =	simm.s32 $0x100;
	[sflag:s29] =	ssyncadd.s32 $0xFFFFC000  }
0xec: {  	[tilespmem:s28], [sflag:$0x1] =	stream.indirect.gather [hbm4b:s4+s0], $0x80, s7, s0, $0xb8;
	[tilespmem:$0x1E800] =	vst v63  }
0xed: {  	_ =	swait.ge [sflag:s17], $0x4000  }
0xee: {  	[sflag:s17] =	ssyncset.done $0x0  }
0xef: {  	s9 =	simm.s32 $0x1480;
	[sflag:s17] =	ssyncadd.s32 $0xFFFFC000  }
0xf0: {  	[spmem:s1] =	stream.indirect.scatter.add.f32 [tilespmem:s2], [sflag:$0x5], $0x80, s9, s0, $0xb8;
	[tilespmem:$0x1E800] =	vst v63  }
0xf1: {  	_ =	swait.ge [sflag:s29], $0x4000  }
0xf2: {  	p0 =	por p1, p1;
	[sflag:s29] =	ssyncset.done $0x0  }
0xf3: {  	s3 =	simm.s32 $0x180;
	s7 =	simm.s32 $0x400;
	[sflag:s29] =	ssyncadd.s32 $0xFFFFC000  }
.LBB2_7:
0xf4: {  	[tilespmem:s2], [sflag:$0x2] =	stream.indirect.gather [hbm4b:s4+s0], $0x80, s3, s0, $0xb8;
	[tilespmem:$0x1E800] =	vst v63  }
0xf5: {  	s3 =	smov.u32 s7  }
0xf6: {  	p1 =	sne.s32 s7, $0x4400;
	s7 =	sadd.s32 $0x400, s7;
	_ =	swait.ge [sflag:s16], $0x4000  }
0xf7: {  	s3 =	sshra.s32 s3, $0x2;
	[sflag:s16] =	ssyncset.done $0x0  }
0xf8: {  	s9 =	sadd.s32 $0x1400, s3;
	[sflag:s16] =	ssyncadd.s32 $0xFFFFC000  }
0xf9: {  	[spmem:s1] =	stream.indirect.scatter.add.f32 [tilespmem:s28], [sflag:$0x5], $0x80, s9, s0, $0xb8;
	[tilespmem:$0x1E800] =	vst v63  }
0xfa: {  	_ =	swait.ge [sflag:s29], $0x4000  }
0xfb: {  	[sflag:s29] =	ssyncset.done $0x0  }
0xfc: {  	s9 =	sadd.s32 $0x100, s3;
	[sflag:s29] =	ssyncadd.s32 $0xFFFFC000  }
0xfd: {  	[tilespmem:s28], [sflag:$0x1] =	stream.indirect.gather [hbm4b:s4+s0], $0x80, s9, s0, $0xb8;
	[tilespmem:$0x1E800] =	vst v63  }
0xfe: {  	_ =	swait.ge [sflag:s17], $0x4000  }
0xff: {  	[sflag:s17] =	ssyncset.done $0x0  }
.Ltmp2:
0x100: {  	s9 =	sadd.s32 $0x1480, s3;
	[sflag:s17] =	ssyncadd.s32 $0xFFFFC000;
	(pc) =	sbr.rel @p1 .LBB2_7-.Ltmp2, $4  }
0x101: {  	[spmem:s1] =	stream.indirect.scatter.add.f32 [tilespmem:s2], [sflag:$0x5], $0x80, s9, s0, $0xb8;
	[tilespmem:$0x1E800] =	vst v63  }
0x102: {  	_ =	swait.ge [sflag:s29], $0x4000  }
0x103: {  	[sflag:s29] =	ssyncset.done $0x0  }
0x104: {  	s3 =	sadd.s32 $0x180, s3;
	[sflag:s29] =	ssyncadd.s32 $0xFFFFC000  }
0x105: {  	[tilespmem:s2], [sflag:$0x2] =	stream.indirect.gather [hbm4b:s4+s0], $0x80, s3, s0, $0xb8;
	[tilespmem:$0x1E800] =	vst v63  }
0x106: {  	_ =	swait.ge [sflag:s16], $0x4000  }
0x107: {  	[sflag:s16] =	ssyncset.done $0x0  }
0x108: {  	[sflag:s16] =	ssyncadd.s32 $0xFFFFC000  }
0x109: {  	[spmem:s1] =	stream.indirect.scatter.add.f32 [tilespmem:s28], [sflag:$0x5], $0x80, s18, s0, $0xb8;
	[tilespmem:$0x1E800] =	vst v63  }
0x10a: {  	_ =	swait.ge [sflag:s29], $0x4000  }
0x10b: {  	[sflag:s29] =	ssyncset.done $0x0  }
0x10c: {  	[sflag:s29] =	ssyncadd.s32 $0xFFFFC000  }
0x10d: {  	[tilespmem:s28], [sflag:$0x1] =	stream.indirect.gather [hbm4b:s4+s0], $0x80, s19, s0, $0xb8;
	[tilespmem:$0x1E800] =	vst v63  }
0x10e: {  	_ =	swait.ge [sflag:s17], $0x4000  }
0x10f: {  	[sflag:s17] =	ssyncset.done $0x0  }
0x110: {  	[sflag:s17] =	ssyncadd.s32 $0xFFFFC000  }
0x111: {  	[spmem:s1] =	stream.indirect.scatter.add.f32 [tilespmem:s2], [sflag:$0x5], $0x80, s22, s0, $0xb8;
	[tilespmem:$0x1E800] =	vst v63  }
0x112: {  	_ =	swait.ge [sflag:s29], $0x4000  }
0x113: {  	[sflag:s29] =	ssyncset.done $0x0  }
0x114: {  	[sflag:s29] =	ssyncadd.s32 $0xFFFFC000  }
0x115: {  	[tilespmem:s2], [sflag:$0x2] =	stream.indirect.gather [hbm4b:s4+s0], $0x80, s23, s0, $0xb8;
	[tilespmem:$0x1E800] =	vst v63  }
0x116: {  	_ =	swait.ge [sflag:s16], $0x4000  }
0x117: {  	[sflag:s16] =	ssyncset.done $0x0  }
0x118: {  	[sflag:s16] =	ssyncadd.s32 $0xFFFFC000  }
0x119: {  	[spmem:s1] =	stream.indirect.scatter.add.f32 [tilespmem:s28], [sflag:$0x5], $0x80, s24, s0, $0xb8;
	[tilespmem:$0x1E800] =	vst v63  }
0x11a: {  	_ =	swait.ge [sflag:s29], $0x4000  }
0x11b: {  	[sflag:s29] =	ssyncset.done $0x0  }
0x11c: {  	[sflag:s29] =	ssyncadd.s32 $0xFFFFC000  }
0x11d: {  	[tilespmem:s28], [sflag:$0x1] =	stream.indirect.gather [hbm4b:s4+s0], $0x80, s23, s0, $0xb8;
	[tilespmem:$0x1E800] =	vst v63  }
0x11e: {  	_ =	swait.ge [sflag:s17], $0x4000  }
0x11f: {  	[sflag:s17] =	ssyncset.done $0x0  }
0x120: {  	[sflag:s17] =	ssyncadd.s32 $0xFFFFC000  }
0x121: {  	[spmem:s1] =	stream.indirect.scatter.add.f32 [tilespmem:s2], [sflag:$0x5], $0x80, s25, s0, $0xb8;
	[tilespmem:$0x1E800] =	vst v63  }
0x122: {  	_ =	swait.ge [sflag:s29], $0x4000  }
0x123: {  	[sflag:s29] =	ssyncset.done $0x0  }
0x124: {  	[sflag:s29] =	ssyncadd.s32 $0xFFFFC000  }
0x125: {  	[tilespmem:s2], [sflag:$0x2] =	stream.indirect.gather [hbm4b:s4+s0], $0x80, s23, s0, $0xb8;
	[tilespmem:$0x1E800] =	vst v63  }
0x126: {  	_ =	swait.ge [sflag:s16], $0x4000  }
.Ltmp3:
0x127: {  	[sflag:s16] =	ssyncset.done $0x0;
	(pc) =	sbr.rel @p0 .LBB2_6-.Ltmp3, $4  }
0x128: {  	[sflag:s16] =	ssyncadd.s32 $0xFFFFC000  }
0x129: {  	_ =	swait.ge [sflag:s17], $0x4000  }
0x12a: {  	[sflag:s17] =	ssyncset.done $0x0  }
0x12b: {  	s3 =	simm.s32 $0x28;
	p1 =	por $0x0, $0x0;
	[sflag:s17] =	ssyncadd.s32 $0xFFFFC000  }
0x12c: {  	[bflag:$0x0] =	sbarrier.arrive $0xFFFF  }
0x12d: {  	s3 =	rddreg [dreg:$0x4]  }
0x12e: {  	[tilespmem:s28], [sflag:$0x5] =	stream.linear.gather [spmem:s3], $0x4000, $0x38;
	[tilespmem:$0x1E800] =	vst v63  }
0x12f: {  	_ =	swait.ge [sflag:s29], $0x4000  }
0x130: {  	[sflag:s29] =	ssyncset.done $0x0  }
0x131: {  	s21 =	simm.s32 $0x0;
	s7 =	rddreg [dreg:$0xa];
	[sflag:s29] =	ssyncadd.s32 $0xFFFFC000  }
0x132: {  	[hbm4b:s7+s21] =	stream.linear.scatter [tilespmem:s28], [sflag:$0x3], $0x4000, $0x38;
	[tilespmem:$0x1E800] =	vst v63  }
0x133: {  	_ = 	snop  }
0x134: {  	[tilespmem:s2], [sflag:$0x5] =	stream.linear.gather [spmem:s10], $0x4000, $0x38;
	[tilespmem:$0x1E800] =	vst v63  }
0x135: {  	_ =	swait.ge [sflag:s29], $0x4000  }
0x136: {  	[sflag:s29] =	ssyncset.done $0x0  }
0x137: {  	s9 =	smov.u32 s10;
	s10 =	rddreg [dreg:$0xb];
	[sflag:s29] =	ssyncadd.s32 $0xFFFFC000  }
0x138: {  	[hbm4b:s10+s21] =	stream.linear.scatter [tilespmem:s2], [sflag:$0x4], $0x4000, $0x38;
	[tilespmem:$0x1E800] =	vst v63  }
0x139: {  	_ =	swait.ge [sflag:s30], $0x4000  }
0x13a: {  	[sflag:s30] =	ssyncset.done $0x0  }
0x13b: {  	[sflag:s30] =	ssyncadd.s32 $0xFFFFC000  }
0x13c: {  	[tilespmem:s28], [sflag:$0x5] =	stream.linear.gather [spmem:s11], $0x4000, $0x38;
	[tilespmem:$0x1E800] =	vst v63  }
0x13d: {  	_ =	swait.ge [sflag:s29], $0x4000  }
0x13e: {  	[sflag:s29] =	ssyncset.done $0x0  }
0x13f: {  	s10 =	smov.u32 s11;
	s11 =	rddreg [dreg:$0xc];
	[sflag:s29] =	ssyncadd.s32 $0xFFFFC000  }
0x140: {  	[hbm4b:s11+s21] =	stream.linear.scatter [tilespmem:s28], [sflag:$0x3], $0x4000, $0x38;
	[tilespmem:$0x1E800] =	vst v63  }
0x141: {  	_ =	swait.ge [sflag:s26], $0x4000  }
0x142: {  	[sflag:s26] =	ssyncset.done $0x0  }
0x143: {  	[sflag:s26] =	ssyncadd.s32 $0xFFFFC000  }
0x144: {  	[tilespmem:s2], [sflag:$0x5] =	stream.linear.gather [spmem:s12], $0x4000, $0x38;
	[tilespmem:$0x1E800] =	vst v63  }
0x145: {  	_ =	swait.ge [sflag:s29], $0x4000  }
0x146: {  	[sflag:s29] =	ssyncset.done $0x0  }
0x147: {  	s11 =	smov.u32 s12;
	s12 =	rddreg [dreg:$0xd];
	[sflag:s29] =	ssyncadd.s32 $0xFFFFC000  }
0x148: {  	[hbm4b:s12+s21] =	stream.linear.scatter [tilespmem:s2], [sflag:$0x4], $0x4000, $0x38;
	[tilespmem:$0x1E800] =	vst v63  }
0x149: {  	_ =	swait.ge [sflag:s30], $0x4000  }
0x14a: {  	[sflag:s30] =	ssyncset.done $0x0  }
0x14b: {  	s12 =	smov.u32 s8;
	[sflag:s30] =	ssyncadd.s32 $0xFFFFC000  }
0x14c: {  	[tilespmem:s28], [sflag:$0x5] =	stream.linear.gather [spmem:s12], $0x4000, $0x38;
	[tilespmem:$0x1E800] =	vst v63  }
0x14d: {  	_ =	swait.ge [sflag:s29], $0x4000  }
0x14e: {  	[sflag:s29] =	ssyncset.done $0x0  }
0x14f: {  	s7 =	rddreg [dreg:$0xf];
	[sflag:s29] =	ssyncadd.s32 $0xFFFFC000  }
0x150: {  	[hbm4b:s7+s21] =	stream.linear.scatter [tilespmem:s28], [sflag:$0x3], $0x4000, $0x38;
	[tilespmem:$0x1E800] =	vst v63  }
0x151: {  	_ =	swait.ge [sflag:s30], $0x4000  }
0x152: {  	[sflag:s30] =	ssyncset.done $0x0  }
0x153: {  	[sflag:s30] =	ssyncadd.s32 $0xFFFFC000  }
0x154: {  	_ =	swait.ge [sflag:s26], $0x4000  }
0x155: {  	s14 =	sadd.s32 $0x1, s14;
	s7 =	rddreg [dreg:$0xe]  }
0x156: {  	p0 =	sne.s32 s14, s7  }
.Ltmp4:
0x157: {  	_ = 	snop;
	(pc) =	sbr.rel @p0 .LBB2_1-.Ltmp4, $3  }
0x158: {  	_ =	sdelay $0x1  }
0x159: {  	[sflag:s26] =	ssyncset.done $0x0  }
0x15a: {  	s8 =	smov.u32 s3;
	[sflag:s26] =	ssyncadd.s32 $0xFFFFC000  }
0x15b: {  	_ =	sfence.sel $0x180000  }
0x15c: {  	[bflag:$0x0] =	sbarrier.arrive $0xFFFF  }
0x15d: {  	_ =	strace $0x9000004A  }
0x15e: {  	s0 =	stileid.u32;
	[bflag:$0x2] =	sbarrier.arrive $0xFFFF  }
0x15f: {  	p0 =	sne.s32 s0, $0x0;
	s0 =	rddreg [dreg:$0x2]  }
0x160: {  	s0 =	sadd.s32 @!p0 $0x100000, s0  }
0x161: {  	[sflag:s0] =	ssyncadd.tile.s32 @!p0 $0x1;
	_ =	shalt  }
.Lfunc_end2:
_tile_overlayer_lowered:
.L_overlay_start_2:
0x162: {  	(tag) =	ssettag $0x2  }
0x163: {  	s0 =	rddreg [dreg:$0x0];
	s2 =	stileid.u32  }
0x164: {  	s1 =	rddreg [dreg:$0x1];
	p0 =	sne.s32 s2, $0x0  }
0x165: {  	s3 =	rddreg [dreg:$0x2];
	[bflag:$0x3] =	sbarrier.arrive $0xFFFF;
	s2 =	simm.s32 @!p0 $0x1C05  }
0x166: {  	[timem:s3], [sflag:s2] =	dma.local @!p0 [hbm:s0], s1  }
0x167: {  	s0 =	simm.s32 @!p0 $0x5  }
0x168: {  	_ =	swait.ge @!p0 [sflag:s0], s1  }
0x169: {  	s1 =	ssub.s32 @!p0 $0x0, s1;
	[sflag:s0] =	ssyncset.done @!p0 $0x0  }
0x16a: {  	[sflag:s0] =	ssyncadd.s32 @!p0 s1  }
0x16b: {  	[bflag:$0x3] =	sbarrier.arrive $0xFFFF  }
0x16c: {  	_ =	shalt  }

// kernel: kernel.8.cloned.1.call-start
scs
__scs_entry_jumppad:
0x0: {  	(pc) =	sbr.rel $0x88, $3  }
0x1: {  	(tag) =	ssettag $0x0;
	lr =	simm.s32 $0x1  }
0x2: {  	[smem:$0x3F99] =	sst lr;
	_ =	strace $0xD0000000  }
0x3: {  	_ = 	snop  }
0x4: {  	_ = 	snop  }
0x5: {  	_ = 	snop  }
0x6: {  	_ = 	snop  }
0x7: {  	_ = 	snop  }
__scs_overlays_trampoline_lowered:
0x8: {  	[smem:$0x3FA8] =	sst s0  }
0x9: {  	[smem:$0x3FA9] =	sst s1  }
0xa: {  	[smem:$0x3FAA] =	sst s2  }
0xb: {  	[smem:$0x3FAB] =	sst s3  }
0xc: {  	[smem:$0x3FAC] =	sst s4  }
0xd: {  	[smem:$0x3FAD] =	sst s5  }
0xe: {  	[smem:$0x3FAE] =	sst s6  }
0xf: {  	[smem:$0x3FAF] =	sst s7  }
0x10: {  	[smem:$0x3FB0] =	sst s8  }
0x11: {  	[smem:$0x3FB1] =	sst s9;
	s0 =	simm.s32 @!p0 $0x0  }
0x12: {  	s1 =	sld [smem:$0x3F97];
	s0 =	simm.s32 @p0 $0x1  }
0x13: {  	[smem:$0x3FB2] =	sst s0;
	s0 =	simm.s32 @!p1 $0x0  }
0x14: {  	s2 =	sld [smem:$0x3F96];
	s0 =	simm.s32 @p1 $0x1  }
0x15: {  	[smem:$0x3FB3] =	sst s0;
	s0 =	simm.s32 @!p2 $0x0  }
0x16: {  	s3 =	sld [smem:$0x3FDB];
	s0 =	simm.s32 @p2 $0x1  }
0x17: {  	s4 =	simm.s32 $0x1BF5;
	[smem:$0x3FB5] =	sst s0  }
0x18: {  	s0 =	sld [smem:$0x3F98];
	_ =	swait.ge [sflag:s4], $0x0  }
0x19: {  	s7 =	sld [smem:$0x3F99]  }
0x1a: {  	s8 =	sadd.s32 $0xFFFFE003, lr  }
0x1b: {  	s9 =	sadd.s32 $0xFFFFFEF7, lr;
	s5 =	simm.s32 $0xFFFFFFFF;
	p2 =	slt.u32 s8, $0xFFFFF086  }
0x1c: {  	p1 =	slt.u32 s9, $0xF7A;
	s5 =	simm.s32 @!p2 $0x0  }
0x1d: {  	s5 =	simm.s32 @p1 $0x1;
	p0 =	seq.s32 s7, s2  }
0x1e: {  	s7 =	smul.u32 @!p0 $0xF7A, s2;
	p2 =	seq.s32 @!p0 s5, $0x0  }
0x1f: {  	s9 =	smul.u32 $0xF7A, s1;
	s8 =	simm.s32 @!p0 $0x1BF5;
	p2 =	por !p2, p0  }
0x20: {  	[sflag:s8] =	ssyncset.s32 @!p0 $0xFFFFF086;
	s6 =	sadd.s32 @!p0 s3, s7;
	s7 =	simm.s32 @!p0 $0x108  }
0x21: {  	s3 =	sadd.s32 s3, s9;
	s6 =	sadd.s32 @!p0 $0x88, s6;
	s7 =	simm.s32 @p2 $0x1082  }
0x22: {  	[simem:s7], [sflag:s8] =	dma.local @!p0 [hbm:s6], $0xF7A  }
0x23: {  	s9 =	sor.u32 $0xD0000000, s2;
	s6 =	simm.s32 $0x108;
	_ =	swait.ge @!p0 [sflag:s8], $0x0  }
0x24: {  	s3 =	sadd.s32 $0x88, s3;
	s6 =	simm.s32 @!p1 $0x1082;
	[sflag:s4] =	ssyncset.s32 $0xFFFFF086  }
0x25: {  	[simem:s6], [sflag:s4] =	dma.local [hbm:s3], $0xF7A  }
0x26: {  	[smem:$0x3F99] =	sst s1;
	(tag) =	ssettag s2;
	_ =	strace s9  }
0x27: {  	s1 =	sld [smem:$0x3FA9]  }
0x28: {  	s2 =	sld [smem:$0x3FAA]  }
0x29: {  	s4 =	sld [smem:$0x3FAC]  }
0x2a: {  	p0 =	seq.s32 s5, $0x0;
	s5 =	sld [smem:$0x3FAD]  }
0x2b: {  	s6 =	sld [smem:$0x3FAE]  }
0x2c: {  	s7 =	sld [smem:$0x3FAF]  }
0x2d: {  	s3 =	simm.s32 $0x108;
	s8 =	sld [smem:$0x3FB0]  }
0x2e: {  	s3 =	simm.s32 @!p0 $0x1082;
	s9 =	sld [smem:$0x3FB1]  }
0x2f: {  	lr =	sadd.s32 s0, s3;
	s0 =	sld [smem:$0x3FA8]  }
0x30: {  	s3 =	sld [smem:$0x3FAB]  }
0x31: {  	[smem:$0x3FB4] =	sst s10  }
0x32: {  	s10 =	sld [smem:$0x3FB2];
	_ =	sdelay $0x3  }
0x33: {  	p0 =	seq.s32 s10, $0x1;
	s10 =	sld [smem:$0x3FB4];
	_ =	sdelay $0x3  }
0x34: {  	[smem:$0x3FB4] =	sst s10  }
0x35: {  	s10 =	sld [smem:$0x3FB3];
	_ =	sdelay $0x3  }
0x36: {  	p1 =	seq.s32 s10, $0x1;
	s10 =	sld [smem:$0x3FB4];
	_ =	sdelay $0x3  }
0x37: {  	[smem:$0x3FB4] =	sst s10  }
0x38: {  	s10 =	sld [smem:$0x3FB5]  }
0x39: {  	_ = 	snop;
	(pc) =	sbr.ind lr, $3  }
0x3a: {  	_ = 	snop  }
0x3b: {  	_ = 	snop  }
0x3c: {  	p2 =	seq.s32 s10, $0x1;
	s10 =	sld [smem:$0x3FB4]  }
0x3d: {  	_ =	shalt  }
0x3e: {  	_ =	shalt  }
0x3f: {  	_ =	shalt  }
0x40: {  	_ =	shalt  }
0x41: {  	_ =	shalt  }
0x42: {  	_ =	shalt  }
0x43: {  	_ =	shalt  }
0x44: {  	_ =	shalt  }
0x45: {  	_ =	shalt  }
0x46: {  	_ =	shalt  }
0x47: {  	_ =	shalt  }
0x48: {  	_ =	shalt  }
0x49: {  	_ =	shalt  }
0x4a: {  	_ =	shalt  }
0x4b: {  	_ =	shalt  }
0x4c: {  	_ =	shalt  }
0x4d: {  	_ =	shalt  }
0x4e: {  	_ =	shalt  }
0x4f: {  	_ =	shalt  }
0x50: {  	_ =	shalt  }
0x51: {  	_ =	shalt  }
0x52: {  	_ =	shalt  }
0x53: {  	_ =	shalt  }
0x54: {  	_ =	shalt  }
0x55: {  	_ =	shalt  }
0x56: {  	_ =	shalt  }
0x57: {  	_ =	shalt  }
0x58: {  	_ =	shalt  }
0x59: {  	_ =	shalt  }
0x5a: {  	_ =	shalt  }
0x5b: {  	_ =	shalt  }
0x5c: {  	_ =	shalt  }
0x5d: {  	_ =	shalt  }
0x5e: {  	_ =	shalt  }
0x5f: {  	_ =	shalt  }
0x60: {  	_ =	shalt  }
0x61: {  	_ =	shalt  }
0x62: {  	_ =	shalt  }
0x63: {  	_ =	shalt  }
0x64: {  	_ =	shalt  }
0x65: {  	_ =	shalt  }
0x66: {  	_ =	shalt  }
0x67: {  	_ =	shalt  }
0x68: {  	_ =	shalt  }
0x69: {  	_ =	shalt  }
0x6a: {  	_ =	shalt  }
0x6b: {  	_ =	shalt  }
0x6c: {  	_ =	shalt  }
0x6d: {  	_ =	shalt  }
0x6e: {  	_ =	shalt  }
0x6f: {  	_ =	shalt  }
0x70: {  	_ =	shalt  }
0x71: {  	_ =	shalt  }
0x72: {  	_ =	shalt  }
0x73: {  	_ =	shalt  }
0x74: {  	_ =	shalt  }
0x75: {  	_ =	shalt  }
0x76: {  	_ =	shalt  }
0x77: {  	_ =	shalt  }
0x78: {  	_ =	shalt  }
0x79: {  	_ =	shalt  }
0x7a: {  	_ =	shalt  }
0x7b: {  	_ =	shalt  }
0x7c: {  	_ =	shalt  }
0x7d: {  	_ =	shalt  }
0x7e: {  	_ =	shalt  }
0x7f: {  	_ =	shalt  }
0x80: {  	_ =	shalt  }
0x81: {  	_ =	shalt  }
0x82: {  	_ =	shalt  }
0x83: {  	_ =	shalt  }
0x84: {  	_ =	shalt  }
0x85: {  	_ =	shalt  }
0x86: {  	_ =	shalt  }
0x87: {  	_ =	shalt  }
.Lfunc_end0:
.L_simem_size_0:
called_computation_lowered:
.L_overlay_start_0:
0x88: {  	s2 =	sld [smem:$0x3FD9]  }
0x89: {  	s3 =	sld [smem:$0x3FFE];
	_ =	sdelay $0x1  }
0x8a: {  	s1 =	srdreg.scid  }
0x8b: {  	s0 =	sand.u32 $0x1, s1  }
0x8c: {  	s17 =	sshll.u32 s0, $0xA;
	s2 =	sadd.s32 s3, s2  }
0x8d: {  	s2 =	sadd.s32 s2, s17  }
0x8e: {  	[smem:$0x3FC0] =	sst s2  }
0x8f: {  	_ = 	snop  }
0x90: {  	s2 =	sld [smem:$0x3FD0];
	(tm) =	ssettm $0x1  }
0x91: {  	s18 =	sld [smem:$0x3FFB];
	_ =	sdelay $0x3  }
0x92: {  	_ =	strace s18  }
0x93: {  	s3 =	sld [smem:$0x3FFC];
	_ =	sdelay $0x3  }
0x94: {  	_ =	strace s3  }
0x95: {  	s3 =	sld [smem:$0x3FFD];
	_ =	sdelay $0x3  }
0x96: {  	_ =	strace s3  }
0x97: {  	_ =	strace $0x8FFFFFFF  }
0x98: {  	s19 =	sld [smem:$0x3FDB];
	_ =	sdelay $0x1  }
0x99: {  	s4 =	simm.s32 $_scs_section_size  }
0x9a: {  	s5 =	simm.s32 $_size__tile_overlayer_lowered;
	s6 =	simm.s32 $_tile_overlayer_lowered  }
0x9b: {  	s22 =	simm.s32 $0x1BFF;
	s21 =	sshll.u32 s6, $0x1;
	s3 =	sadd.s32 s4, s19  }
0x9c: {  	s7 =	simm.s32 $0x0;
	s20 =	sshll.u32 s5, $0x1;
	s5 =	sadd.s32 s21, s3  }
0x9d: {  	[timem:s7], [sflag:s22] =	dma.local [hbm:s5], s20  }
0x9e: {  	_ =	swait.ge [sflag:s22], s20  }
0x9f: {  	s4 =	ssub.s32 $0x0, s20;
	[sflag:s22] =	ssyncset.done $0x0  }
0xa0: {  	[sflag:s22] =	ssyncadd.s32 s4;
	_ =	sdelay $0x1  }
0xa1: {  	s23 =	simm.s32 $0x1B8B  }
0xa2: {  	_ =	swait.ge [sflag:s23], $0x1  }
0xa3: {  	[sflag:s23] =	ssyncset.done $0x0  }
0xa4: {  	s25 =	simm.s32 $0x1B8E;
	s24 =	sld [smem:$0x3FFE];
	[sflag:s23] =	ssyncadd.s32 $0xFFFFFFFF  }
0xa5: {  	s26 =	simm.s32 $execute0_lowered;
	[smem:$0x3FD2] =	sst s25  }
0xa6: {  	s5 =	sshll.u32 s26, $0x1;
	_ =	strace $0x80000046;
	[dreg:$0x1] =	wrdreg $0xFFFFFFFF  }
0xa7: {  	s28 =	simm.s32 $_size_execute0_lowered;
	s3 =	sadd.s32 s3, s5;
	[dreg:$0x0] =	wrdreg $0x0  }
0xa8: {  	s5 =	sshll.u32 s28, $0x1;
	[dreg:$0x2] =	wrdreg s3  }
0xa9: {  	[dreg:$0x3] =	wrdreg s5  }
0xaa: {  	[dreg:$0x4] =	wrdreg $0xC0  }
0xab: {  	_ =	task [dreg:s7], $0x5FFFF  }
0xac: {  	[dreg:$0x1] =	wrdreg $0xFFFFFFFF  }
0xad: {  	[dreg:$0x0] =	wrdreg $0x60  }
0xae: {  	[dreg:$0x2] =	wrdreg s2  }
0xaf: {  	[dreg:$0x3] =	wrdreg s24  }
0xb0: {  	[dreg:$0x4] =	wrdreg $0xA8000  }
0xb1: {  	[dreg:$0x5] =	wrdreg $0x9  }
0xb2: {  	_ =	task.clear_ibuf [dreg:s7], $0x6FFFF;
	_ =	strace $0x90000046  }
0xb3: {  	s29 =	simm.s32 $0x9;
	_ =	strace $0x80000048  }
0xb4: {  	_ =	swait.ge [sflag:s29], $0x1  }
0xb5: {  	[sflag:s29] =	ssyncadd.s32 $0xFFFFFFFF  }
0xb6: {  	_ =	strace $0x90000048  }
0xb7: {  	_ =	sfence  }
0xb8: {  	s30 =	sld [smem:$0x0];
	_ =	sdelay $0x2  }
0xb9: {  	s31 =	sshll.u32 s1, $0xD;
	s1 =	sshrl.u32 s1, $0x2  }
0xba: {  	s3 =	sand.u32 $0x4000, s31;
	s1 =	sadd.s32 s1, s30  }
0xbb: {  	s0 =	sor.u32 s3, s0;
	s1 =	sshll.u32 s1, $0x11  }
0xbc: {  	s0 =	sor.u32 s1, s0  }
0xbd: {  	s0 =	sadd.s32 $0x8F2B, s0  }
0xbe: {  	[sflag:s0] =	ssyncadd.remote.s32 $0x1  }
0xbf: {  	_ =	sfence.sel $0xFFFF  }
0xc0: {  	[dreg:$0x0] =	wrdreg $0xFFFFFFFF;
	(pc) =	sbr.abs _section_cstart, $3  }
0xc1: {  	[dreg:$0x1] =	wrdreg $0xFFFFFFFF  }
0xc2: {  	_ =	task.clear_ibuf [dreg:s7], $0x2FFFF;
	_ =	strace $0x9FFFFFFF  }
0xc3: {  	(tm) =	ssettm $0x7FFFFFFF  }
tec
execute0_lowered:
.L_overlay_start_1:
0x0: {  	(tag) =	ssettag $0x1  }
0x1: {  	s1 =	rddreg [dreg:$0x0]  }
0x2: {  	s0 =	rddreg [dreg:$0x1]  }
0x3: {  	s2 =	rddreg [dreg:$0x2];
	s4 =	simm.s32 $0x0;
	s7 =	stileid.u32  }
0x4: {  	s3 =	srdreg.scid;
	s29 =	simm.s32 $0x2800;
	s30 =	simm.s32 $0x5  }
0x5: {  	s31 =	simm.s32 $0x3;
	[smem:$0x7FF] =	sst s4;
	s8 =	smul.u32 $0x280, s7  }
0x6: {  	s5 =	sadd.s32 $0x1B800, s0;
	s6 =	sadd.s32 $0x16800, s0;
	s9 =	smul.u32 $0x50000, s7  }
0x7: {  	s24 =	sadd.s32 $0x25800, s0;
	s3 =	sand.u32 $0x1, s3;
	s14 =	smul.u32 $0x500, s7  }
0x8: {  	s10 =	sadd.s32 $0x26000, s0;
	s12 =	sadd.s32 $0x26800, s0;
	s28 =	smul.u32 $0x50, s7  }
0x9: {  	s0 =	sadd.s32 $0x76800, s0;
	_ =	strace $0x80000047;
	s19 =	smul.u32 $0x2800, s3  }
0xa: {  	[dreg:$0x4] =	wrdreg s10;
	s11 =	ssub.s32 $0x2, s3;
	s17 =	smul.u32 $0x280, s3  }
0xb: {  	[dreg:$0x11] =	wrdreg s24;
	s9 =	sshrl.u32 s9, $0x2;
	s8 =	sadd.s32 s8, s19  }
0xc: {  	s13 =	sshrl.u32 s11, $0x1;
	s9 =	sadd.s32 s9, s2;
	s8 =	sshll.u32 s8, $0x4  }
0xd: {  	s13 =	ssub.s32 s11, s13;
	s14 =	sadd.s32 s17, s14;
	s20 =	sadd.s32 s12, s8  }
0xe: {  	s15 =	sadd.s32 $0x800, s8;
	s16 =	sadd.s32 $0x1000, s8;
	s18 =	sadd.s32 $0x1800, s8  }
0xf: {  	s26 =	sadd.s32 $0x2000, s8;
	s8 =	sadd.s32 s0, s8;
	[dreg:$0x5] =	wrdreg s20  }
0x10: {  	s17 =	simm.s32 $0x1380;
	s21 =	sadd.s32 s12, s15;
	[dreg:$0xa] =	wrdreg s8  }
0x11: {  	s25 =	sadd.s32 $0x4000, s9;
	s22 =	sadd.s32 s12, s16;
	[dreg:$0x6] =	wrdreg s21  }
0x12: {  	s11 =	sadd.s32 $0x8000, s9;
	s23 =	sadd.s32 s12, s18;
	[dreg:$0x7] =	wrdreg s22  }
0x13: {  	s10 =	sadd.s32 $0x10000, s9;
	s12 =	sadd.s32 s12, s26;
	[dreg:$0x8] =	wrdreg s23  }
0x14: {  	s15 =	sadd.s32 s0, s15;
	s19 =	sadd.s32 s0, s16;
	[dreg:$0x9] =	wrdreg s12  }
0x15: {  	s20 =	sadd.s32 s0, s18;
	s0 =	sadd.s32 s0, s26;
	[dreg:$0xb] =	wrdreg s15  }
0x16: {  	s26 =	smax.u32 s13, $0x1;
	s8 =	simm.s32 $0x6800;
	[dreg:$0xc] =	wrdreg s19  }
0x17: {  	s13 =	simm.s32 $0x2;
	s16 =	simm.s32 $0x2680;
	[dreg:$0xd] =	wrdreg s20  }
0x18: {  	s18 =	simm.s32 $0x2700;
	[dreg:$0xe] =	wrdreg s0;
	s22 =	sadd.s32 $0xC000, s9  }
0x19: {  	s23 =	smul.u32 $0x500, s3;
	s21 =	sadd.s32 s6, s14;
	[dreg:$0x10] =	wrdreg s26  }
0x1a: {  	s0 =	simm.s32 $0x1400;
	s3 =	simm.s32 $0x80;
	s12 =	simm.s32 $0x1  }
0x1b: {  	s14 =	simm.s32 $0x2600;
	s15 =	simm.s32 $0x1300;
	s19 =	simm.s32 $0x2780  }
0x1c: {  	s20 =	simm.s32 $0x4;
	[dreg:$0xf] =	wrdreg s21;
	s21 =	simm.s32 $0x0  }
.LBB2_1:
0x1d: {  	[tilespmem:s29], [sflag:$0x5] =	stream.linear.gather [hbm4b:s24+s4], $0x4000, $0x38;
	[tilespmem:$0x1E800] =	vst v63  }
0x1e: {  	_ =	swait.ge [sflag:s30], $0x4000  }
0x1f: {  	[sflag:s30] =	ssyncset.done $0x0  }
0x20: {  	[sflag:s30] =	ssyncadd.s32 $0xFFFFC000  }
0x21: {  	[spmem:s9] =	stream.linear.scatter [tilespmem:s29], [sflag:$0x3], $0x4000, $0x38;
	[tilespmem:$0x1E800] =	vst v63  }
0x22: {  	_ = 	snop  }
0x23: {  	[spmem:s25] =	stream.linear.scatter [tilespmem:s29], [sflag:$0x3], $0x4000, $0x38;
	[tilespmem:$0x1E800] =	vst v63  }
0x24: {  	s7 =	smov.u32 s11  }
0x25: {  	[spmem:s7] =	stream.linear.scatter [tilespmem:s29], [sflag:$0x3], $0x4000, $0x38;
	[tilespmem:$0x1E800] =	vst v63  }
0x26: {  	s24 =	smov.u32 s22  }
0x27: {  	[spmem:s24] =	stream.linear.scatter [tilespmem:s29], [sflag:$0x3], $0x4000, $0x38;
	[tilespmem:$0x1E800] =	vst v63  }
0x28: {  	_ = 	snop  }
0x29: {  	[spmem:s10] =	stream.linear.scatter [tilespmem:s29], [sflag:$0x3], $0x4000, $0x38;
	[tilespmem:$0x1E800] =	vst v63  }
0x2a: {  	_ =	swait.ge [sflag:s31], $0x4000  }
0x2b: {  	[sflag:s31] =	ssyncset.done $0x0  }
0x2c: {  	[sflag:s31] =	ssyncadd.s32 $0xFFFFC000  }
0x2d: {  	_ =	swait.ge [sflag:s31], $0x4000  }
0x2e: {  	[sflag:s31] =	ssyncset.done $0x0  }
0x2f: {  	[sflag:s31] =	ssyncadd.s32 $0xFFFFC000  }
0x30: {  	_ =	swait.ge [sflag:s31], $0x4000  }
0x31: {  	[sflag:s31] =	ssyncset.done $0x0  }
0x32: {  	[sflag:s31] =	ssyncadd.s32 $0xFFFFC000  }
0x33: {  	_ =	swait.ge [sflag:s31], $0x4000  }
0x34: {  	[sflag:s31] =	ssyncset.done $0x0  }
0x35: {  	[sflag:s31] =	ssyncadd.s32 $0xFFFFC000  }
0x36: {  	_ =	swait.ge [sflag:s31], $0x4000  }
0x37: {  	s22 =	smov.u32 s9;
	s11 =	smov.u32 s25;
	[sflag:s31] =	ssyncset.done $0x0  }
0x38: {  	p1 =	por $0x1, $0x1;
	s26 =	smov.u32 s24;
	[sflag:s31] =	ssyncadd.s32 $0xFFFFC000  }
0x39: {  	s9 =	smov.u32 s7;
	s24 =	simm.s32 $0x0;
	[bflag:$0x0] =	sbarrier.arrive $0xFFFF  }
.LBB2_2:
0x3a: {  	s24 =	sadd.s32 s28, s24  }
0x3b: {  	s25 =	sadd.s32 s23, s24  }
0x3c: {  	s25 =	sshll.u32 s25, $0x4  }
0x3d: {  	s7 =	simm.s32 $0x0;
	s25 =	sadd.s32 s5, s25  }
0x3e: {  	[tilespmem:s7], [sflag:$0x5] =	stream.linear.gather [hbm4b:s25+s7], $0x1400, $0x38;
	[tilespmem:$0x1E800] =	vst v63  }
0x3f: {  	_ =	swait.ge [sflag:s30], $0x1400  }
0x40: {  	s24 =	sshll.u32 s24, $0x4;
	[sflag:s30] =	ssyncset.done $0x0  }
0x41: {  	s24 =	sadd.s32 s6, s24;
	[sflag:s30] =	ssyncadd.s32 $0xFFFFEC00  }
0x42: {  	[tilespmem:s0], [sflag:$0x5] =	stream.linear.gather [hbm4b:s24+s7], $0x1400, $0x38;
	[tilespmem:$0x1E800] =	vst v63  }
0x43: {  	_ =	swait.ge [sflag:s30], $0x1400  }
0x44: {  	[sflag:s30] =	ssyncset.done $0x0  }
0x45: {  	[sflag:s30] =	ssyncadd.s32 $0xFFFFEC00  }
0x46: {  	[tilespmem:s29], [sflag:$0x1] =	stream.indirect.gather [hbm4b:s1+s3], $0x80, s7, s3, $0xb8;
	[tilespmem:$0x1E800] =	vst v63  }
0x47: {  	_ = 	snop  }
0x48: {  	[tilespmem:s8], [sflag:$0x2] =	stream.indirect.gather [hbm4b:s1+s3], $0x80, s3, s3, $0xb8;
	[tilespmem:$0x1E800] =	vst v63  }
0x49: {  	_ =	swait.ge [sflag:s12], $0x4000  }
0x4a: {  	[sflag:s12] =	ssyncset.done $0x0  }
0x4b: {  	s25 =	simm.s32 $0x1400;
	[sflag:s12] =	ssyncadd.s32 $0xFFFFC000  }
0x4c: {  	[spmem:s2] =	stream.indirect.scatter.add.f32 [tilespmem:s29], [sflag:$0x5], $0x80, s25, s3, $0xb8;
	[tilespmem:$0x1E800] =	vst v63  }
0x4d: {  	_ =	swait.ge [sflag:s30], $0x4000  }
0x4e: {  	[sflag:s30] =	ssyncset.done $0x0  }
0x4f: {  	s24 =	simm.s32 $0x100;
	[sflag:s30] =	ssyncadd.s32 $0xFFFFC000  }
0x50: {  	[tilespmem:s29], [sflag:$0x1] =	stream.indirect.gather [hbm4b:s1+s3], $0x80, s24, s3, $0xb8;
	[tilespmem:$0x1E800] =	vst v63  }
0x51: {  	_ =	swait.ge [sflag:s13], $0x4000  }
0x52: {  	[sflag:s13] =	ssyncset.done $0x0  }
0x53: {  	s25 =	simm.s32 $0x1480;
	[sflag:s13] =	ssyncadd.s32 $0xFFFFC000  }
0x54: {  	[spmem:s2] =	stream.indirect.scatter.add.f32 [tilespmem:s8], [sflag:$0x5], $0x80, s25, s3, $0xb8;
	[tilespmem:$0x1E800] =	vst v63  }
0x55: {  	_ =	swait.ge [sflag:s30], $0x4000  }
0x56: {  	p0 =	por p1, p1;
	[sflag:s30] =	ssyncset.done $0x0  }
0x57: {  	s24 =	simm.s32 $0x400;
	s25 =	simm.s32 $0x180;
	[sflag:s30] =	ssyncadd.s32 $0xFFFFC000  }
.LBB2_3:
0x58: {  	[tilespmem:s8], [sflag:$0x2] =	stream.indirect.gather [hbm4b:s1+s3], $0x80, s25, s3, $0xb8;
	[tilespmem:$0x1E800] =	vst v63  }
0x59: {  	s7 =	smov.u32 s24  }
0x5a: {  	p1 =	sne.s32 s24, $0x4400;
	s24 =	sadd.s32 $0x400, s24;
	_ =	swait.ge [sflag:s12], $0x4000  }
0x5b: {  	s7 =	sshra.s32 s7, $0x2;
	[sflag:s12] =	ssyncset.done $0x0  }
0x5c: {  	s25 =	sadd.s32 $0x1400, s7;
	[sflag:s12] =	ssyncadd.s32 $0xFFFFC000  }
0x5d: {  	[spmem:s2] =	stream.indirect.scatter.add.f32 [tilespmem:s29], [sflag:$0x5], $0x80, s25, s3, $0xb8;
	[tilespmem:$0x1E800] =	vst v63  }
0x5e: {  	_ =	swait.ge [sflag:s30], $0x4000  }
0x5f: {  	[sflag:s30] =	ssyncset.done $0x0  }
0x60: {  	s25 =	sadd.s32 $0x100, s7;
	[sflag:s30] =	ssyncadd.s32 $0xFFFFC000  }
0x61: {  	[tilespmem:s29], [sflag:$0x1] =	stream.indirect.gather [hbm4b:s1+s3], $0x80, s25, s3, $0xb8;
	[tilespmem:$0x1E800] =	vst v63  }
0x62: {  	_ =	swait.ge [sflag:s13], $0x4000  }
0x63: {  	[sflag:s13] =	ssyncset.done $0x0  }
.Ltmp0:
0x64: {  	s25 =	sadd.s32 $0x1480, s7;
	[sflag:s13] =	ssyncadd.s32 $0xFFFFC000;
	(pc) =	sbr.rel @p1 .LBB2_3-.Ltmp0, $4  }
0x65: {  	[spmem:s2] =	stream.indirect.scatter.add.f32 [tilespmem:s8], [sflag:$0x5], $0x80, s25, s3, $0xb8;
	[tilespmem:$0x1E800] =	vst v63  }
0x66: {  	_ =	swait.ge [sflag:s30], $0x4000  }
0x67: {  	[sflag:s30] =	ssyncset.done $0x0  }
0x68: {  	s25 =	sadd.s32 $0x180, s7;
	[sflag:s30] =	ssyncadd.s32 $0xFFFFC000  }
0x69: {  	[tilespmem:s8], [sflag:$0x2] =	stream.indirect.gather [hbm4b:s1+s3], $0x80, s25, s3, $0xb8;
	[tilespmem:$0x1E800] =	vst v63  }
0x6a: {  	_ =	swait.ge [sflag:s12], $0x4000  }
0x6b: {  	[sflag:s12] =	ssyncset.done $0x0  }
0x6c: {  	[sflag:s12] =	ssyncadd.s32 $0xFFFFC000  }
0x6d: {  	[spmem:s2] =	stream.indirect.scatter.add.f32 [tilespmem:s29], [sflag:$0x5], $0x80, s14, s3, $0xb8;
	[tilespmem:$0x1E800] =	vst v63  }
0x6e: {  	_ =	swait.ge [sflag:s30], $0x4000  }
0x6f: {  	[sflag:s30] =	ssyncset.done $0x0  }
0x70: {  	[sflag:s30] =	ssyncadd.s32 $0xFFFFC000  }
0x71: {  	[tilespmem:s29], [sflag:$0x1] =	stream.indirect.gather [hbm4b:s1+s3], $0x80, s15, s3, $0xb8;
	[tilespmem:$0x1E800] =	vst v63  }
0x72: {  	_ =	swait.ge [sflag:s13], $0x4000  }
0x73: {  	[sflag:s13] =	ssyncset.done $0x0  }
0x74: {  	[sflag:s13] =	ssyncadd.s32 $0xFFFFC000  }
0x75: {  	[spmem:s2] =	stream.indirect.scatter.add.f32 [tilespmem:s8], [sflag:$0x5], $0x80, s16, s3, $0xb8;
	[tilespmem:$0x1E800] =	vst v63  }
0x76: {  	_ =	swait.ge [sflag:s30], $0x4000  }
0x77: {  	[sflag:s30] =	ssyncset.done $0x0  }
0x78: {  	[sflag:s30] =	ssyncadd.s32 $0xFFFFC000  }
0x79: {  	[tilespmem:s8], [sflag:$0x2] =	stream.indirect.gather [hbm4b:s1+s3], $0x80, s17, s3, $0xb8;
	[tilespmem:$0x1E800] =	vst v63  }
0x7a: {  	_ =	swait.ge [sflag:s12], $0x4000  }
0x7b: {  	[sflag:s12] =	ssyncset.done $0x0  }
0x7c: {  	[sflag:s12] =	ssyncadd.s32 $0xFFFFC000  }
0x7d: {  	[spmem:s2] =	stream.indirect.scatter.add.f32 [tilespmem:s29], [sflag:$0x5], $0x80, s18, s3, $0xb8;
	[tilespmem:$0x1E800] =	vst v63  }
0x7e: {  	_ =	swait.ge [sflag:s30], $0x4000  }
0x7f: {  	[sflag:s30] =	ssyncset.done $0x0  }
0x80: {  	[sflag:s30] =	ssyncadd.s32 $0xFFFFC000  }
0x81: {  	[tilespmem:s29], [sflag:$0x1] =	stream.indirect.gather [hbm4b:s1+s3], $0x80, s17, s3, $0xb8;
	[tilespmem:$0x1E800] =	vst v63  }
0x82: {  	_ =	swait.ge [sflag:s13], $0x4000  }
0x83: {  	[sflag:s13] =	ssyncset.done $0x0  }
0x84: {  	[sflag:s13] =	ssyncadd.s32 $0xFFFFC000  }
0x85: {  	[spmem:s2] =	stream.indirect.scatter.add.f32 [tilespmem:s8], [sflag:$0x5], $0x80, s19, s3, $0xb8;
	[tilespmem:$0x1E800] =	vst v63  }
0x86: {  	_ =	swait.ge [sflag:s30], $0x4000  }
0x87: {  	[sflag:s30] =	ssyncset.done $0x0  }
0x88: {  	[sflag:s30] =	ssyncadd.s32 $0xFFFFC000  }
0x89: {  	[tilespmem:s8], [sflag:$0x2] =	stream.indirect.gather [hbm4b:s1+s3], $0x80, s17, s3, $0xb8;
	[tilespmem:$0x1E800] =	vst v63  }
0x8a: {  	_ =	swait.ge [sflag:s12], $0x4000  }
.Ltmp1:
0x8b: {  	[sflag:s12] =	ssyncset.done $0x0;
	(pc) =	sbr.rel @p0 .LBB2_2-.Ltmp1, $4  }
0x8c: {  	[sflag:s12] =	ssyncadd.s32 $0xFFFFC000  }
0x8d: {  	_ =	swait.ge [sflag:s13], $0x4000  }
0x8e: {  	[sflag:s13] =	ssyncset.done $0x0  }
0x8f: {  	s24 =	simm.s32 $0x28;
	p1 =	por $0x0, $0x0;
	[sflag:s13] =	ssyncadd.s32 $0xFFFFC000  }
0x90: {  	[bflag:$0x0] =	sbarrier.arrive $0xFFFF  }
0x91: {  	[tilespmem:s29], [sflag:$0x5] =	stream.linear.gather [spmem:s22], $0x4000, $0x38;
	[tilespmem:$0x1E800] =	vst v63  }
0x92: {  	_ =	swait.ge [sflag:s30], $0x4000  }
0x93: {  	[sflag:s30] =	ssyncset.done $0x0  }
0x94: {  	s7 =	rddreg [dreg:$0x5];
	[sflag:s30] =	ssyncadd.s32 $0xFFFFC000  }
0x95: {  	[hbm4b:s7+s4] =	stream.linear.scatter [tilespmem:s29], [sflag:$0x3], $0x4000, $0x38;
	[tilespmem:$0x1E800] =	vst v63  }
0x96: {  	_ = 	snop  }
0x97: {  	[tilespmem:s8], [sflag:$0x5] =	stream.linear.gather [spmem:s11], $0x4000, $0x38;
	[tilespmem:$0x1E800] =	vst v63  }
0x98: {  	_ =	swait.ge [sflag:s30], $0x4000  }
0x99: {  	[sflag:s30] =	ssyncset.done $0x0  }
0x9a: {  	s25 =	smov.u32 s11;
	s11 =	rddreg [dreg:$0x6];
	[sflag:s30] =	ssyncadd.s32 $0xFFFFC000  }
0x9b: {  	[hbm4b:s11+s4] =	stream.linear.scatter [tilespmem:s8], [sflag:$0x4], $0x4000, $0x38;
	[tilespmem:$0x1E800] =	vst v63  }
0x9c: {  	_ =	swait.ge [sflag:s31], $0x4000  }
0x9d: {  	[sflag:s31] =	ssyncset.done $0x0  }
0x9e: {  	s11 =	smov.u32 s9;
	[sflag:s31] =	ssyncadd.s32 $0xFFFFC000  }
0x9f: {  	[tilespmem:s29], [sflag:$0x5] =	stream.linear.gather [spmem:s11], $0x4000, $0x38;
	[tilespmem:$0x1E800] =	vst v63  }
0xa0: {  	_ =	swait.ge [sflag:s30], $0x4000  }
0xa1: {  	[sflag:s30] =	ssyncset.done $0x0  }
0xa2: {  	s9 =	smov.u32 s22;
	s22 =	rddreg [dreg:$0x7];
	[sflag:s30] =	ssyncadd.s32 $0xFFFFC000  }
0xa3: {  	[hbm4b:s22+s4] =	stream.linear.scatter [tilespmem:s29], [sflag:$0x3], $0x4000, $0x38;
	[tilespmem:$0x1E800] =	vst v63  }
0xa4: {  	_ =	swait.ge [sflag:s20], $0x4000  }
0xa5: {  	[sflag:s20] =	ssyncset.done $0x0  }
0xa6: {  	[sflag:s20] =	ssyncadd.s32 $0xFFFFC000  }
0xa7: {  	[tilespmem:s8], [sflag:$0x5] =	stream.linear.gather [spmem:s26], $0x4000, $0x38;
	[tilespmem:$0x1E800] =	vst v63  }
0xa8: {  	_ =	swait.ge [sflag:s30], $0x4000  }
0xa9: {  	[sflag:s30] =	ssyncset.done $0x0  }
0xaa: {  	s24 =	rddreg [dreg:$0x8];
	[sflag:s30] =	ssyncadd.s32 $0xFFFFC000  }
0xab: {  	[hbm4b:s24+s4] =	stream.linear.scatter [tilespmem:s8], [sflag:$0x4], $0x4000, $0x38;
	[tilespmem:$0x1E800] =	vst v63  }
0xac: {  	_ =	swait.ge [sflag:s31], $0x4000  }
0xad: {  	[sflag:s31] =	ssyncset.done $0x0  }
0xae: {  	[sflag:s31] =	ssyncadd.s32 $0xFFFFC000  }
0xaf: {  	[tilespmem:s29], [sflag:$0x5] =	stream.linear.gather [spmem:s10], $0x4000, $0x38;
	[tilespmem:$0x1E800] =	vst v63  }
0xb0: {  	_ =	swait.ge [sflag:s30], $0x4000  }
0xb1: {  	[sflag:s30] =	ssyncset.done $0x0  }
0xb2: {  	s24 =	rddreg [dreg:$0x9];
	[sflag:s30] =	ssyncadd.s32 $0xFFFFC000  }
0xb3: {  	[hbm4b:s24+s4] =	stream.linear.scatter [tilespmem:s29], [sflag:$0x3], $0x4000, $0x38;
	[tilespmem:$0x1E800] =	vst v63  }
0xb4: {  	_ =	swait.ge [sflag:s31], $0x4000  }
0xb5: {  	[sflag:s31] =	ssyncset.done $0x0  }
0xb6: {  	[sflag:s31] =	ssyncadd.s32 $0xFFFFC000  }
0xb7: {  	_ =	swait.ge [sflag:s20], $0x4000  }
0xb8: {  	[sflag:s20] =	ssyncset.done $0x0  }
0xb9: {  	s24 =	rddreg [dreg:$0x11];
	[sflag:s20] =	ssyncadd.s32 $0xFFFFC000  }
0xba: {  	[tilespmem:s29], [sflag:$0x5] =	stream.linear.gather [hbm4b:s24+s4], $0x4000, $0x38;
	[tilespmem:$0x1E800] =	vst v63  }
0xbb: {  	_ =	swait.ge [sflag:s30], $0x4000  }
0xbc: {  	[sflag:s30] =	ssyncset.done $0x0  }
0xbd: {  	[sflag:s30] =	ssyncadd.s32 $0xFFFFC000  }
0xbe: {  	[spmem:s9] =	stream.linear.scatter [tilespmem:s29], [sflag:$0x3], $0x4000, $0x38;
	[tilespmem:$0x1E800] =	vst v63  }
0xbf: {  	_ = 	snop  }
0xc0: {  	[spmem:s25] =	stream.linear.scatter [tilespmem:s29], [sflag:$0x3], $0x4000, $0x38;
	[tilespmem:$0x1E800] =	vst v63  }
0xc1: {  	_ = 	snop  }
0xc2: {  	[spmem:s11] =	stream.linear.scatter [tilespmem:s29], [sflag:$0x3], $0x4000, $0x38;
	[tilespmem:$0x1E800] =	vst v63  }
0xc3: {  	_ = 	snop  }
0xc4: {  	[spmem:s26] =	stream.linear.scatter [tilespmem:s29], [sflag:$0x3], $0x4000, $0x38;
	[tilespmem:$0x1E800] =	vst v63  }
0xc5: {  	_ = 	snop  }
0xc6: {  	[spmem:s10] =	stream.linear.scatter [tilespmem:s29], [sflag:$0x3], $0x4000, $0x38;
	[tilespmem:$0x1E800] =	vst v63  }
0xc7: {  	_ =	swait.ge [sflag:s31], $0x4000  }
0xc8: {  	[sflag:s31] =	ssyncset.done $0x0  }
0xc9: {  	[sflag:s31] =	ssyncadd.s32 $0xFFFFC000  }
0xca: {  	_ =	swait.ge [sflag:s31], $0x4000  }
0xcb: {  	[sflag:s31] =	ssyncset.done $0x0  }
0xcc: {  	[sflag:s31] =	ssyncadd.s32 $0xFFFFC000  }
0xcd: {  	_ =	swait.ge [sflag:s31], $0x4000  }
0xce: {  	[sflag:s31] =	ssyncset.done $0x0  }
0xcf: {  	[sflag:s31] =	ssyncadd.s32 $0xFFFFC000  }
0xd0: {  	_ =	swait.ge [sflag:s31], $0x4000  }
0xd1: {  	[sflag:s31] =	ssyncset.done $0x0  }
0xd2: {  	[sflag:s31] =	ssyncadd.s32 $0xFFFFC000  }
0xd3: {  	_ =	swait.ge [sflag:s31], $0x4000  }
0xd4: {  	[sflag:s31] =	ssyncset.done $0x0  }
0xd5: {  	s7 =	rddreg [dreg:$0x4];
	[sflag:s31] =	ssyncadd.s32 $0xFFFFC000  }
0xd6: {  	[tilespmem:s8], [sflag:$0x5] =	stream.linear.gather [hbm4b:s7+s4], $0x4000, $0x38;
	[tilespmem:$0x1E800] =	vst v63  }
0xd7: {  	_ =	swait.ge [sflag:s30], $0x4000  }
0xd8: {  	[sflag:s30] =	ssyncset.done $0x0  }
0xd9: {  	[sflag:s30] =	ssyncadd.s32 $0xFFFFC000  }
0xda: {  	[bflag:$0x0] =	sbarrier.arrive $0xFFFF  }
0xdb: {  	s7 =	rddreg [dreg:$0xf]  }
0xdc: {  	[tilespmem:s0], [sflag:$0x5] =	stream.linear.gather [hbm4b:s7+s4], $0x1400, $0x38;
	[tilespmem:$0x1E800] =	vst v63  }
0xdd: {  	_ =	swait.ge [sflag:s30], $0x1400  }
0xde: {  	[sflag:s30] =	ssyncset.done $0x0  }
0xdf: {  	[sflag:s30] =	ssyncadd.s32 $0xFFFFEC00  }
0xe0: {  	[spmem:s2] =	stream.indirect.scatter.add.f32 [tilespmem:s8], [sflag:$0x3], $0x80, s0, s3, $0xb8;
	[tilespmem:$0x1E800] =	vst v63  }
0xe1: {  	s7 =	simm.s32 $0x1480  }
0xe2: {  	[spmem:s2] =	stream.indirect.scatter.add.f32 [tilespmem:s8], [sflag:$0x3], $0x80, s7, s3, $0xb8;
	[tilespmem:$0x1E800] =	vst v63  }
0xe3: {  	s7 =	simm.s32 $0x1500  }
0xe4: {  	[spmem:s2] =	stream.indirect.scatter.add.f32 [tilespmem:s8], [sflag:$0x3], $0x80, s7, s3, $0xb8;
	[tilespmem:$0x1E800] =	vst v63  }
0xe5: {  	s7 =	simm.s32 $0x1580  }
0xe6: {  	[spmem:s2] =	stream.indirect.scatter.add.f32 [tilespmem:s8], [sflag:$0x3], $0x80, s7, s3, $0xb8;
	[tilespmem:$0x1E800] =	vst v63  }
0xe7: {  	s7 =	simm.s32 $0x1600  }
0xe8: {  	[spmem:s2] =	stream.indirect.scatter.add.f32 [tilespmem:s8], [sflag:$0x3], $0x80, s7, s3, $0xb8;
	[tilespmem:$0x1E800] =	vst v63  }
0xe9: {  	s7 =	simm.s32 $0x1680  }
0xea: {  	[spmem:s2] =	stream.indirect.scatter.add.f32 [tilespmem:s8], [sflag:$0x3], $0x80, s7, s3, $0xb8;
	[tilespmem:$0x1E800] =	vst v63  }
0xeb: {  	s7 =	simm.s32 $0x1700  }
0xec: {  	[spmem:s2] =	stream.indirect.scatter.add.f32 [tilespmem:s8], [sflag:$0x3], $0x80, s7, s3, $0xb8;
	[tilespmem:$0x1E800] =	vst v63  }
0xed: {  	s7 =	simm.s32 $0x1780  }
0xee: {  	[spmem:s2] =	stream.indirect.scatter.add.f32 [tilespmem:s8], [sflag:$0x3], $0x80, s7, s3, $0xb8;
	[tilespmem:$0x1E800] =	vst v63  }
0xef: {  	_ =	swait.ge [sflag:s31], $0x4000  }
0xf0: {  	[sflag:s31] =	ssyncset.done $0x0  }
0xf1: {  	[sflag:s31] =	ssyncadd.s32 $0xFFFFC000  }
0xf2: {  	_ =	swait.ge [sflag:s31], $0x4000  }
0xf3: {  	[sflag:s31] =	ssyncset.done $0x0  }
0xf4: {  	[sflag:s31] =	ssyncadd.s32 $0xFFFFC000  }
0xf5: {  	_ =	swait.ge [sflag:s31], $0x4000  }
0xf6: {  	[sflag:s31] =	ssyncset.done $0x0  }
0xf7: {  	[sflag:s31] =	ssyncadd.s32 $0xFFFFC000  }
0xf8: {  	_ =	swait.ge [sflag:s31], $0x4000  }
0xf9: {  	[sflag:s31] =	ssyncset.done $0x0  }
0xfa: {  	[sflag:s31] =	ssyncadd.s32 $0xFFFFC000  }
0xfb: {  	_ =	swait.ge [sflag:s31], $0x4000  }
0xfc: {  	[sflag:s31] =	ssyncset.done $0x0  }
0xfd: {  	[sflag:s31] =	ssyncadd.s32 $0xFFFFC000  }
0xfe: {  	_ =	swait.ge [sflag:s31], $0x4000  }
0xff: {  	[sflag:s31] =	ssyncset.done $0x0  }
0x100: {  	[sflag:s31] =	ssyncadd.s32 $0xFFFFC000  }
0x101: {  	_ =	swait.ge [sflag:s31], $0x4000  }
0x102: {  	[sflag:s31] =	ssyncset.done $0x0  }
0x103: {  	[sflag:s31] =	ssyncadd.s32 $0xFFFFC000  }
0x104: {  	_ =	swait.ge [sflag:s31], $0x4000  }
0x105: {  	[sflag:s31] =	ssyncset.done $0x0  }
0x106: {  	s7 =	simm.s32 $0x1800;
	[sflag:s31] =	ssyncadd.s32 $0xFFFFC000  }
0x107: {  	[spmem:s2] =	stream.indirect.scatter.add.f32 [tilespmem:s8], [sflag:$0x3], $0x80, s7, s3, $0xb8;
	[tilespmem:$0x1E800] =	vst v63  }
0x108: {  	s7 =	simm.s32 $0x1880  }
0x109: {  	[spmem:s2] =	stream.indirect.scatter.add.f32 [tilespmem:s8], [sflag:$0x3], $0x80, s7, s3, $0xb8;
	[tilespmem:$0x1E800] =	vst v63  }
0x10a: {  	s7 =	simm.s32 $0x1900  }
0x10b: {  	[spmem:s2] =	stream.indirect.scatter.add.f32 [tilespmem:s8], [sflag:$0x3], $0x80, s7, s3, $0xb8;
	[tilespmem:$0x1E800] =	vst v63  }
0x10c: {  	s7 =	simm.s32 $0x1980  }
0x10d: {  	[spmem:s2] =	stream.indirect.scatter.add.f32 [tilespmem:s8], [sflag:$0x3], $0x80, s7, s3, $0xb8;
	[tilespmem:$0x1E800] =	vst v63  }
0x10e: {  	s7 =	simm.s32 $0x1A00  }
0x10f: {  	[spmem:s2] =	stream.indirect.scatter.add.f32 [tilespmem:s8], [sflag:$0x3], $0x80, s7, s3, $0xb8;
	[tilespmem:$0x1E800] =	vst v63  }
0x110: {  	s7 =	simm.s32 $0x1A80  }
0x111: {  	[spmem:s2] =	stream.indirect.scatter.add.f32 [tilespmem:s8], [sflag:$0x3], $0x80, s7, s3, $0xb8;
	[tilespmem:$0x1E800] =	vst v63  }
0x112: {  	s7 =	simm.s32 $0x1B00  }
0x113: {  	[spmem:s2] =	stream.indirect.scatter.add.f32 [tilespmem:s8], [sflag:$0x3], $0x80, s7, s3, $0xb8;
	[tilespmem:$0x1E800] =	vst v63  }
0x114: {  	s7 =	simm.s32 $0x1B80  }
0x115: {  	[spmem:s2] =	stream.indirect.scatter.add.f32 [tilespmem:s8], [sflag:$0x3], $0x80, s7, s3, $0xb8;
	[tilespmem:$0x1E800] =	vst v63  }
0x116: {  	_ =	swait.ge [sflag:s31], $0x4000  }
0x117: {  	[sflag:s31] =	ssyncset.done $0x0  }
0x118: {  	[sflag:s31] =	ssyncadd.s32 $0xFFFFC000  }
0x119: {  	_ =	swait.ge [sflag:s31], $0x4000  }
0x11a: {  	[sflag:s31] =	ssyncset.done $0x0  }
0x11b: {  	[sflag:s31] =	ssyncadd.s32 $0xFFFFC000  }
0x11c: {  	_ =	swait.ge [sflag:s31], $0x4000  }
0x11d: {  	[sflag:s31] =	ssyncset.done $0x0  }
0x11e: {  	[sflag:s31] =	ssyncadd.s32 $0xFFFFC000  }
0x11f: {  	_ =	swait.ge [sflag:s31], $0x4000  }
0x120: {  	[sflag:s31] =	ssyncset.done $0x0  }
0x121: {  	[sflag:s31] =	ssyncadd.s32 $0xFFFFC000  }
0x122: {  	_ =	swait.ge [sflag:s31], $0x4000  }
0x123: {  	[sflag:s31] =	ssyncset.done $0x0  }
0x124: {  	[sflag:s31] =	ssyncadd.s32 $0xFFFFC000  }
0x125: {  	_ =	swait.ge [sflag:s31], $0x4000  }
0x126: {  	[sflag:s31] =	ssyncset.done $0x0  }
0x127: {  	[sflag:s31] =	ssyncadd.s32 $0xFFFFC000  }
0x128: {  	_ =	swait.ge [sflag:s31], $0x4000  }
0x129: {  	[sflag:s31] =	ssyncset.done $0x0  }
0x12a: {  	[sflag:s31] =	ssyncadd.s32 $0xFFFFC000  }
0x12b: {  	_ =	swait.ge [sflag:s31], $0x4000  }
0x12c: {  	[sflag:s31] =	ssyncset.done $0x0  }
0x12d: {  	s7 =	simm.s32 $0x1C00;
	[sflag:s31] =	ssyncadd.s32 $0xFFFFC000  }
0x12e: {  	[spmem:s2] =	stream.indirect.scatter.add.f32 [tilespmem:s8], [sflag:$0x3], $0x80, s7, s3, $0xb8;
	[tilespmem:$0x1E800] =	vst v63  }
0x12f: {  	s7 =	simm.s32 $0x1C80  }
0x130: {  	[spmem:s2] =	stream.indirect.scatter.add.f32 [tilespmem:s8], [sflag:$0x3], $0x80, s7, s3, $0xb8;
	[tilespmem:$0x1E800] =	vst v63  }
0x131: {  	s7 =	simm.s32 $0x1D00  }
0x132: {  	[spmem:s2] =	stream.indirect.scatter.add.f32 [tilespmem:s8], [sflag:$0x3], $0x80, s7, s3, $0xb8;
	[tilespmem:$0x1E800] =	vst v63  }
0x133: {  	s7 =	simm.s32 $0x1D80  }
0x134: {  	[spmem:s2] =	stream.indirect.scatter.add.f32 [tilespmem:s8], [sflag:$0x3], $0x80, s7, s3, $0xb8;
	[tilespmem:$0x1E800] =	vst v63  }
0x135: {  	s7 =	simm.s32 $0x1E00  }
0x136: {  	[spmem:s2] =	stream.indirect.scatter.add.f32 [tilespmem:s8], [sflag:$0x3], $0x80, s7, s3, $0xb8;
	[tilespmem:$0x1E800] =	vst v63  }
0x137: {  	s7 =	simm.s32 $0x1E80  }
0x138: {  	[spmem:s2] =	stream.indirect.scatter.add.f32 [tilespmem:s8], [sflag:$0x3], $0x80, s7, s3, $0xb8;
	[tilespmem:$0x1E800] =	vst v63  }
0x139: {  	s7 =	simm.s32 $0x1F00  }
0x13a: {  	[spmem:s2] =	stream.indirect.scatter.add.f32 [tilespmem:s8], [sflag:$0x3], $0x80, s7, s3, $0xb8;
	[tilespmem:$0x1E800] =	vst v63  }
0x13b: {  	s7 =	simm.s32 $0x1F80  }
0x13c: {  	[spmem:s2] =	stream.indirect.scatter.add.f32 [tilespmem:s8], [sflag:$0x3], $0x80, s7, s3, $0xb8;
	[tilespmem:$0x1E800] =	vst v63  }
0x13d: {  	_ =	swait.ge [sflag:s31], $0x4000  }
0x13e: {  	[sflag:s31] =	ssyncset.done $0x0  }
0x13f: {  	[sflag:s31] =	ssyncadd.s32 $0xFFFFC000  }
0x140: {  	_ =	swait.ge [sflag:s31], $0x4000  }
0x141: {  	[sflag:s31] =	ssyncset.done $0x0  }
0x142: {  	[sflag:s31] =	ssyncadd.s32 $0xFFFFC000  }
0x143: {  	_ =	swait.ge [sflag:s31], $0x4000  }
0x144: {  	[sflag:s31] =	ssyncset.done $0x0  }
0x145: {  	[sflag:s31] =	ssyncadd.s32 $0xFFFFC000  }
0x146: {  	_ =	swait.ge [sflag:s31], $0x4000  }
0x147: {  	[sflag:s31] =	ssyncset.done $0x0  }
0x148: {  	[sflag:s31] =	ssyncadd.s32 $0xFFFFC000  }
0x149: {  	_ =	swait.ge [sflag:s31], $0x4000  }
0x14a: {  	[sflag:s31] =	ssyncset.done $0x0  }
0x14b: {  	[sflag:s31] =	ssyncadd.s32 $0xFFFFC000  }
0x14c: {  	_ =	swait.ge [sflag:s31], $0x4000  }
0x14d: {  	[sflag:s31] =	ssyncset.done $0x0  }
0x14e: {  	[sflag:s31] =	ssyncadd.s32 $0xFFFFC000  }
0x14f: {  	_ =	swait.ge [sflag:s31], $0x4000  }
0x150: {  	[sflag:s31] =	ssyncset.done $0x0  }
0x151: {  	[sflag:s31] =	ssyncadd.s32 $0xFFFFC000  }
0x152: {  	_ =	swait.ge [sflag:s31], $0x4000  }
0x153: {  	[sflag:s31] =	ssyncset.done $0x0  }
0x154: {  	s7 =	simm.s32 $0x2000;
	[sflag:s31] =	ssyncadd.s32 $0xFFFFC000  }
0x155: {  	[spmem:s2] =	stream.indirect.scatter.add.f32 [tilespmem:s8], [sflag:$0x3], $0x80, s7, s3, $0xb8;
	[tilespmem:$0x1E800] =	vst v63  }
0x156: {  	s7 =	simm.s32 $0x2080  }
0x157: {  	[spmem:s2] =	stream.indirect.scatter.add.f32 [tilespmem:s8], [sflag:$0x3], $0x80, s7, s3, $0xb8;
	[tilespmem:$0x1E800] =	vst v63  }
0x158: {  	s7 =	simm.s32 $0x2100  }
0x159: {  	[spmem:s2] =	stream.indirect.scatter.add.f32 [tilespmem:s8], [sflag:$0x3], $0x80, s7, s3, $0xb8;
	[tilespmem:$0x1E800] =	vst v63  }
0x15a: {  	s7 =	simm.s32 $0x2180  }
0x15b: {  	[spmem:s2] =	stream.indirect.scatter.add.f32 [tilespmem:s8], [sflag:$0x3], $0x80, s7, s3, $0xb8;
	[tilespmem:$0x1E800] =	vst v63  }
0x15c: {  	s7 =	simm.s32 $0x2200  }
0x15d: {  	[spmem:s2] =	stream.indirect.scatter.add.f32 [tilespmem:s8], [sflag:$0x3], $0x80, s7, s3, $0xb8;
	[tilespmem:$0x1E800] =	vst v63  }
0x15e: {  	s7 =	simm.s32 $0x2280  }
0x15f: {  	[spmem:s2] =	stream.indirect.scatter.add.f32 [tilespmem:s8], [sflag:$0x3], $0x80, s7, s3, $0xb8;
	[tilespmem:$0x1E800] =	vst v63  }
0x160: {  	s7 =	simm.s32 $0x2300  }
0x161: {  	[spmem:s2] =	stream.indirect.scatter.add.f32 [tilespmem:s8], [sflag:$0x3], $0x80, s7, s3, $0xb8;
	[tilespmem:$0x1E800] =	vst v63  }
0x162: {  	s7 =	simm.s32 $0x2380  }
0x163: {  	[spmem:s2] =	stream.indirect.scatter.add.f32 [tilespmem:s8], [sflag:$0x3], $0x80, s7, s3, $0xb8;
	[tilespmem:$0x1E800] =	vst v63  }
0x164: {  	_ =	swait.ge [sflag:s31], $0x4000  }
0x165: {  	[sflag:s31] =	ssyncset.done $0x0  }
0x166: {  	[sflag:s31] =	ssyncadd.s32 $0xFFFFC000  }
0x167: {  	_ =	swait.ge [sflag:s31], $0x4000  }
0x168: {  	[sflag:s31] =	ssyncset.done $0x0  }
0x169: {  	[sflag:s31] =	ssyncadd.s32 $0xFFFFC000  }
0x16a: {  	_ =	swait.ge [sflag:s31], $0x4000  }
0x16b: {  	[sflag:s31] =	ssyncset.done $0x0  }
0x16c: {  	[sflag:s31] =	ssyncadd.s32 $0xFFFFC000  }
0x16d: {  	_ =	swait.ge [sflag:s31], $0x4000  }
0x16e: {  	[sflag:s31] =	ssyncset.done $0x0  }
0x16f: {  	[sflag:s31] =	ssyncadd.s32 $0xFFFFC000  }
0x170: {  	_ =	swait.ge [sflag:s31], $0x4000  }
0x171: {  	[sflag:s31] =	ssyncset.done $0x0  }
0x172: {  	[sflag:s31] =	ssyncadd.s32 $0xFFFFC000  }
0x173: {  	_ =	swait.ge [sflag:s31], $0x4000  }
0x174: {  	[sflag:s31] =	ssyncset.done $0x0  }
0x175: {  	[sflag:s31] =	ssyncadd.s32 $0xFFFFC000  }
0x176: {  	_ =	swait.ge [sflag:s31], $0x4000  }
0x177: {  	[sflag:s31] =	ssyncset.done $0x0  }
0x178: {  	[sflag:s31] =	ssyncadd.s32 $0xFFFFC000  }
0x179: {  	_ =	swait.ge [sflag:s31], $0x4000  }
0x17a: {  	[sflag:s31] =	ssyncset.done $0x0  }
0x17b: {  	s7 =	simm.s32 $0x2400;
	[sflag:s31] =	ssyncadd.s32 $0xFFFFC000  }
0x17c: {  	[spmem:s2] =	stream.indirect.scatter.add.f32 [tilespmem:s8], [sflag:$0x3], $0x80, s7, s3, $0xb8;
	[tilespmem:$0x1E800] =	vst v63  }
0x17d: {  	s7 =	simm.s32 $0x2480  }
0x17e: {  	[spmem:s2] =	stream.indirect.scatter.add.f32 [tilespmem:s8], [sflag:$0x3], $0x80, s7, s3, $0xb8;
	[tilespmem:$0x1E800] =	vst v63  }
0x17f: {  	s7 =	simm.s32 $0x2500  }
0x180: {  	[spmem:s2] =	stream.indirect.scatter.add.f32 [tilespmem:s8], [sflag:$0x3], $0x80, s7, s3, $0xb8;
	[tilespmem:$0x1E800] =	vst v63  }
0x181: {  	s7 =	simm.s32 $0x2580  }
0x182: {  	[spmem:s2] =	stream.indirect.scatter.add.f32 [tilespmem:s8], [sflag:$0x3], $0x80, s7, s3, $0xb8;
	[tilespmem:$0x1E800] =	vst v63  }
0x183: {  	_ = 	snop  }
0x184: {  	[spmem:s2] =	stream.indirect.scatter.add.f32 [tilespmem:s8], [sflag:$0x3], $0x80, s14, s3, $0xb8;
	[tilespmem:$0x1E800] =	vst v63  }
0x185: {  	_ = 	snop  }
0x186: {  	[spmem:s2] =	stream.indirect.scatter.add.f32 [tilespmem:s8], [sflag:$0x3], $0x80, s16, s3, $0xb8;
	[tilespmem:$0x1E800] =	vst v63  }
0x187: {  	_ = 	snop  }
0x188: {  	[spmem:s2] =	stream.indirect.scatter.add.f32 [tilespmem:s8], [sflag:$0x3], $0x80, s18, s3, $0xb8;
	[tilespmem:$0x1E800] =	vst v63  }
0x189: {  	_ = 	snop  }
0x18a: {  	[spmem:s2] =	stream.indirect.scatter.add.f32 [tilespmem:s8], [sflag:$0x3], $0x80, s19, s3, $0xb8;
	[tilespmem:$0x1E800] =	vst v63  }
0x18b: {  	_ =	swait.ge [sflag:s31], $0x4000  }
0x18c: {  	[sflag:s31] =	ssyncset.done $0x0  }
0x18d: {  	[sflag:s31] =	ssyncadd.s32 $0xFFFFC000  }
0x18e: {  	_ =	swait.ge [sflag:s31], $0x4000  }
0x18f: {  	[sflag:s31] =	ssyncset.done $0x0  }
0x190: {  	[sflag:s31] =	ssyncadd.s32 $0xFFFFC000  }
0x191: {  	_ =	swait.ge [sflag:s31], $0x4000  }
0x192: {  	[sflag:s31] =	ssyncset.done $0x0  }
0x193: {  	[sflag:s31] =	ssyncadd.s32 $0xFFFFC000  }
0x194: {  	_ =	swait.ge [sflag:s31], $0x4000  }
0x195: {  	[sflag:s31] =	ssyncset.done $0x0  }
0x196: {  	[sflag:s31] =	ssyncadd.s32 $0xFFFFC000  }
0x197: {  	_ =	swait.ge [sflag:s31], $0x4000  }
0x198: {  	[sflag:s31] =	ssyncset.done $0x0  }
0x199: {  	[sflag:s31] =	ssyncadd.s32 $0xFFFFC000  }
0x19a: {  	_ =	swait.ge [sflag:s31], $0x4000  }
0x19b: {  	[sflag:s31] =	ssyncset.done $0x0  }
0x19c: {  	[sflag:s31] =	ssyncadd.s32 $0xFFFFC000  }
0x19d: {  	_ =	swait.ge [sflag:s31], $0x4000  }
0x19e: {  	[sflag:s31] =	ssyncset.done $0x0  }
0x19f: {  	[sflag:s31] =	ssyncadd.s32 $0xFFFFC000  }
0x1a0: {  	_ =	swait.ge [sflag:s31], $0x4000  }
0x1a1: {  	[sflag:s31] =	ssyncset.done $0x0  }
0x1a2: {  	[sflag:s31] =	ssyncadd.s32 $0xFFFFC000  }
0x1a3: {  	[bflag:$0x0] =	sbarrier.arrive $0xFFFF  }
0x1a4: {  	[tilespmem:s29], [sflag:$0x5] =	stream.linear.gather [spmem:s9], $0x4000, $0x38;
	[tilespmem:$0x1E800] =	vst v63  }
0x1a5: {  	_ =	swait.ge [sflag:s30], $0x4000  }
0x1a6: {  	[sflag:s30] =	ssyncset.done $0x0  }
0x1a7: {  	s7 =	rddreg [dreg:$0xa];
	[sflag:s30] =	ssyncadd.s32 $0xFFFFC000  }
0x1a8: {  	[hbm4b:s7+s4] =	stream.linear.scatter [tilespmem:s29], [sflag:$0x3], $0x4000, $0x38;
	[tilespmem:$0x1E800] =	vst v63  }
0x1a9: {  	_ = 	snop  }
0x1aa: {  	[tilespmem:s8], [sflag:$0x5] =	stream.linear.gather [spmem:s25], $0x4000, $0x38;
	[tilespmem:$0x1E800] =	vst v63  }
0x1ab: {  	_ =	swait.ge [sflag:s30], $0x4000  }
0x1ac: {  	[sflag:s30] =	ssyncset.done $0x0  }
0x1ad: {  	s7 =	rddreg [dreg:$0xb];
	[sflag:s30] =	ssyncadd.s32 $0xFFFFC000  }
0x1ae: {  	[hbm4b:s7+s4] =	stream.linear.scatter [tilespmem:s8], [sflag:$0x4], $0x4000, $0x38;
	[tilespmem:$0x1E800] =	vst v63  }
0x1af: {  	_ =	swait.ge [sflag:s31], $0x4000  }
0x1b0: {  	[sflag:s31] =	ssyncset.done $0x0  }
0x1b1: {  	[sflag:s31] =	ssyncadd.s32 $0xFFFFC000  }
0x1b2: {  	[tilespmem:s29], [sflag:$0x5] =	stream.linear.gather [spmem:s11], $0x4000, $0x38;
	[tilespmem:$0x1E800] =	vst v63  }
0x1b3: {  	_ =	swait.ge [sflag:s30], $0x4000  }
0x1b4: {  	[sflag:s30] =	ssyncset.done $0x0  }
0x1b5: {  	s7 =	rddreg [dreg:$0xc];
	[sflag:s30] =	ssyncadd.s32 $0xFFFFC000  }
0x1b6: {  	[hbm4b:s7+s4] =	stream.linear.scatter [tilespmem:s29], [sflag:$0x3], $0x4000, $0x38;
	[tilespmem:$0x1E800] =	vst v63  }
0x1b7: {  	_ =	swait.ge [sflag:s20], $0x4000  }
0x1b8: {  	[sflag:s20] =	ssyncset.done $0x0  }
0x1b9: {  	[sflag:s20] =	ssyncadd.s32 $0xFFFFC000  }
0x1ba: {  	[tilespmem:s8], [sflag:$0x5] =	stream.linear.gather [spmem:s26], $0x4000, $0x38;
	[tilespmem:$0x1E800] =	vst v63  }
0x1bb: {  	_ =	swait.ge [sflag:s30], $0x4000  }
0x1bc: {  	[sflag:s30] =	ssyncset.done $0x0  }
0x1bd: {  	s22 =	smov.u32 s26;
	s26 =	rddreg [dreg:$0xd];
	[sflag:s30] =	ssyncadd.s32 $0xFFFFC000  }
0x1be: {  	[hbm4b:s26+s4] =	stream.linear.scatter [tilespmem:s8], [sflag:$0x4], $0x4000, $0x38;
	[tilespmem:$0x1E800] =	vst v63  }
0x1bf: {  	_ =	swait.ge [sflag:s31], $0x4000  }
0x1c0: {  	[sflag:s31] =	ssyncset.done $0x0  }
0x1c1: {  	[sflag:s31] =	ssyncadd.s32 $0xFFFFC000  }
0x1c2: {  	[tilespmem:s29], [sflag:$0x5] =	stream.linear.gather [spmem:s10], $0x4000, $0x38;
	[tilespmem:$0x1E800] =	vst v63  }
0x1c3: {  	_ =	swait.ge [sflag:s30], $0x4000  }
0x1c4: {  	[sflag:s30] =	ssyncset.done $0x0  }
0x1c5: {  	s26 =	rddreg [dreg:$0xe];
	[sflag:s30] =	ssyncadd.s32 $0xFFFFC000  }
0x1c6: {  	[hbm4b:s26+s4] =	stream.linear.scatter [tilespmem:s29], [sflag:$0x3], $0x4000, $0x38;
	[tilespmem:$0x1E800] =	vst v63  }
0x1c7: {  	_ =	swait.ge [sflag:s31], $0x4000  }
0x1c8: {  	[sflag:s31] =	ssyncset.done $0x0  }
0x1c9: {  	[sflag:s31] =	ssyncadd.s32 $0xFFFFC000  }
0x1ca: {  	_ =	swait.ge [sflag:s20], $0x4000  }
0x1cb: {  	s21 =	sadd.s32 $0x1, s21;
	s26 =	rddreg [dreg:$0x10]  }
0x1cc: {  	p0 =	sne.s32 s21, s26  }
.Ltmp2:
0x1cd: {  	_ = 	snop;
	(pc) =	sbr.rel @p0 .LBB2_1-.Ltmp2, $3  }
0x1ce: {  	_ =	sdelay $0x1  }
0x1cf: {  	[sflag:s20] =	ssyncset.done $0x0  }
0x1d0: {  	[sflag:s20] =	ssyncadd.s32 $0xFFFFC000  }
0x1d1: {  	_ =	sfence.sel $0x180000  }
0x1d2: {  	[bflag:$0x0] =	sbarrier.arrive $0xFFFF  }
0x1d3: {  	_ =	strace $0x90000047  }
0x1d4: {  	s0 =	stileid.u32;
	[bflag:$0x2] =	sbarrier.arrive $0xFFFF  }
0x1d5: {  	p0 =	sne.s32 s0, $0x0;
	s0 =	rddreg [dreg:$0x3]  }
0x1d6: {  	s0 =	sadd.s32 @!p0 $0x100000, s0  }
0x1d7: {  	[sflag:s0] =	ssyncadd.tile.s32 @!p0 $0x1;
	_ =	shalt  }
.Lfunc_end2:
_tile_overlayer_lowered:
.L_overlay_start_2:
0x1d8: {  	(tag) =	ssettag $0x2  }
0x1d9: {  	s0 =	rddreg [dreg:$0x0];
	s2 =	stileid.u32  }
0x1da: {  	s1 =	rddreg [dreg:$0x1];
	p0 =	sne.s32 s2, $0x0  }
0x1db: {  	s3 =	rddreg [dreg:$0x2];
	[bflag:$0x3] =	sbarrier.arrive $0xFFFF;
	s2 =	simm.s32 @!p0 $0x1C05  }
0x1dc: {  	[timem:s3], [sflag:s2] =	dma.local @!p0 [hbm:s0], s1  }
0x1dd: {  	s0 =	simm.s32 @!p0 $0x5  }
0x1de: {  	_ =	swait.ge @!p0 [sflag:s0], s1  }
0x1df: {  	s1 =	ssub.s32 @!p0 $0x0, s1;
	[sflag:s0] =	ssyncset.done @!p0 $0x0  }
0x1e0: {  	[sflag:s0] =	ssyncadd.s32 @!p0 s1  }
0x1e1: {  	[bflag:$0x3] =	sbarrier.arrive $0xFFFF  }
0x1e2: {  	_ =	shalt  }

</sc_bundles>
